<compile_context>
chip_gen: v7x
topology: tpu7x:2x2x1
jax: 0.10.2.dev20260603
libtpu: 0.0.44.dev20260713+nightly
codegen_flags: <defaults>
</compile_context>

<pallas_src>
import functools

import jax
import jax.numpy as jnp
from jax import lax
from jax.experimental import pallas as pl
from jax.experimental.pallas import tpu as pltpu
from jax.experimental.pallas import tpu_sc as plsc

_P = 256
_T = 8192
_E = 262144
_NW = 32
_CH = 8192
_NCH = _E // _CH
_SLAB = (_P * _T) // _NW


_UNROLL = 16


def _count_body(t2p_src, t2p_dst, p2t_src, p2t_dst, cpt_out, ctp_out,
                srcb, dstb, sems):
  wid = lax.axis_index("s") * 2 + lax.axis_index("c")
  ones = jnp.ones((16,), jnp.float32)
  zeros16 = jnp.zeros((16,), jnp.float32)

  def prime(src_h, dst_h):
    for b in (0, 1):
      pltpu.async_copy(src_h.at[pl.ds(b * _CH, _CH)], srcb.at[b],
                       sems.at[b, 0])
      pltpu.async_copy(dst_h.at[pl.ds(b * _CH, _CH)], dstb.at[b],
                       sems.at[b, 1])

  def relation(src_h, dst_h, out_h, rows, width, slab, nxt=None):
    lo = wid * rows
    lo_w = lo * width

    def start(c, b):
      pltpu.async_copy(src_h.at[pl.ds(c * _CH, _CH)], srcb.at[b], sems.at[b, 0])
      pltpu.async_copy(dst_h.at[pl.ds(c * _CH, _CH)], dstb.at[b], sems.at[b, 1])

    def wait(b):
      pltpu.make_async_copy(src_h.at[pl.ds(0, _CH)], srcb.at[b],
                            sems.at[b, 0]).wait()
      pltpu.make_async_copy(dst_h.at[pl.ds(0, _CH)], dstb.at[b],
                            sems.at[b, 1]).wait()

    def zero_body(i, _):
      slab[pl.ds(i * 16, 16)] = zeros16
      return 0

    lax.fori_loop(0, _SLAB // 16, zero_body, 0)

    def chunk_body(c2, _):
      for b in (0, 1):
        c = c2 * 2 + b
        wait(b)

        def group_body(i, _):
          work = []
          for u in range(_UNROLL):
            off = (i * _UNROLL + u) * 16
            s = srcb[b, pl.ds(off, 16)]
            d = dstb[b, pl.ds(off, 16)]
            m = (d >= lo) & (d < lo + rows)
            flat = jnp.where(m, d * width + s - lo_w, 0)
            work.append((flat, m))
          for flat, m in work:
            plsc.addupdate_scatter(slab, [flat], ones, mask=m)
          return 0

        lax.fori_loop(0, _CH // (16 * _UNROLL), group_body, 0)

        @pl.when(c + 2 < _NCH)
        def _():
          start(c + 2, b)
      return 0

    lax.fori_loop(0, _NCH // 2, chunk_body, 0)
    if nxt is not None:
      prime(*nxt)
    pltpu.sync_copy(slab, out_h.at[pl.ds(wid * _SLAB, _SLAB)])

  prime(t2p_src, t2p_dst)
  pl.run_scoped(
      lambda slab: relation(t2p_src, t2p_dst, cpt_out, _P // _NW, _T, slab,
                            nxt=(p2t_src, p2t_dst)),
      pltpu.VMEM((_SLAB,), jnp.float32))
  pl.run_scoped(
      lambda slab: relation(p2t_src, p2t_dst, ctp_out, _T // _NW, _P, slab),
      pltpu.VMEM((_SLAB,), jnp.float32))


_count_kernel = functools.partial(
    pl.kernel,
    out_type=(jax.ShapeDtypeStruct((_P * _T,), jnp.float32),
              jax.ShapeDtypeStruct((_T * _P,), jnp.float32)),
    mesh=plsc.VectorSubcoreMesh(core_axis_name="c", subcore_axis_name="s"),
    scratch_types=[
        pltpu.VMEM((2, _CH), jnp.int32),
        pltpu.VMEM((2, _CH), jnp.int32),
        pltpu.SemaphoreType.DMA((2, 2)),
    ],
    compiler_params=pltpu.CompilerParams(needs_layout_passes=False,
                                         use_tc_tiling_on_sc=False),
)(_count_body)


def _dense_body(xp_ref, xt_ref, cpt_ref, ctp_ref,
                ws1p_ref, wn1p_ref, b1p_ref, ws1t_ref, wn1t_ref, b1t_ref,
                ws2p_ref, wn2p_ref, b2p_ref, ws2t_ref, wn2t_ref, b2t_ref,
                out_ref):
  f32 = jnp.float32
  cpt = cpt_ref[...]
  ctp = ctp_ref[...]
  xp = xp_ref[...]
  xt = xt_ref[...]

  inv_deg_p = 1.0 / jnp.maximum(jnp.sum(cpt, axis=1, keepdims=True), 1.0)
  inv_deg_t = 1.0 / jnp.maximum(jnp.sum(ctp, axis=1, keepdims=True), 1.0)

  m_p = jnp.dot(cpt, xt, preferred_element_type=f32) * inv_deg_p
  h_p = jnp.dot(xp, ws1p_ref[...], preferred_element_type=f32)
  h_p += jnp.dot(m_p, wn1p_ref[...], preferred_element_type=f32)
  h_p = jnp.maximum(h_p + b1p_ref[...], 0.0)

  m_t = jnp.dot(ctp, xp, preferred_element_type=f32) * inv_deg_t
  h_t = jnp.dot(xt, ws1t_ref[...], preferred_element_type=f32)
  h_t += jnp.dot(m_t, wn1t_ref[...], preferred_element_type=f32)
  h_t = jnp.maximum(h_t + b1t_ref[...], 0.0)

  m_p2 = jnp.dot(cpt, h_t, preferred_element_type=f32) * inv_deg_p
  o_p = jnp.dot(h_p, ws2p_ref[...], preferred_element_type=f32)
  o_p += jnp.dot(m_p2, wn2p_ref[...], preferred_element_type=f32)
  o_p += b2p_ref[...]

  m_t2 = jnp.dot(ctp, h_p, preferred_element_type=f32) * inv_deg_t
  o_t = jnp.dot(h_t, ws2t_ref[...], preferred_element_type=f32)
  o_t += jnp.dot(m_t2, wn2t_ref[...], preferred_element_type=f32)
  o_t += b2t_ref[...]

  score = lax.dot_general(o_p, o_t, (((1,), (1,)), ((), ())),
                          preferred_element_type=f32)
  smax = jnp.max(score, axis=1, keepdims=True)
  e = jnp.exp(score - smax)
  out_ref[...] = e / jnp.sum(e, axis=1, keepdims=True)


def kernel(x_proc, x_task, t2p_src, t2p_dst, p2t_src, p2t_dst, pred_eid,
           W_self1_p, W_neigh1_p, b1_p, W_self1_t, W_neigh1_t, b1_t,
           W_self2_p, W_neigh2_p, b2_p, W_self2_t, W_neigh2_t, b2_t):
  del pred_eid
  cpt_flat, ctp_flat = _count_kernel(t2p_src, t2p_dst, p2t_src, p2t_dst)
  cpt = cpt_flat.reshape(_P, _T)
  ctp = ctp_flat.reshape(_T, _P)

  out = pl.pallas_call(
      _dense_body,
      out_shape=jax.ShapeDtypeStruct((_P, _T), jnp.float32),
      compiler_params=pltpu.CompilerParams(
          vmem_limit_bytes=120 * 1024 * 1024),
  )(x_proc, x_task, cpt, ctp,
    W_self1_p, W_neigh1_p, b1_p.reshape(1, -1),
    W_self1_t, W_neigh1_t, b1_t.reshape(1, -1),
    W_self2_p, W_neigh2_p, b2_p.reshape(1, -1),
    W_self2_t, W_neigh2_t, b2_t.reshape(1, -1))
  return out

# --- scband reference (transcript-rebuilt; emitter-appended) ---
"""Pipeline reference for scband-task-gcn-dot-987842478629 (READ-ONLY COPY).

The authoritative reference and input builder live on the scoring server;
editing this copy changes nothing except your own understanding.
"""

import jax, jax.numpy as jnp
import numpy as np

P = 256      # num 'processor' nodes
T = 8192     # num 'ready_task' nodes
E = 262144   # edges per message-passing relation
D_IN, D_HID, D_OUT = 128, 64, 16


def setup_inputs(seed: int = 0) -> dict:
    key = jax.random.key(seed)
    ks = jax.random.split(key, 20)
    inp = {}
    inp["x_proc"] = jax.random.normal(ks[0], (P, D_IN), dtype=jnp.float32)
    inp["x_task"] = jax.random.normal(ks[1], (T, D_IN), dtype=jnp.float32)
    # relation task_to_proc: src in [0,T), dst in [0,P)
    inp["t2p_src"] = jax.random.randint(ks[2], (E,), 0, T, dtype=jnp.int32)
    inp["t2p_dst"] = jax.random.randint(ks[3], (E,), 0, P, dtype=jnp.int32)
    # relation proc_to_task: src in [0,P), dst in [0,T)
    inp["p2t_src"] = jax.random.randint(ks[4], (E,), 0, P, dtype=jnp.int32)
    inp["p2t_dst"] = jax.random.randint(ks[5], (E,), 0, T, dtype=jnp.int32)
    # prediction etype: full bipartite processor->ready_task grid, edge id -> (src,dst)
    inp["pred_eid"] = jnp.arange(P * T, dtype=jnp.int32)
    # SAGEConv params, layer 1 (per relation / per dst node type), DGL 'mean' aggregator
    s = 0.05
    inp["W_self1_p"] = jax.random.normal(ks[6], (D_IN, D_HID), dtype=jnp.float32) * s
    inp["W_neigh1_p"] = jax.random.normal(ks[7], (D_IN, D_HID), dtype=jnp.float32) * s
    inp["b1_p"] = jnp.zeros((D_HID,), dtype=jnp.float32)
    inp["W_self1_t"] = jax.random.normal(ks[8], (D_IN, D_HID), dtype=jnp.float32) * s
    inp["W_neigh1_t"] = jax.random.normal(ks[9], (D_IN, D_HID), dtype=jnp.float32) * s
    inp["b1_t"] = jnp.zeros((D_HID,), dtype=jnp.float32)
    # layer 2
    inp["W_self2_p"] = jax.random.normal(ks[10], (D_HID, D_OUT), dtype=jnp.float32) * s
    inp["W_neigh2_p"] = jax.random.normal(ks[11], (D_HID, D_OUT), dtype=jnp.float32) * s
    inp["b2_p"] = jnp.zeros((D_OUT,), dtype=jnp.float32)
    inp["W_self2_t"] = jax.random.normal(ks[12], (D_HID, D_OUT), dtype=jnp.float32) * s
    inp["W_neigh2_t"] = jax.random.normal(ks[13], (D_HID, D_OUT), dtype=jnp.float32) * s
    inp["b2_t"] = jnp.zeros((D_OUT,), dtype=jnp.float32)
    return inp


def _mean_agg(h_src, src, dst, n_dst):
    # gather messages from src nodes, scatter-add to dst, divide by in-degree (DGL 'mean')
    msg = jnp.take(h_src, src, axis=0)
    summed = jnp.zeros((n_dst, h_src.shape[1]), dtype=h_src.dtype).at[dst].add(msg)
    deg = jnp.zeros((n_dst,), dtype=h_src.dtype).at[dst].add(1.0)
    return summed / jnp.maximum(deg, 1.0)[:, None]


def reference(x_proc, x_task, t2p_src, t2p_dst, p2t_src, p2t_dst, pred_eid,
              W_self1_p, W_neigh1_p, b1_p, W_self1_t, W_neigh1_t, b1_t,
              W_self2_p, W_neigh2_p, b2_p, W_self2_t, W_neigh2_t, b2_t):
    # --- RGCN layer 1 (HeteroGraphConv of SAGEConv('mean'), aggregate='sum') ---
    m_p = _mean_agg(x_task, t2p_src, t2p_dst, P)
    h_p = x_proc @ W_self1_p + m_p @ W_neigh1_p + b1_p
    m_t = _mean_agg(x_proc, p2t_src, p2t_dst, T)
    h_t = x_task @ W_self1_t + m_t @ W_neigh1_t + b1_t
    h_p = jax.nn.relu(h_p)
    h_t = jax.nn.relu(h_t)
    # --- RGCN layer 2 ---
    m_p2 = _mean_agg(h_t, t2p_src, t2p_dst, P)
    o_p = h_p @ W_self2_p + m_p2 @ W_neigh2_p + b2_p
    m_t2 = _mean_agg(h_p, p2t_src, p2t_dst, T)
    o_t = h_t @ W_self2_t + m_t2 @ W_neigh2_t + b2_t
    # --- HeteroDotProductPredictor: u_dot_v over the prediction etype edges ---
    src = pred_eid // T
    dst = pred_eid % T
    score = jnp.sum(jnp.take(o_p, src, axis=0) * jnp.take(o_t, dst, axis=0), axis=1)
    score = score.reshape(P, T)
    return jax.nn.softmax(score, axis=1)

if __name__ == "__main__":
    import jax
    _d = setup_inputs()
    print(jax.jit(kernel)(*tuple(_d.values())))

</pallas_src>

<mosaic_0001>
#map = affine_map<(d0, d1) -> (0)>
module attributes {stable_mosaic.version = 14 : i64} {
  func.func @_count_body(%arg0: i32, %arg1: i32, %arg2: memref<262144xi32, #tpu.memory_space<hbm>>, %arg3: memref<262144xi32, #tpu.memory_space<hbm>>, %arg4: memref<262144xi32, #tpu.memory_space<hbm>>, %arg5: memref<262144xi32, #tpu.memory_space<hbm>>, %arg6: memref<2097152xf32, #tpu.memory_space<hbm>>, %arg7: memref<2097152xf32, #tpu.memory_space<hbm>>, %arg8: memref<2x8192xi32, #tpu.memory_space<vmem>>, %arg9: memref<2x8192xi32, #tpu.memory_space<vmem>>, %arg10: memref<2x2x!tpu.dma_semaphore, #tpu.memory_space<semaphore_mem>>) attributes {dimension_semantics = [#tpu.dimension_semantics<core_parallel>, #tpu.dimension_semantics<subcore_parallel>], iteration_bounds = array<i64: 2, 16>, scalar_prefetch = 0 : i64, scratch_operands = 3 : i64, tpu.core_type = #tpu.core_type<sc_vector_subcore>, window_params = [{transform_indices = #map}, {transform_indices = #map}, {transform_indices = #map}, {transform_indices = #map}, {transform_indices = #map}, {transform_indices = #map}]} {
    %mul3A = arith.constant 2 : i32
    %mul3A_0 = arith.muli %arg1, %mul3A : i32
    %add3A = arith.addi %mul3A_0, %arg0 : i32
    %broadcast_in_dim3A = arith.constant 1.000000e+00 : f32
    %broadcast_in_dim3A_1 = vector.broadcast %broadcast_in_dim3A : f32 to vector<16xf32>
    %broadcast_in_dim3A_2 = arith.constant 0.000000e+00 : f32
    %broadcast_in_dim3A_3 = vector.broadcast %broadcast_in_dim3A_2 : f32 to vector<16xf32>
    %dma_start3A = arith.constant 0 : i32
    %dma_start3A_4 = arith.constant 0 : i32
    %dma_start3A_5 = arith.constant 0 : i32
    %dma_start3A_6 = arith.constant 0 : i32
    %dma_start3A_7 = tpu.memref_slice %arg8[%dma_start3A, %dma_start3A_6] : memref<2x8192xi32, #tpu.memory_space<vmem>> -> memref<1x8192xi32, #tpu.memory_space<vmem>>
    %dma_start3A_8 = tpu.memref_squeeze %dma_start3A_7 : memref<1x8192xi32, #tpu.memory_space<vmem>> -> memref<8192xi32, #tpu.memory_space<vmem>>
    %dma_start3A_9 = arith.constant 0 : i32
    %dma_start3A_10 = tpu.memref_slice %arg2[%dma_start3A_9] : memref<262144xi32, #tpu.memory_space<hbm>> -> memref<8192xi32, #tpu.memory_space<hbm>>
    %dma_start3A_11 = tpu.memref_slice %arg10[%dma_start3A_4, %dma_start3A_5] : memref<2x2x!tpu.dma_semaphore, #tpu.memory_space<semaphore_mem>> -> memref<1x1x!tpu.dma_semaphore, #tpu.memory_space<semaphore_mem>>
    %dma_start3A_12 = tpu.memref_squeeze %dma_start3A_11 : memref<1x1x!tpu.dma_semaphore, #tpu.memory_space<semaphore_mem>> -> memref<!tpu.dma_semaphore, #tpu.memory_space<semaphore_mem>>
    %dma_start3A_13 = arith.constant 0 : i32
    %dma_start3A_14 = tpu.memref_slice %arg8[%dma_start3A, %dma_start3A_13] : memref<2x8192xi32, #tpu.memory_space<vmem>> -> memref<1x8192xi32, #tpu.memory_space<vmem>>
    %dma_start3A_15 = tpu.memref_squeeze %dma_start3A_14 : memref<1x8192xi32, #tpu.memory_space<vmem>> -> memref<8192xi32, #tpu.memory_space<vmem>>
    %dma_start3A_16 = arith.constant 0 : i32
    %dma_start3A_17 = tpu.memref_slice %arg2[%dma_start3A_16] : memref<262144xi32, #tpu.memory_space<hbm>> -> memref<8192xi32, #tpu.memory_space<hbm>>
    tpu.enqueue_dma source(%dma_start3A_17 : memref<8192xi32, #tpu.memory_space<hbm>>) target(%dma_start3A_15 : memref<8192xi32, #tpu.memory_space<vmem>>) target_semaphore(%dma_start3A_12 : memref<!tpu.dma_semaphore, #tpu.memory_space<semaphore_mem>>)
    %dma_start3A_18 = arith.constant 0 : i32
    %dma_start3A_19 = arith.constant 0 : i32
    %dma_start3A_20 = arith.constant 1 : i32
    %dma_start3A_21 = arith.constant 0 : i32
    %dma_start3A_22 = tpu.memref_slice %arg9[%dma_start3A_18, %dma_start3A_21] : memref<2x8192xi32, #tpu.memory_space<vmem>> -> memref<1x8192xi32, #tpu.memory_space<vmem>>
    %dma_start3A_23 = tpu.memref_squeeze %dma_start3A_22 : memref<1x8192xi32, #tpu.memory_space<vmem>> -> memref<8192xi32, #tpu.memory_space<vmem>>
    %dma_start3A_24 = arith.constant 0 : i32
    %dma_start3A_25 = tpu.memref_slice %arg3[%dma_start3A_24] : memref<262144xi32, #tpu.memory_space<hbm>> -> memref<8192xi32, #tpu.memory_space<hbm>>
    %dma_start3A_26 = tpu.memref_slice %arg10[%dma_start3A_19, %dma_start3A_20] : memref<2x2x!tpu.dma_semaphore, #tpu.memory_space<semaphore_mem>> -> memref<1x1x!tpu.dma_semaphore, #tpu.memory_space<semaphore_mem>>
    %dma_start3A_27 = tpu.memref_squeeze %dma_start3A_26 : memref<1x1x!tpu.dma_semaphore, #tpu.memory_space<semaphore_mem>> -> memref<!tpu.dma_semaphore, #tpu.memory_space<semaphore_mem>>
    %dma_start3A_28 = arith.constant 0 : i32
    %dma_start3A_29 = tpu.memref_slice %arg9[%dma_start3A_18, %dma_start3A_28] : memref<2x8192xi32, #tpu.memory_space<vmem>> -> memref<1x8192xi32, #tpu.memory_space<vmem>>
    %dma_start3A_30 = tpu.memref_squeeze %dma_start3A_29 : memref<1x8192xi32, #tpu.memory_space<vmem>> -> memref<8192xi32, #tpu.memory_space<vmem>>
    %dma_start3A_31 = arith.constant 0 : i32
    %dma_start3A_32 = tpu.memref_slice %arg3[%dma_start3A_31] : memref<262144xi32, #tpu.memory_space<hbm>> -> memref<8192xi32, #tpu.memory_space<hbm>>
    tpu.enqueue_dma source(%dma_start3A_32 : memref<8192xi32, #tpu.memory_space<hbm>>) target(%dma_start3A_30 : memref<8192xi32, #tpu.memory_space<vmem>>) target_semaphore(%dma_start3A_27 : memref<!tpu.dma_semaphore, #tpu.memory_space<semaphore_mem>>)
    %dma_start3A_33 = arith.constant 1 : i32
    %dma_start3A_34 = arith.constant 1 : i32
    %dma_start3A_35 = arith.constant 0 : i32
    %dma_start3A_36 = arith.constant 0 : i32
    %dma_start3A_37 = tpu.memref_slice %arg8[%dma_start3A_33, %dma_start3A_36] : memref<2x8192xi32, #tpu.memory_space<vmem>> -> memref<1x8192xi32, #tpu.memory_space<vmem>>
    %dma_start3A_38 = tpu.memref_squeeze %dma_start3A_37 : memref<1x8192xi32, #tpu.memory_space<vmem>> -> memref<8192xi32, #tpu.memory_space<vmem>>
    %dma_start3A_39 = arith.constant 8192 : i32
    %dma_start3A_40 = tpu.memref_slice %arg2[%dma_start3A_39] : memref<262144xi32, #tpu.memory_space<hbm>> -> memref<8192xi32, #tpu.memory_space<hbm>>
    %dma_start3A_41 = tpu.memref_slice %arg10[%dma_start3A_34, %dma_start3A_35] : memref<2x2x!tpu.dma_semaphore, #tpu.memory_space<semaphore_mem>> -> memref<1x1x!tpu.dma_semaphore, #tpu.memory_space<semaphore_mem>>
    %dma_start3A_42 = tpu.memref_squeeze %dma_start3A_41 : memref<1x1x!tpu.dma_semaphore, #tpu.memory_space<semaphore_mem>> -> memref<!tpu.dma_semaphore, #tpu.memory_space<semaphore_mem>>
    %dma_start3A_43 = arith.constant 0 : i32
    %dma_start3A_44 = tpu.memref_slice %arg8[%dma_start3A_33, %dma_start3A_43] : memref<2x8192xi32, #tpu.memory_space<vmem>> -> memref<1x8192xi32, #tpu.memory_space<vmem>>
    %dma_start3A_45 = tpu.memref_squeeze %dma_start3A_44 : memref<1x8192xi32, #tpu.memory_space<vmem>> -> memref<8192xi32, #tpu.memory_space<vmem>>
    %dma_start3A_46 = arith.constant 8192 : i32
    %dma_start3A_47 = tpu.memref_slice %arg2[%dma_start3A_46] : memref<262144xi32, #tpu.memory_space<hbm>> -> memref<8192xi32, #tpu.memory_space<hbm>>
    tpu.enqueue_dma source(%dma_start3A_47 : memref<8192xi32, #tpu.memory_space<hbm>>) target(%dma_start3A_45 : memref<8192xi32, #tpu.memory_space<vmem>>) target_semaphore(%dma_start3A_42 : memref<!tpu.dma_semaphore, #tpu.memory_space<semaphore_mem>>)
    %dma_start3A_48 = arith.constant 1 : i32
    %dma_start3A_49 = arith.constant 1 : i32
    %dma_start3A_50 = arith.constant 1 : i32
    %dma_start3A_51 = arith.constant 0 : i32
    %dma_start3A_52 = tpu.memref_slice %arg9[%dma_start3A_48, %dma_start3A_51] : memref<2x8192xi32, #tpu.memory_space<vmem>> -> memref<1x8192xi32, #tpu.memory_space<vmem>>
    %dma_start3A_53 = tpu.memref_squeeze %dma_start3A_52 : memref<1x8192xi32, #tpu.memory_space<vmem>> -> memref<8192xi32, #tpu.memory_space<vmem>>
    %dma_start3A_54 = arith.constant 8192 : i32
    %dma_start3A_55 = tpu.memref_slice %arg3[%dma_start3A_54] : memref<262144xi32, #tpu.memory_space<hbm>> -> memref<8192xi32, #tpu.memory_space<hbm>>
    %dma_start3A_56 = tpu.memref_slice %arg10[%dma_start3A_49, %dma_start3A_50] : memref<2x2x!tpu.dma_semaphore, #tpu.memory_space<semaphore_mem>> -> memref<1x1x!tpu.dma_semaphore, #tpu.memory_space<semaphore_mem>>
    %dma_start3A_57 = tpu.memref_squeeze %dma_start3A_56 : memref<1x1x!tpu.dma_semaphore, #tpu.memory_space<semaphore_mem>> -> memref<!tpu.dma_semaphore, #tpu.memory_space<semaphore_mem>>
    %dma_start3A_58 = arith.constant 0 : i32
    %dma_start3A_59 = tpu.memref_slice %arg9[%dma_start3A_48, %dma_start3A_58] : memref<2x8192xi32, #tpu.memory_space<vmem>> -> memref<1x8192xi32, #tpu.memory_space<vmem>>
    %dma_start3A_60 = tpu.memref_squeeze %dma_start3A_59 : memref<1x8192xi32, #tpu.memory_space<vmem>> -> memref<8192xi32, #tpu.memory_space<vmem>>
    %dma_start3A_61 = arith.constant 8192 : i32
    %dma_start3A_62 = tpu.memref_slice %arg3[%dma_start3A_61] : memref<262144xi32, #tpu.memory_space<hbm>> -> memref<8192xi32, #tpu.memory_space<hbm>>
    tpu.enqueue_dma source(%dma_start3A_62 : memref<8192xi32, #tpu.memory_space<hbm>>) target(%dma_start3A_60 : memref<8192xi32, #tpu.memory_space<vmem>>) target_semaphore(%dma_start3A_57 : memref<!tpu.dma_semaphore, #tpu.memory_space<semaphore_mem>>)
    "tpu.region"() ({
      %run_scoped3A = memref.alloca() : memref<65536xf32, #tpu.memory_space<vmem>>
      %mul3A_63 = arith.constant 8 : i32
      %mul3A_64 = arith.muli %add3A, %mul3A_63 : i32
      %mul3A_65 = arith.constant 8192 : i32
      %mul3A_66 = arith.muli %mul3A_64, %mul3A_65 : i32
      %scan3A = arith.constant 0 : i32
      %scan3A_67 = arith.constant 0 : i32
      %scan3A_68 = arith.constant 4096 : i32
      %scan3A_69 = arith.addi %scan3A_67, %scan3A_68 : i32
      %scan3A_70 = arith.constant 1 : i32
      %scan3A_71 = scf.for %scan3A_142 = %scan3A_67 to %scan3A_69 step %scan3A_70 iter_args(%scan3A_143 = %scan3A) -> (i32)  : i32 {
        %mul3A_144 = arith.constant 16 : i32
        %mul3A_145 = arith.muli %scan3A_142, %mul3A_144 : i32
        %swap3A = arith.index_cast %mul3A_145 : i32 to index
        %swap3A_146 = tpu.vector_load %run_scoped3A[%swap3A] {strides = array<i32>} : memref<65536xf32, #tpu.memory_space<vmem>>, vector<16xf32>,
        tpu.vector_store %run_scoped3A[%swap3A], %broadcast_in_dim3A_3 {strides = array<i32>} : memref<65536xf32, #tpu.memory_space<vmem>>, vector<16xf32>,
        %scan3A_147 = arith.constant 0 : i32
        scf.yield %scan3A_147 : i32
      }
      %scan3A_72 = arith.constant 4096 : i32
      %scan3A_73 = arith.constant 0 : i32
      %scan3A_74 = arith.constant 0 : i32
      %scan3A_75 = arith.constant 16 : i32
      %scan3A_76 = arith.addi %scan3A_74, %scan3A_75 : i32
      %scan3A_77 = arith.constant 1 : i32
      %scan3A_78 = scf.for %scan3A_142 = %scan3A_74 to %scan3A_76 step %scan3A_77 iter_args(%scan3A_143 = %scan3A_73) -> (i32)  : i32 {
        %mul3A_144 = arith.constant 2 : i32
        %mul3A_145 = arith.muli %scan3A_142, %mul3A_144 : i32
        %add3A_146 = arith.constant 0 : i32
        %add3A_147 = arith.addi %mul3A_145, %add3A_146 : i32
        %dma_wait3A = arith.constant 0 : i32
        %dma_wait3A_148 = arith.constant 0 : i32
        %dma_wait3A_149 = arith.constant 0 : i32
        %dma_wait3A_150 = arith.constant 0 : i32
        %dma_wait3A_151 = tpu.memref_slice %arg8[%dma_wait3A, %dma_wait3A_150] : memref<2x8192xi32, #tpu.memory_space<vmem>> -> memref<1x8192xi32, #tpu.memory_space<vmem>>
        %dma_wait3A_152 = tpu.memref_squeeze %dma_wait3A_151 : memref<1x8192xi32, #tpu.memory_space<vmem>> -> memref<8192xi32, #tpu.memory_space<vmem>>
        %dma_wait3A_153 = arith.constant 0 : i32
        %dma_wait3A_154 = tpu.memref_slice %arg2[%dma_wait3A_153] : memref<262144xi32, #tpu.memory_space<hbm>> -> memref<8192xi32, #tpu.memory_space<hbm>>
        %dma_wait3A_155 = tpu.memref_slice %arg10[%dma_wait3A_148, %dma_wait3A_149] : memref<2x2x!tpu.dma_semaphore, #tpu.memory_space<semaphore_mem>> -> memref<1x1x!tpu.dma_semaphore, #tpu.memory_space<semaphore_mem>>
        %dma_wait3A_156 = tpu.memref_squeeze %dma_wait3A_155 : memref<1x1x!tpu.dma_semaphore, #tpu.memory_space<semaphore_mem>> -> memref<!tpu.dma_semaphore, #tpu.memory_space<semaphore_mem>>
        %dma_wait3A_157 = arith.constant 0 : i32
        %dma_wait3A_158 = tpu.memref_slice %arg8[%dma_wait3A, %dma_wait3A_157] : memref<2x8192xi32, #tpu.memory_space<vmem>> -> memref<1x8192xi32, #tpu.memory_space<vmem>>
        %dma_wait3A_159 = tpu.memref_squeeze %dma_wait3A_158 : memref<1x8192xi32, #tpu.memory_space<vmem>> -> memref<8192xi32, #tpu.memory_space<vmem>>
        %dma_wait3A_160 = arith.constant 0 : i32
        %dma_wait3A_161 = tpu.memref_slice %arg2[%dma_wait3A_160] : memref<262144xi32, #tpu.memory_space<hbm>> -> memref<8192xi32, #tpu.memory_space<hbm>>
        tpu.wait_dma2 semaphore(%dma_wait3A_156 : memref<!tpu.dma_semaphore, #tpu.memory_space<semaphore_mem>>) src(%dma_wait3A_161 : memref<8192xi32, #tpu.memory_space<hbm>>) dst(%dma_wait3A_159 : memref<8192xi32, #tpu.memory_space<vmem>>)
        %dma_wait3A_162 = arith.constant 0 : i32
        %dma_wait3A_163 = arith.constant 0 : i32
        %dma_wait3A_164 = arith.constant 1 : i32
        %dma_wait3A_165 = arith.constant 0 : i32
        %dma_wait3A_166 = tpu.memref_slice %arg9[%dma_wait3A_162, %dma_wait3A_165] : memref<2x8192xi32, #tpu.memory_space<vmem>> -> memref<1x8192xi32, #tpu.memory_space<vmem>>
        %dma_wait3A_167 = tpu.memref_squeeze %dma_wait3A_166 : memref<1x8192xi32, #tpu.memory_space<vmem>> -> memref<8192xi32, #tpu.memory_space<vmem>>
        %dma_wait3A_168 = arith.constant 0 : i32
        %dma_wait3A_169 = tpu.memref_slice %arg3[%dma_wait3A_168] : memref<262144xi32, #tpu.memory_space<hbm>> -> memref<8192xi32, #tpu.memory_space<hbm>>
        %dma_wait3A_170 = tpu.memref_slice %arg10[%dma_wait3A_163, %dma_wait3A_164] : memref<2x2x!tpu.dma_semaphore, #tpu.memory_space<semaphore_mem>> -> memref<1x1x!tpu.dma_semaphore, #tpu.memory_space<semaphore_mem>>
        %dma_wait3A_171 = tpu.memref_squeeze %dma_wait3A_170 : memref<1x1x!tpu.dma_semaphore, #tpu.memory_space<semaphore_mem>> -> memref<!tpu.dma_semaphore, #tpu.memory_space<semaphore_mem>>
        %dma_wait3A_172 = arith.constant 0 : i32
        %dma_wait3A_173 = tpu.memref_slice %arg9[%dma_wait3A_162, %dma_wait3A_172] : memref<2x8192xi32, #tpu.memory_space<vmem>> -> memref<1x8192xi32, #tpu.memory_space<vmem>>
        %dma_wait3A_174 = tpu.memref_squeeze %dma_wait3A_173 : memref<1x8192xi32, #tpu.memory_space<vmem>> -> memref<8192xi32, #tpu.memory_space<vmem>>
        %dma_wait3A_175 = arith.constant 0 : i32
        %dma_wait3A_176 = tpu.memref_slice %arg3[%dma_wait3A_175] : memref<262144xi32, #tpu.memory_space<hbm>> -> memref<8192xi32, #tpu.memory_space<hbm>>
        tpu.wait_dma2 semaphore(%dma_wait3A_171 : memref<!tpu.dma_semaphore, #tpu.memory_space<semaphore_mem>>) src(%dma_wait3A_176 : memref<8192xi32, #tpu.memory_space<hbm>>) dst(%dma_wait3A_174 : memref<8192xi32, #tpu.memory_space<vmem>>)
        %scan3A_177 = arith.constant 0 : i32
        %scan3A_178 = arith.constant 0 : i32
        %scan3A_179 = arith.constant 32 : i32
        %scan3A_180 = arith.addi %scan3A_178, %scan3A_179 : i32
        %scan3A_181 = arith.constant 1 : i32
        %scan3A_182 = scf.for %scan3A_237 = %scan3A_178 to %scan3A_180 step %scan3A_181 iter_args(%scan3A_238 = %scan3A_177) -> (i32)  : i32 {
          %mul3A_239 = arith.constant 16 : i32
          %mul3A_240 = arith.muli %scan3A_237, %mul3A_239 : i32
          %add3A_241 = arith.constant 0 : i32
          %add3A_242 = arith.addi %mul3A_240, %add3A_241 : i32
          %mul3A_243 = arith.constant 16 : i32
          %mul3A_244 = arith.muli %add3A_242, %mul3A_243 : i32
          %get3A = arith.constant 0 : i32
          %get3A_245 = arith.index_cast %get3A : i32 to index
          %get3A_246 = arith.index_cast %mul3A_244 : i32 to index
          %get3A_247 = tpu.vector_load %arg8[%get3A_245, %get3A_246] {strides = array<i32>} : memref<2x8192xi32, #tpu.memory_space<vmem>>, vector<16xi32>,
          %get3A_248 = arith.constant 0 : i32
          %get3A_249 = arith.index_cast %get3A_248 : i32 to index
          %get3A_250 = arith.index_cast %mul3A_244 : i32 to index
          %get3A_251 = tpu.vector_load %arg9[%get3A_249, %get3A_250] {strides = array<i32>} : memref<2x8192xi32, #tpu.memory_space<vmem>>, vector<16xi32>,
          %ge3A = vector.broadcast %mul3A_64 : i32 to vector<16xi32>
          %ge3A_252 = arith.cmpi sge, %get3A_251, %ge3A : vector<16xi32>
          %add3A_253 = arith.constant 8 : i32
          %add3A_254 = arith.addi %mul3A_64, %add3A_253 : i32
          %lt3A_255 = vector.broadcast %add3A_254 : i32 to vector<16xi32>
          %lt3A_256 = arith.cmpi slt, %get3A_251, %lt3A_255 : vector<16xi32>
          %and3A = arith.andi %ge3A_252, %lt3A_256 : vector<16xi1>
          %mul3A_257 = arith.constant 8192 : i32
          %mul3A_258 = vector.broadcast %mul3A_257 : i32 to vector<16xi32>
          %mul3A_259 = arith.muli %get3A_251, %mul3A_258 : vector<16xi32>
          %add3A_260 = arith.addi %mul3A_259, %get3A_247 : vector<16xi32>
          %sub3A = vector.broadcast %mul3A_66 : i32 to vector<16xi32>
          %sub3A_261 = arith.subi %add3A_260, %sub3A : vector<16xi32>
          %jit3A = arith.constant 0 : i32
          %broadcast_in_dim3A_262 = vector.broadcast %jit3A : i32 to vector<16xi32>
          %select_n3A = arith.select %and3A, %sub3A_261, %broadcast_in_dim3A_262 : vector<16xi1>, vector<16xi32>
          %mul3A_263 = arith.constant 16 : i32
          %mul3A_264 = arith.muli %scan3A_237, %mul3A_263 : i32
          %add3A_265 = arith.constant 1 : i32
          %add3A_266 = arith.addi %mul3A_264, %add3A_265 : i32
          %mul3A_267 = arith.constant 16 : i32
          %mul3A_268 = arith.muli %add3A_266, %mul3A_267 : i32
          %get3A_269 = arith.constant 0 : i32
          %get3A_270 = arith.index_cast %get3A_269 : i32 to index
          %get3A_271 = arith.index_cast %mul3A_268 : i32 to index
          %get3A_272 = tpu.vector_load %arg8[%get3A_270, %get3A_271] {strides = array<i32>} : memref<2x8192xi32, #tpu.memory_space<vmem>>, vector<16xi32>,
          %get3A_273 = arith.constant 0 : i32
          %get3A_274 = arith.index_cast %get3A_273 : i32 to index
          %get3A_275 = arith.index_cast %mul3A_268 : i32 to index
          %get3A_276 = tpu.vector_load %arg9[%get3A_274, %get3A_275] {strides = array<i32>} : memref<2x8192xi32, #tpu.memory_space<vmem>>, vector<16xi32>,
          %ge3A_277 = vector.broadcast %mul3A_64 : i32 to vector<16xi32>
          %ge3A_278 = arith.cmpi sge, %get3A_276, %ge3A_277 : vector<16xi32>
          %add3A_279 = arith.constant 8 : i32
          %add3A_280 = arith.addi %mul3A_64, %add3A_279 : i32
          %lt3A_281 = vector.broadcast %add3A_280 : i32 to vector<16xi32>
          %lt3A_282 = arith.cmpi slt, %get3A_276, %lt3A_281 : vector<16xi32>
          %and3A_283 = arith.andi %ge3A_278, %lt3A_282 : vector<16xi1>
          %mul3A_284 = arith.constant 8192 : i32
          %mul3A_285 = vector.broadcast %mul3A_284 : i32 to vector<16xi32>
          %mul3A_286 = arith.muli %get3A_276, %mul3A_285 : vector<16xi32>
          %add3A_287 = arith.addi %mul3A_286, %get3A_272 : vector<16xi32>
          %sub3A_288 = vector.broadcast %mul3A_66 : i32 to vector<16xi32>
          %sub3A_289 = arith.subi %add3A_287, %sub3A_288 : vector<16xi32>
          %jit3A_290 = arith.constant 0 : i32
          %broadcast_in_dim3A_291 = vector.broadcast %jit3A_290 : i32 to vector<16xi32>
          %select_n3A_292 = arith.select %and3A_283, %sub3A_289, %broadcast_in_dim3A_291 : vector<16xi1>, vector<16xi32>
          %mul3A_293 = arith.constant 16 : i32
          %mul3A_294 = arith.muli %scan3A_237, %mul3A_293 : i32
          %add3A_295 = arith.constant 2 : i32
          %add3A_296 = arith.addi %mul3A_294, %add3A_295 : i32
          %mul3A_297 = arith.constant 16 : i32
          %mul3A_298 = arith.muli %add3A_296, %mul3A_297 : i32
          %get3A_299 = arith.constant 0 : i32
          %get3A_300 = arith.index_cast %get3A_299 : i32 to index
          %get3A_301 = arith.index_cast %mul3A_298 : i32 to index
          %get3A_302 = tpu.vector_load %arg8[%get3A_300, %get3A_301] {strides = array<i32>} : memref<2x8192xi32, #tpu.memory_space<vmem>>, vector<16xi32>,
          %get3A_303 = arith.constant 0 : i32
          %get3A_304 = arith.index_cast %get3A_303 : i32 to index
          %get3A_305 = arith.index_cast %mul3A_298 : i32 to index
          %get3A_306 = tpu.vector_load %arg9[%get3A_304, %get3A_305] {strides = array<i32>} : memref<2x8192xi32, #tpu.memory_space<vmem>>, vector<16xi32>,
          %ge3A_307 = vector.broadcast %mul3A_64 : i32 to vector<16xi32>
          %ge3A_308 = arith.cmpi sge, %get3A_306, %ge3A_307 : vector<16xi32>
          %add3A_309 = arith.constant 8 : i32
          %add3A_310 = arith.addi %mul3A_64, %add3A_309 : i32
          %lt3A_311 = vector.broadcast %add3A_310 : i32 to vector<16xi32>
          %lt3A_312 = arith.cmpi slt, %get3A_306, %lt3A_311 : vector<16xi32>
          %and3A_313 = arith.andi %ge3A_308, %lt3A_312 : vector<16xi1>
          %mul3A_314 = arith.constant 8192 : i32
          %mul3A_315 = vector.broadcast %mul3A_314 : i32 to vector<16xi32>
          %mul3A_316 = arith.muli %get3A_306, %mul3A_315 : vector<16xi32>
          %add3A_317 = arith.addi %mul3A_316, %get3A_302 : vector<16xi32>
          %sub3A_318 = vector.broadcast %mul3A_66 : i32 to vector<16xi32>
          %sub3A_319 = arith.subi %add3A_317, %sub3A_318 : vector<16xi32>
          %jit3A_320 = arith.constant 0 : i32
          %broadcast_in_dim3A_321 = vector.broadcast %jit3A_320 : i32 to vector<16xi32>
          %select_n3A_322 = arith.select %and3A_313, %sub3A_319, %broadcast_in_dim3A_321 : vector<16xi1>, vector<16xi32>
          %mul3A_323 = arith.constant 16 : i32
          %mul3A_324 = arith.muli %scan3A_237, %mul3A_323 : i32
          %add3A_325 = arith.constant 3 : i32
          %add3A_326 = arith.addi %mul3A_324, %add3A_325 : i32
          %mul3A_327 = arith.constant 16 : i32
          %mul3A_328 = arith.muli %add3A_326, %mul3A_327 : i32
          %get3A_329 = arith.constant 0 : i32
          %get3A_330 = arith.index_cast %get3A_329 : i32 to index
          %get3A_331 = arith.index_cast %mul3A_328 : i32 to index
          %get3A_332 = tpu.vector_load %arg8[%get3A_330, %get3A_331] {strides = array<i32>} : memref<2x8192xi32, #tpu.memory_space<vmem>>, vector<16xi32>,
          %get3A_333 = arith.constant 0 : i32
          %get3A_334 = arith.index_cast %get3A_333 : i32 to index
          %get3A_335 = arith.index_cast %mul3A_328 : i32 to index
          %get3A_336 = tpu.vector_load %arg9[%get3A_334, %get3A_335] {strides = array<i32>} : memref<2x8192xi32, #tpu.memory_space<vmem>>, vector<16xi32>,
          %ge3A_337 = vector.broadcast %mul3A_64 : i32 to vector<16xi32>
          %ge3A_338 = arith.cmpi sge, %get3A_336, %ge3A_337 : vector<16xi32>
          %add3A_339 = arith.constant 8 : i32
          %add3A_340 = arith.addi %mul3A_64, %add3A_339 : i32
          %lt3A_341 = vector.broadcast %add3A_340 : i32 to vector<16xi32>
          %lt3A_342 = arith.cmpi slt, %get3A_336, %lt3A_341 : vector<16xi32>
          %and3A_343 = arith.andi %ge3A_338, %lt3A_342 : vector<16xi1>
          %mul3A_344 = arith.constant 8192 : i32
          %mul3A_345 = vector.broadcast %mul3A_344 : i32 to vector<16xi32>
          %mul3A_346 = arith.muli %get3A_336, %mul3A_345 : vector<16xi32>
          %add3A_347 = arith.addi %mul3A_346, %get3A_332 : vector<16xi32>
          %sub3A_348 = vector.broadcast %mul3A_66 : i32 to vector<16xi32>
          %sub3A_349 = arith.subi %add3A_347, %sub3A_348 : vector<16xi32>
          %jit3A_350 = arith.constant 0 : i32
          %broadcast_in_dim3A_351 = vector.broadcast %jit3A_350 : i32 to vector<16xi32>
          %select_n3A_352 = arith.select %and3A_343, %sub3A_349, %broadcast_in_dim3A_351 : vector<16xi1>, vector<16xi32>
          %mul3A_353 = arith.constant 16 : i32
          %mul3A_354 = arith.muli %scan3A_237, %mul3A_353 : i32
          %add3A_355 = arith.constant 4 : i32
          %add3A_356 = arith.addi %mul3A_354, %add3A_355 : i32
          %mul3A_357 = arith.constant 16 : i32
          %mul3A_358 = arith.muli %add3A_356, %mul3A_357 : i32
          %get3A_359 = arith.constant 0 : i32
          %get3A_360 = arith.index_cast %get3A_359 : i32 to index
          %get3A_361 = arith.index_cast %mul3A_358 : i32 to index
          %get3A_362 = tpu.vector_load %arg8[%get3A_360, %get3A_361] {strides = array<i32>} : memref<2x8192xi32, #tpu.memory_space<vmem>>, vector<16xi32>,
          %get3A_363 = arith.constant 0 : i32
          %get3A_364 = arith.index_cast %get3A_363 : i32 to index
          %get3A_365 = arith.index_cast %mul3A_358 : i32 to index
          %get3A_366 = tpu.vector_load %arg9[%get3A_364, %get3A_365] {strides = array<i32>} : memref<2x8192xi32, #tpu.memory_space<vmem>>, vector<16xi32>,
          %ge3A_367 = vector.broadcast %mul3A_64 : i32 to vector<16xi32>
          %ge3A_368 = arith.cmpi sge, %get3A_366, %ge3A_367 : vector<16xi32>
          %add3A_369 = arith.constant 8 : i32
          %add3A_370 = arith.addi %mul3A_64, %add3A_369 : i32
          %lt3A_371 = vector.broadcast %add3A_370 : i32 to vector<16xi32>
          %lt3A_372 = arith.cmpi slt, %get3A_366, %lt3A_371 : vector<16xi32>
          %and3A_373 = arith.andi %ge3A_368, %lt3A_372 : vector<16xi1>
          %mul3A_374 = arith.constant 8192 : i32
          %mul3A_375 = vector.broadcast %mul3A_374 : i32 to vector<16xi32>
          %mul3A_376 = arith.muli %get3A_366, %mul3A_375 : vector<16xi32>
          %add3A_377 = arith.addi %mul3A_376, %get3A_362 : vector<16xi32>
          %sub3A_378 = vector.broadcast %mul3A_66 : i32 to vector<16xi32>
          %sub3A_379 = arith.subi %add3A_377, %sub3A_378 : vector<16xi32>
          %jit3A_380 = arith.constant 0 : i32
          %broadcast_in_dim3A_381 = vector.broadcast %jit3A_380 : i32 to vector<16xi32>
          %select_n3A_382 = arith.select %and3A_373, %sub3A_379, %broadcast_in_dim3A_381 : vector<16xi1>, vector<16xi32>
          %mul3A_383 = arith.constant 16 : i32
          %mul3A_384 = arith.muli %scan3A_237, %mul3A_383 : i32
          %add3A_385 = arith.constant 5 : i32
          %add3A_386 = arith.addi %mul3A_384, %add3A_385 : i32
          %mul3A_387 = arith.constant 16 : i32
          %mul3A_388 = arith.muli %add3A_386, %mul3A_387 : i32
          %get3A_389 = arith.constant 0 : i32
          %get3A_390 = arith.index_cast %get3A_389 : i32 to index
          %get3A_391 = arith.index_cast %mul3A_388 : i32 to index
          %get3A_392 = tpu.vector_load %arg8[%get3A_390, %get3A_391] {strides = array<i32>} : memref<2x8192xi32, #tpu.memory_space<vmem>>, vector<16xi32>,
          %get3A_393 = arith.constant 0 : i32
          %get3A_394 = arith.index_cast %get3A_393 : i32 to index
          %get3A_395 = arith.index_cast %mul3A_388 : i32 to index
          %get3A_396 = tpu.vector_load %arg9[%get3A_394, %get3A_395] {strides = array<i32>} : memref<2x8192xi32, #tpu.memory_space<vmem>>, vector<16xi32>,
          %ge3A_397 = vector.broadcast %mul3A_64 : i32 to vector<16xi32>
          %ge3A_398 = arith.cmpi sge, %get3A_396, %ge3A_397 : vector<16xi32>
          %add3A_399 = arith.constant 8 : i32
          %add3A_400 = arith.addi %mul3A_64, %add3A_399 : i32
          %lt3A_401 = vector.broadcast %add3A_400 : i32 to vector<16xi32>
          %lt3A_402 = arith.cmpi slt, %get3A_396, %lt3A_401 : vector<16xi32>
          %and3A_403 = arith.andi %ge3A_398, %lt3A_402 : vector<16xi1>
          %mul3A_404 = arith.constant 8192 : i32
          %mul3A_405 = vector.broadcast %mul3A_404 : i32 to vector<16xi32>
          %mul3A_406 = arith.muli %get3A_396, %mul3A_405 : vector<16xi32>
          %add3A_407 = arith.addi %mul3A_406, %get3A_392 : vector<16xi32>
          %sub3A_408 = vector.broadcast %mul3A_66 : i32 to vector<16xi32>
          %sub3A_409 = arith.subi %add3A_407, %sub3A_408 : vector<16xi32>
          %jit3A_410 = arith.constant 0 : i32
          %broadcast_in_dim3A_411 = vector.broadcast %jit3A_410 : i32 to vector<16xi32>
          %select_n3A_412 = arith.select %and3A_403, %sub3A_409, %broadcast_in_dim3A_411 : vector<16xi1>, vector<16xi32>
          %mul3A_413 = arith.constant 16 : i32
          %mul3A_414 = arith.muli %scan3A_237, %mul3A_413 : i32
          %add3A_415 = arith.constant 6 : i32
          %add3A_416 = arith.addi %mul3A_414, %add3A_415 : i32
          %mul3A_417 = arith.constant 16 : i32
          %mul3A_418 = arith.muli %add3A_416, %mul3A_417 : i32
          %get3A_419 = arith.constant 0 : i32
          %get3A_420 = arith.index_cast %get3A_419 : i32 to index
          %get3A_421 = arith.index_cast %mul3A_418 : i32 to index
          %get3A_422 = tpu.vector_load %arg8[%get3A_420, %get3A_421] {strides = array<i32>} : memref<2x8192xi32, #tpu.memory_space<vmem>>, vector<16xi32>,
          %get3A_423 = arith.constant 0 : i32
          %get3A_424 = arith.index_cast %get3A_423 : i32 to index
          %get3A_425 = arith.index_cast %mul3A_418 : i32 to index
          %get3A_426 = tpu.vector_load %arg9[%get3A_424, %get3A_425] {strides = array<i32>} : memref<2x8192xi32, #tpu.memory_space<vmem>>, vector<16xi32>,
          %ge3A_427 = vector.broadcast %mul3A_64 : i32 to vector<16xi32>
          %ge3A_428 = arith.cmpi sge, %get3A_426, %ge3A_427 : vector<16xi32>
          %add3A_429 = arith.constant 8 : i32
          %add3A_430 = arith.addi %mul3A_64, %add3A_429 : i32
          %lt3A_431 = vector.broadcast %add3A_430 : i32 to vector<16xi32>
          %lt3A_432 = arith.cmpi slt, %get3A_426, %lt3A_431 : vector<16xi32>
          %and3A_433 = arith.andi %ge3A_428, %lt3A_432 : vector<16xi1>
          %mul3A_434 = arith.constant 8192 : i32
          %mul3A_435 = vector.broadcast %mul3A_434 : i32 to vector<16xi32>
          %mul3A_436 = arith.muli %get3A_426, %mul3A_435 : vector<16xi32>
          %add3A_437 = arith.addi %mul3A_436, %get3A_422 : vector<16xi32>
          %sub3A_438 = vector.broadcast %mul3A_66 : i32 to vector<16xi32>
          %sub3A_439 = arith.subi %add3A_437, %sub3A_438 : vector<16xi32>
          %jit3A_440 = arith.constant 0 : i32
          %broadcast_in_dim3A_441 = vector.broadcast %jit3A_440 : i32 to vector<16xi32>
          %select_n3A_442 = arith.select %and3A_433, %sub3A_439, %broadcast_in_dim3A_441 : vector<16xi1>, vector<16xi32>
          %mul3A_443 = arith.constant 16 : i32
          %mul3A_444 = arith.muli %scan3A_237, %mul3A_443 : i32
          %add3A_445 = arith.constant 7 : i32
          %add3A_446 = arith.addi %mul3A_444, %add3A_445 : i32
          %mul3A_447 = arith.constant 16 : i32
          %mul3A_448 = arith.muli %add3A_446, %mul3A_447 : i32
          %get3A_449 = arith.constant 0 : i32
          %get3A_450 = arith.index_cast %get3A_449 : i32 to index
          %get3A_451 = arith.index_cast %mul3A_448 : i32 to index
          %get3A_452 = tpu.vector_load %arg8[%get3A_450, %get3A_451] {strides = array<i32>} : memref<2x8192xi32, #tpu.memory_space<vmem>>, vector<16xi32>,
          %get3A_453 = arith.constant 0 : i32
          %get3A_454 = arith.index_cast %get3A_453 : i32 to index
          %get3A_455 = arith.index_cast %mul3A_448 : i32 to index
          %get3A_456 = tpu.vector_load %arg9[%get3A_454, %get3A_455] {strides = array<i32>} : memref<2x8192xi32, #tpu.memory_space<vmem>>, vector<16xi32>,
          %ge3A_457 = vector.broadcast %mul3A_64 : i32 to vector<16xi32>
          %ge3A_458 = arith.cmpi sge, %get3A_456, %ge3A_457 : vector<16xi32>
          %add3A_459 = arith.constant 8 : i32
          %add3A_460 = arith.addi %mul3A_64, %add3A_459 : i32
          %lt3A_461 = vector.broadcast %add3A_460 : i32 to vector<16xi32>
          %lt3A_462 = arith.cmpi slt, %get3A_456, %lt3A_461 : vector<16xi32>
          %and3A_463 = arith.andi %ge3A_458, %lt3A_462 : vector<16xi1>
          %mul3A_464 = arith.constant 8192 : i32
          %mul3A_465 = vector.broadcast %mul3A_464 : i32 to vector<16xi32>
          %mul3A_466 = arith.muli %get3A_456, %mul3A_465 : vector<16xi32>
          %add3A_467 = arith.addi %mul3A_466, %get3A_452 : vector<16xi32>
          %sub3A_468 = vector.broadcast %mul3A_66 : i32 to vector<16xi32>
          %sub3A_469 = arith.subi %add3A_467, %sub3A_468 : vector<16xi32>
          %jit3A_470 = arith.constant 0 : i32
          %broadcast_in_dim3A_471 = vector.broadcast %jit3A_470 : i32 to vector<16xi32>
          %select_n3A_472 = arith.select %and3A_463, %sub3A_469, %broadcast_in_dim3A_471 : vector<16xi1>, vector<16xi32>
          %mul3A_473 = arith.constant 16 : i32
          %mul3A_474 = arith.muli %scan3A_237, %mul3A_473 : i32
          %add3A_475 = arith.constant 8 : i32
          %add3A_476 = arith.addi %mul3A_474, %add3A_475 : i32
          %mul3A_477 = arith.constant 16 : i32
          %mul3A_478 = arith.muli %add3A_476, %mul3A_477 : i32
          %get3A_479 = arith.constant 0 : i32
          %get3A_480 = arith.index_cast %get3A_479 : i32 to index
          %get3A_481 = arith.index_cast %mul3A_478 : i32 to index
          %get3A_482 = tpu.vector_load %arg8[%get3A_480, %get3A_481] {strides = array<i32>} : memref<2x8192xi32, #tpu.memory_space<vmem>>, vector<16xi32>,
          %get3A_483 = arith.constant 0 : i32
          %get3A_484 = arith.index_cast %get3A_483 : i32 to index
          %get3A_485 = arith.index_cast %mul3A_478 : i32 to index
          %get3A_486 = tpu.vector_load %arg9[%get3A_484, %get3A_485] {strides = array<i32>} : memref<2x8192xi32, #tpu.memory_space<vmem>>, vector<16xi32>,
          %ge3A_487 = vector.broadcast %mul3A_64 : i32 to vector<16xi32>
          %ge3A_488 = arith.cmpi sge, %get3A_486, %ge3A_487 : vector<16xi32>
          %add3A_489 = arith.constant 8 : i32
          %add3A_490 = arith.addi %mul3A_64, %add3A_489 : i32
          %lt3A_491 = vector.broadcast %add3A_490 : i32 to vector<16xi32>
          %lt3A_492 = arith.cmpi slt, %get3A_486, %lt3A_491 : vector<16xi32>
          %and3A_493 = arith.andi %ge3A_488, %lt3A_492 : vector<16xi1>
          %mul3A_494 = arith.constant 8192 : i32
          %mul3A_495 = vector.broadcast %mul3A_494 : i32 to vector<16xi32>
          %mul3A_496 = arith.muli %get3A_486, %mul3A_495 : vector<16xi32>
          %add3A_497 = arith.addi %mul3A_496, %get3A_482 : vector<16xi32>
          %sub3A_498 = vector.broadcast %mul3A_66 : i32 to vector<16xi32>
          %sub3A_499 = arith.subi %add3A_497, %sub3A_498 : vector<16xi32>
          %jit3A_500 = arith.constant 0 : i32
          %broadcast_in_dim3A_501 = vector.broadcast %jit3A_500 : i32 to vector<16xi32>
          %select_n3A_502 = arith.select %and3A_493, %sub3A_499, %broadcast_in_dim3A_501 : vector<16xi1>, vector<16xi32>
          %mul3A_503 = arith.constant 16 : i32
          %mul3A_504 = arith.muli %scan3A_237, %mul3A_503 : i32
          %add3A_505 = arith.constant 9 : i32
          %add3A_506 = arith.addi %mul3A_504, %add3A_505 : i32
          %mul3A_507 = arith.constant 16 : i32
          %mul3A_508 = arith.muli %add3A_506, %mul3A_507 : i32
          %get3A_509 = arith.constant 0 : i32
          %get3A_510 = arith.index_cast %get3A_509 : i32 to index
          %get3A_511 = arith.index_cast %mul3A_508 : i32 to index
          %get3A_512 = tpu.vector_load %arg8[%get3A_510, %get3A_511] {strides = array<i32>} : memref<2x8192xi32, #tpu.memory_space<vmem>>, vector<16xi32>,
          %get3A_513 = arith.constant 0 : i32
          %get3A_514 = arith.index_cast %get3A_513 : i32 to index
          %get3A_515 = arith.index_cast %mul3A_508 : i32 to index
          %get3A_516 = tpu.vector_load %arg9[%get3A_514, %get3A_515] {strides = array<i32>} : memref<2x8192xi32, #tpu.memory_space<vmem>>, vector<16xi32>,
          %ge3A_517 = vector.broadcast %mul3A_64 : i32 to vector<16xi32>
          %ge3A_518 = arith.cmpi sge, %get3A_516, %ge3A_517 : vector<16xi32>
          %add3A_519 = arith.constant 8 : i32
          %add3A_520 = arith.addi %mul3A_64, %add3A_519 : i32
          %lt3A_521 = vector.broadcast %add3A_520 : i32 to vector<16xi32>
          %lt3A_522 = arith.cmpi slt, %get3A_516, %lt3A_521 : vector<16xi32>
          %and3A_523 = arith.andi %ge3A_518, %lt3A_522 : vector<16xi1>
          %mul3A_524 = arith.constant 8192 : i32
          %mul3A_525 = vector.broadcast %mul3A_524 : i32 to vector<16xi32>
          %mul3A_526 = arith.muli %get3A_516, %mul3A_525 : vector<16xi32>
          %add3A_527 = arith.addi %mul3A_526, %get3A_512 : vector<16xi32>
          %sub3A_528 = vector.broadcast %mul3A_66 : i32 to vector<16xi32>
          %sub3A_529 = arith.subi %add3A_527, %sub3A_528 : vector<16xi32>
          %jit3A_530 = arith.constant 0 : i32
          %broadcast_in_dim3A_531 = vector.broadcast %jit3A_530 : i32 to vector<16xi32>
          %select_n3A_532 = arith.select %and3A_523, %sub3A_529, %broadcast_in_dim3A_531 : vector<16xi1>, vector<16xi32>
          %mul3A_533 = arith.constant 16 : i32
          %mul3A_534 = arith.muli %scan3A_237, %mul3A_533 : i32
          %add3A_535 = arith.constant 10 : i32
          %add3A_536 = arith.addi %mul3A_534, %add3A_535 : i32
          %mul3A_537 = arith.constant 16 : i32
          %mul3A_538 = arith.muli %add3A_536, %mul3A_537 : i32
          %get3A_539 = arith.constant 0 : i32
          %get3A_540 = arith.index_cast %get3A_539 : i32 to index
          %get3A_541 = arith.index_cast %mul3A_538 : i32 to index
          %get3A_542 = tpu.vector_load %arg8[%get3A_540, %get3A_541] {strides = array<i32>} : memref<2x8192xi32, #tpu.memory_space<vmem>>, vector<16xi32>,
          %get3A_543 = arith.constant 0 : i32
          %get3A_544 = arith.index_cast %get3A_543 : i32 to index
          %get3A_545 = arith.index_cast %mul3A_538 : i32 to index
          %get3A_546 = tpu.vector_load %arg9[%get3A_544, %get3A_545] {strides = array<i32>} : memref<2x8192xi32, #tpu.memory_space<vmem>>, vector<16xi32>,
          %ge3A_547 = vector.broadcast %mul3A_64 : i32 to vector<16xi32>
          %ge3A_548 = arith.cmpi sge, %get3A_546, %ge3A_547 : vector<16xi32>
          %add3A_549 = arith.constant 8 : i32
          %add3A_550 = arith.addi %mul3A_64, %add3A_549 : i32
          %lt3A_551 = vector.broadcast %add3A_550 : i32 to vector<16xi32>
          %lt3A_552 = arith.cmpi slt, %get3A_546, %lt3A_551 : vector<16xi32>
          %and3A_553 = arith.andi %ge3A_548, %lt3A_552 : vector<16xi1>
          %mul3A_554 = arith.constant 8192 : i32
          %mul3A_555 = vector.broadcast %mul3A_554 : i32 to vector<16xi32>
          %mul3A_556 = arith.muli %get3A_546, %mul3A_555 : vector<16xi32>
          %add3A_557 = arith.addi %mul3A_556, %get3A_542 : vector<16xi32>
          %sub3A_558 = vector.broadcast %mul3A_66 : i32 to vector<16xi32>
          %sub3A_559 = arith.subi %add3A_557, %sub3A_558 : vector<16xi32>
          %jit3A_560 = arith.constant 0 : i32
          %broadcast_in_dim3A_561 = vector.broadcast %jit3A_560 : i32 to vector<16xi32>
          %select_n3A_562 = arith.select %and3A_553, %sub3A_559, %broadcast_in_dim3A_561 : vector<16xi1>, vector<16xi32>
          %mul3A_563 = arith.constant 16 : i32
          %mul3A_564 = arith.muli %scan3A_237, %mul3A_563 : i32
          %add3A_565 = arith.constant 11 : i32
          %add3A_566 = arith.addi %mul3A_564, %add3A_565 : i32
          %mul3A_567 = arith.constant 16 : i32
          %mul3A_568 = arith.muli %add3A_566, %mul3A_567 : i32
          %get3A_569 = arith.constant 0 : i32
          %get3A_570 = arith.index_cast %get3A_569 : i32 to index
          %get3A_571 = arith.index_cast %mul3A_568 : i32 to index
          %get3A_572 = tpu.vector_load %arg8[%get3A_570, %get3A_571] {strides = array<i32>} : memref<2x8192xi32, #tpu.memory_space<vmem>>, vector<16xi32>,
          %get3A_573 = arith.constant 0 : i32
          %get3A_574 = arith.index_cast %get3A_573 : i32 to index
          %get3A_575 = arith.index_cast %mul3A_568 : i32 to index
          %get3A_576 = tpu.vector_load %arg9[%get3A_574, %get3A_575] {strides = array<i32>} : memref<2x8192xi32, #tpu.memory_space<vmem>>, vector<16xi32>,
          %ge3A_577 = vector.broadcast %mul3A_64 : i32 to vector<16xi32>
          %ge3A_578 = arith.cmpi sge, %get3A_576, %ge3A_577 : vector<16xi32>
          %add3A_579 = arith.constant 8 : i32
          %add3A_580 = arith.addi %mul3A_64, %add3A_579 : i32
          %lt3A_581 = vector.broadcast %add3A_580 : i32 to vector<16xi32>
          %lt3A_582 = arith.cmpi slt, %get3A_576, %lt3A_581 : vector<16xi32>
          %and3A_583 = arith.andi %ge3A_578, %lt3A_582 : vector<16xi1>
          %mul3A_584 = arith.constant 8192 : i32
          %mul3A_585 = vector.broadcast %mul3A_584 : i32 to vector<16xi32>
          %mul3A_586 = arith.muli %get3A_576, %mul3A_585 : vector<16xi32>
          %add3A_587 = arith.addi %mul3A_586, %get3A_572 : vector<16xi32>
          %sub3A_588 = vector.broadcast %mul3A_66 : i32 to vector<16xi32>
          %sub3A_589 = arith.subi %add3A_587, %sub3A_588 : vector<16xi32>
          %jit3A_590 = arith.constant 0 : i32
          %broadcast_in_dim3A_591 = vector.broadcast %jit3A_590 : i32 to vector<16xi32>
          %select_n3A_592 = arith.select %and3A_583, %sub3A_589, %broadcast_in_dim3A_591 : vector<16xi1>, vector<16xi32>
          %mul3A_593 = arith.constant 16 : i32
          %mul3A_594 = arith.muli %scan3A_237, %mul3A_593 : i32
          %add3A_595 = arith.constant 12 : i32
          %add3A_596 = arith.addi %mul3A_594, %add3A_595 : i32
          %mul3A_597 = arith.constant 16 : i32
          %mul3A_598 = arith.muli %add3A_596, %mul3A_597 : i32
          %get3A_599 = arith.constant 0 : i32
          %get3A_600 = arith.index_cast %get3A_599 : i32 to index
          %get3A_601 = arith.index_cast %mul3A_598 : i32 to index
          %get3A_602 = tpu.vector_load %arg8[%get3A_600, %get3A_601] {strides = array<i32>} : memref<2x8192xi32, #tpu.memory_space<vmem>>, vector<16xi32>,
          %get3A_603 = arith.constant 0 : i32
          %get3A_604 = arith.index_cast %get3A_603 : i32 to index
          %get3A_605 = arith.index_cast %mul3A_598 : i32 to index
          %get3A_606 = tpu.vector_load %arg9[%get3A_604, %get3A_605] {strides = array<i32>} : memref<2x8192xi32, #tpu.memory_space<vmem>>, vector<16xi32>,
          %ge3A_607 = vector.broadcast %mul3A_64 : i32 to vector<16xi32>
          %ge3A_608 = arith.cmpi sge, %get3A_606, %ge3A_607 : vector<16xi32>
          %add3A_609 = arith.constant 8 : i32
          %add3A_610 = arith.addi %mul3A_64, %add3A_609 : i32
          %lt3A_611 = vector.broadcast %add3A_610 : i32 to vector<16xi32>
          %lt3A_612 = arith.cmpi slt, %get3A_606, %lt3A_611 : vector<16xi32>
          %and3A_613 = arith.andi %ge3A_608, %lt3A_612 : vector<16xi1>
          %mul3A_614 = arith.constant 8192 : i32
          %mul3A_615 = vector.broadcast %mul3A_614 : i32 to vector<16xi32>
          %mul3A_616 = arith.muli %get3A_606, %mul3A_615 : vector<16xi32>
          %add3A_617 = arith.addi %mul3A_616, %get3A_602 : vector<16xi32>
          %sub3A_618 = vector.broadcast %mul3A_66 : i32 to vector<16xi32>
          %sub3A_619 = arith.subi %add3A_617, %sub3A_618 : vector<16xi32>
          %jit3A_620 = arith.constant 0 : i32
          %broadcast_in_dim3A_621 = vector.broadcast %jit3A_620 : i32 to vector<16xi32>
          %select_n3A_622 = arith.select %and3A_613, %sub3A_619, %broadcast_in_dim3A_621 : vector<16xi1>, vector<16xi32>
          %mul3A_623 = arith.constant 16 : i32
          %mul3A_624 = arith.muli %scan3A_237, %mul3A_623 : i32
          %add3A_625 = arith.constant 13 : i32
          %add3A_626 = arith.addi %mul3A_624, %add3A_625 : i32
          %mul3A_627 = arith.constant 16 : i32
          %mul3A_628 = arith.muli %add3A_626, %mul3A_627 : i32
          %get3A_629 = arith.constant 0 : i32
          %get3A_630 = arith.index_cast %get3A_629 : i32 to index
          %get3A_631 = arith.index_cast %mul3A_628 : i32 to index
          %get3A_632 = tpu.vector_load %arg8[%get3A_630, %get3A_631] {strides = array<i32>} : memref<2x8192xi32, #tpu.memory_space<vmem>>, vector<16xi32>,
          %get3A_633 = arith.constant 0 : i32
          %get3A_634 = arith.index_cast %get3A_633 : i32 to index
          %get3A_635 = arith.index_cast %mul3A_628 : i32 to index
          %get3A_636 = tpu.vector_load %arg9[%get3A_634, %get3A_635] {strides = array<i32>} : memref<2x8192xi32, #tpu.memory_space<vmem>>, vector<16xi32>,
          %ge3A_637 = vector.broadcast %mul3A_64 : i32 to vector<16xi32>
          %ge3A_638 = arith.cmpi sge, %get3A_636, %ge3A_637 : vector<16xi32>
          %add3A_639 = arith.constant 8 : i32
          %add3A_640 = arith.addi %mul3A_64, %add3A_639 : i32
          %lt3A_641 = vector.broadcast %add3A_640 : i32 to vector<16xi32>
          %lt3A_642 = arith.cmpi slt, %get3A_636, %lt3A_641 : vector<16xi32>
          %and3A_643 = arith.andi %ge3A_638, %lt3A_642 : vector<16xi1>
          %mul3A_644 = arith.constant 8192 : i32
          %mul3A_645 = vector.broadcast %mul3A_644 : i32 to vector<16xi32>
          %mul3A_646 = arith.muli %get3A_636, %mul3A_645 : vector<16xi32>
          %add3A_647 = arith.addi %mul3A_646, %get3A_632 : vector<16xi32>
          %sub3A_648 = vector.broadcast %mul3A_66 : i32 to vector<16xi32>
          %sub3A_649 = arith.subi %add3A_647, %sub3A_648 : vector<16xi32>
          %jit3A_650 = arith.constant 0 : i32
          %broadcast_in_dim3A_651 = vector.broadcast %jit3A_650 : i32 to vector<16xi32>
          %select_n3A_652 = arith.select %and3A_643, %sub3A_649, %broadcast_in_dim3A_651 : vector<16xi1>, vector<16xi32>
          %mul3A_653 = arith.constant 16 : i32
          %mul3A_654 = arith.muli %scan3A_237, %mul3A_653 : i32
          %add3A_655 = arith.constant 14 : i32
          %add3A_656 = arith.addi %mul3A_654, %add3A_655 : i32
          %mul3A_657 = arith.constant 16 : i32
          %mul3A_658 = arith.muli %add3A_656, %mul3A_657 : i32
          %get3A_659 = arith.constant 0 : i32
          %get3A_660 = arith.index_cast %get3A_659 : i32 to index
          %get3A_661 = arith.index_cast %mul3A_658 : i32 to index
          %get3A_662 = tpu.vector_load %arg8[%get3A_660, %get3A_661] {strides = array<i32>} : memref<2x8192xi32, #tpu.memory_space<vmem>>, vector<16xi32>,
          %get3A_663 = arith.constant 0 : i32
          %get3A_664 = arith.index_cast %get3A_663 : i32 to index
          %get3A_665 = arith.index_cast %mul3A_658 : i32 to index
          %get3A_666 = tpu.vector_load %arg9[%get3A_664, %get3A_665] {strides = array<i32>} : memref<2x8192xi32, #tpu.memory_space<vmem>>, vector<16xi32>,
          %ge3A_667 = vector.broadcast %mul3A_64 : i32 to vector<16xi32>
          %ge3A_668 = arith.cmpi sge, %get3A_666, %ge3A_667 : vector<16xi32>
          %add3A_669 = arith.constant 8 : i32
          %add3A_670 = arith.addi %mul3A_64, %add3A_669 : i32
          %lt3A_671 = vector.broadcast %add3A_670 : i32 to vector<16xi32>
          %lt3A_672 = arith.cmpi slt, %get3A_666, %lt3A_671 : vector<16xi32>
          %and3A_673 = arith.andi %ge3A_668, %lt3A_672 : vector<16xi1>
          %mul3A_674 = arith.constant 8192 : i32
          %mul3A_675 = vector.broadcast %mul3A_674 : i32 to vector<16xi32>
          %mul3A_676 = arith.muli %get3A_666, %mul3A_675 : vector<16xi32>
          %add3A_677 = arith.addi %mul3A_676, %get3A_662 : vector<16xi32>
          %sub3A_678 = vector.broadcast %mul3A_66 : i32 to vector<16xi32>
          %sub3A_679 = arith.subi %add3A_677, %sub3A_678 : vector<16xi32>
          %jit3A_680 = arith.constant 0 : i32
          %broadcast_in_dim3A_681 = vector.broadcast %jit3A_680 : i32 to vector<16xi32>
          %select_n3A_682 = arith.select %and3A_673, %sub3A_679, %broadcast_in_dim3A_681 : vector<16xi1>, vector<16xi32>
          %mul3A_683 = arith.constant 16 : i32
          %mul3A_684 = arith.muli %scan3A_237, %mul3A_683 : i32
          %add3A_685 = arith.constant 15 : i32
          %add3A_686 = arith.addi %mul3A_684, %add3A_685 : i32
          %mul3A_687 = arith.constant 16 : i32
          %mul3A_688 = arith.muli %add3A_686, %mul3A_687 : i32
          %get3A_689 = arith.constant 0 : i32
          %get3A_690 = arith.index_cast %get3A_689 : i32 to index
          %get3A_691 = arith.index_cast %mul3A_688 : i32 to index
          %get3A_692 = tpu.vector_load %arg8[%get3A_690, %get3A_691] {strides = array<i32>} : memref<2x8192xi32, #tpu.memory_space<vmem>>, vector<16xi32>,
          %get3A_693 = arith.constant 0 : i32
          %get3A_694 = arith.index_cast %get3A_693 : i32 to index
          %get3A_695 = arith.index_cast %mul3A_688 : i32 to index
          %get3A_696 = tpu.vector_load %arg9[%get3A_694, %get3A_695] {strides = array<i32>} : memref<2x8192xi32, #tpu.memory_space<vmem>>, vector<16xi32>,
          %ge3A_697 = vector.broadcast %mul3A_64 : i32 to vector<16xi32>
          %ge3A_698 = arith.cmpi sge, %get3A_696, %ge3A_697 : vector<16xi32>
          %add3A_699 = arith.constant 8 : i32
          %add3A_700 = arith.addi %mul3A_64, %add3A_699 : i32
          %lt3A_701 = vector.broadcast %add3A_700 : i32 to vector<16xi32>
          %lt3A_702 = arith.cmpi slt, %get3A_696, %lt3A_701 : vector<16xi32>
          %and3A_703 = arith.andi %ge3A_698, %lt3A_702 : vector<16xi1>
          %mul3A_704 = arith.constant 8192 : i32
          %mul3A_705 = vector.broadcast %mul3A_704 : i32 to vector<16xi32>
          %mul3A_706 = arith.muli %get3A_696, %mul3A_705 : vector<16xi32>
          %add3A_707 = arith.addi %mul3A_706, %get3A_692 : vector<16xi32>
          %sub3A_708 = vector.broadcast %mul3A_66 : i32 to vector<16xi32>
          %sub3A_709 = arith.subi %add3A_707, %sub3A_708 : vector<16xi32>
          %jit3A_710 = arith.constant 0 : i32
          %broadcast_in_dim3A_711 = vector.broadcast %jit3A_710 : i32 to vector<16xi32>
          %select_n3A_712 = arith.select %and3A_703, %sub3A_709, %broadcast_in_dim3A_711 : vector<16xi1>, vector<16xi32>
          tpu.vector_store_idx %run_scoped3A[%select_n3A], %broadcast_in_dim3A_1 masked %and3A {add = true} : memref<65536xf32, #tpu.memory_space<vmem>>[vector<16xi32>], vector<16xf32>, vector<16xi1>
          tpu.vector_store_idx %run_scoped3A[%select_n3A_292], %broadcast_in_dim3A_1 masked %and3A_283 {add = true} : memref<65536xf32, #tpu.memory_space<vmem>>[vector<16xi32>], vector<16xf32>, vector<16xi1>
          tpu.vector_store_idx %run_scoped3A[%select_n3A_322], %broadcast_in_dim3A_1 masked %and3A_313 {add = true} : memref<65536xf32, #tpu.memory_space<vmem>>[vector<16xi32>], vector<16xf32>, vector<16xi1>
          tpu.vector_store_idx %run_scoped3A[%select_n3A_352], %broadcast_in_dim3A_1 masked %and3A_343 {add = true} : memref<65536xf32, #tpu.memory_space<vmem>>[vector<16xi32>], vector<16xf32>, vector<16xi1>
          tpu.vector_store_idx %run_scoped3A[%select_n3A_382], %broadcast_in_dim3A_1 masked %and3A_373 {add = true} : memref<65536xf32, #tpu.memory_space<vmem>>[vector<16xi32>], vector<16xf32>, vector<16xi1>
          tpu.vector_store_idx %run_scoped3A[%select_n3A_412], %broadcast_in_dim3A_1 masked %and3A_403 {add = true} : memref<65536xf32, #tpu.memory_space<vmem>>[vector<16xi32>], vector<16xf32>, vector<16xi1>
          tpu.vector_store_idx %run_scoped3A[%select_n3A_442], %broadcast_in_dim3A_1 masked %and3A_433 {add = true} : memref<65536xf32, #tpu.memory_space<vmem>>[vector<16xi32>], vector<16xf32>, vector<16xi1>
          tpu.vector_store_idx %run_scoped3A[%select_n3A_472], %broadcast_in_dim3A_1 masked %and3A_463 {add = true} : memref<65536xf32, #tpu.memory_space<vmem>>[vector<16xi32>], vector<16xf32>, vector<16xi1>
          tpu.vector_store_idx %run_scoped3A[%select_n3A_502], %broadcast_in_dim3A_1 masked %and3A_493 {add = true} : memref<65536xf32, #tpu.memory_space<vmem>>[vector<16xi32>], vector<16xf32>, vector<16xi1>
          tpu.vector_store_idx %run_scoped3A[%select_n3A_532], %broadcast_in_dim3A_1 masked %and3A_523 {add = true} : memref<65536xf32, #tpu.memory_space<vmem>>[vector<16xi32>], vector<16xf32>, vector<16xi1>
          tpu.vector_store_idx %run_scoped3A[%select_n3A_562], %broadcast_in_dim3A_1 masked %and3A_553 {add = true} : memref<65536xf32, #tpu.memory_space<vmem>>[vector<16xi32>], vector<16xf32>, vector<16xi1>
          tpu.vector_store_idx %run_scoped3A[%select_n3A_592], %broadcast_in_dim3A_1 masked %and3A_583 {add = true} : memref<65536xf32, #tpu.memory_space<vmem>>[vector<16xi32>], vector<16xf32>, vector<16xi1>
          tpu.vector_store_idx %run_scoped3A[%select_n3A_622], %broadcast_in_dim3A_1 masked %and3A_613 {add = true} : memref<65536xf32, #tpu.memory_space<vmem>>[vector<16xi32>], vector<16xf32>, vector<16xi1>
          tpu.vector_store_idx %run_scoped3A[%select_n3A_652], %broadcast_in_dim3A_1 masked %and3A_643 {add = true} : memref<65536xf32, #tpu.memory_space<vmem>>[vector<16xi32>], vector<16xf32>, vector<16xi1>
          tpu.vector_store_idx %run_scoped3A[%select_n3A_682], %broadcast_in_dim3A_1 masked %and3A_673 {add = true} : memref<65536xf32, #tpu.memory_space<vmem>>[vector<16xi32>], vector<16xf32>, vector<16xi1>
          tpu.vector_store_idx %run_scoped3A[%select_n3A_712], %broadcast_in_dim3A_1 masked %and3A_703 {add = true} : memref<65536xf32, #tpu.memory_space<vmem>>[vector<16xi32>], vector<16xf32>, vector<16xi1>
          %scan3A_713 = arith.constant 0 : i32
          scf.yield %scan3A_713 : i32
        }
        %scan3A_183 = arith.constant 32 : i32
        %add3A_184 = arith.constant 2 : i32
        %add3A_185 = arith.addi %add3A_147, %add3A_184 : i32
        %lt3A = arith.constant 32 : i32
        %lt3A_186 = arith.cmpi slt, %add3A_185, %lt3A : i32
        %convert_element_type3A = arith.extui %lt3A_186 : i1 to i32
        %cond3A = arith.constant 0 : i32
        %cond3A_187 = arith.cmpi ne, %convert_element_type3A, %cond3A : i32
        scf.if %cond3A_187 {
          %add3A_237 = arith.constant 2 : i32
          %add3A_238 = arith.addi %add3A_147, %add3A_237 : i32
          %mul3A_239 = arith.constant 8192 : i32
          %mul3A_240 = arith.muli %add3A_238, %mul3A_239 : i32
          %dma_start3A_241 = arith.constant 0 : i32
          %dma_start3A_242 = arith.constant 0 : i32
          %dma_start3A_243 = arith.constant 0 : i32
          %dma_start3A_244 = arith.constant 0 : i32
          %dma_start3A_245 = tpu.memref_slice %arg8[%dma_start3A_241, %dma_start3A_244] : memref<2x8192xi32, #tpu.memory_space<vmem>> -> memref<1x8192xi32, #tpu.memory_space<vmem>>
          %dma_start3A_246 = tpu.memref_squeeze %dma_start3A_245 : memref<1x8192xi32, #tpu.memory_space<vmem>> -> memref<8192xi32, #tpu.memory_space<vmem>>
          %dma_start3A_247 = tpu.memref_slice %arg2[%mul3A_240] : memref<262144xi32, #tpu.memory_space<hbm>> -> memref<8192xi32, #tpu.memory_space<hbm>>
          %dma_start3A_248 = tpu.memref_slice %arg10[%dma_start3A_242, %dma_start3A_243] : memref<2x2x!tpu.dma_semaphore, #tpu.memory_space<semaphore_mem>> -> memref<1x1x!tpu.dma_semaphore, #tpu.memory_space<semaphore_mem>>
          %dma_start3A_249 = tpu.memref_squeeze %dma_start3A_248 : memref<1x1x!tpu.dma_semaphore, #tpu.memory_space<semaphore_mem>> -> memref<!tpu.dma_semaphore, #tpu.memory_space<semaphore_mem>>
          %dma_start3A_250 = arith.constant 0 : i32
          %dma_start3A_251 = tpu.memref_slice %arg8[%dma_start3A_241, %dma_start3A_250] : memref<2x8192xi32, #tpu.memory_space<vmem>> -> memref<1x8192xi32, #tpu.memory_space<vmem>>
          %dma_start3A_252 = tpu.memref_squeeze %dma_start3A_251 : memref<1x8192xi32, #tpu.memory_space<vmem>> -> memref<8192xi32, #tpu.memory_space<vmem>>
          %dma_start3A_253 = tpu.memref_slice %arg2[%mul3A_240] : memref<262144xi32, #tpu.memory_space<hbm>> -> memref<8192xi32, #tpu.memory_space<hbm>>
          tpu.enqueue_dma source(%dma_start3A_253 : memref<8192xi32, #tpu.memory_space<hbm>>) target(%dma_start3A_252 : memref<8192xi32, #tpu.memory_space<vmem>>) target_semaphore(%dma_start3A_249 : memref<!tpu.dma_semaphore, #tpu.memory_space<semaphore_mem>>)
          %mul3A_254 = arith.constant 8192 : i32
          %mul3A_255 = arith.muli %add3A_238, %mul3A_254 : i32
          %dma_start3A_256 = arith.constant 0 : i32
          %dma_start3A_257 = arith.constant 0 : i32
          %dma_start3A_258 = arith.constant 1 : i32
          %dma_start3A_259 = arith.constant 0 : i32
          %dma_start3A_260 = tpu.memref_slice %arg9[%dma_start3A_256, %dma_start3A_259] : memref<2x8192xi32, #tpu.memory_space<vmem>> -> memref<1x8192xi32, #tpu.memory_space<vmem>>
          %dma_start3A_261 = tpu.memref_squeeze %dma_start3A_260 : memref<1x8192xi32, #tpu.memory_space<vmem>> -> memref<8192xi32, #tpu.memory_space<vmem>>
          %dma_start3A_262 = tpu.memref_slice %arg3[%mul3A_255] : memref<262144xi32, #tpu.memory_space<hbm>> -> memref<8192xi32, #tpu.memory_space<hbm>>
          %dma_start3A_263 = tpu.memref_slice %arg10[%dma_start3A_257, %dma_start3A_258] : memref<2x2x!tpu.dma_semaphore, #tpu.memory_space<semaphore_mem>> -> memref<1x1x!tpu.dma_semaphore, #tpu.memory_space<semaphore_mem>>
          %dma_start3A_264 = tpu.memref_squeeze %dma_start3A_263 : memref<1x1x!tpu.dma_semaphore, #tpu.memory_space<semaphore_mem>> -> memref<!tpu.dma_semaphore, #tpu.memory_space<semaphore_mem>>
          %dma_start3A_265 = arith.constant 0 : i32
          %dma_start3A_266 = tpu.memref_slice %arg9[%dma_start3A_256, %dma_start3A_265] : memref<2x8192xi32, #tpu.memory_space<vmem>> -> memref<1x8192xi32, #tpu.memory_space<vmem>>
          %dma_start3A_267 = tpu.memref_squeeze %dma_start3A_266 : memref<1x8192xi32, #tpu.memory_space<vmem>> -> memref<8192xi32, #tpu.memory_space<vmem>>
          %dma_start3A_268 = tpu.memref_slice %arg3[%mul3A_255] : memref<262144xi32, #tpu.memory_space<hbm>> -> memref<8192xi32, #tpu.memory_space<hbm>>
          tpu.enqueue_dma source(%dma_start3A_268 : memref<8192xi32, #tpu.memory_space<hbm>>) target(%dma_start3A_267 : memref<8192xi32, #tpu.memory_space<vmem>>) target_semaphore(%dma_start3A_264 : memref<!tpu.dma_semaphore, #tpu.memory_space<semaphore_mem>>)
        } else {
        }
        %mul3A_188 = arith.constant 2 : i32
        %mul3A_189 = arith.muli %scan3A_142, %mul3A_188 : i32
        %add3A_190 = arith.constant 1 : i32
        %add3A_191 = arith.addi %mul3A_189, %add3A_190 : i32
        %dma_wait3A_192 = arith.constant 1 : i32
        %dma_wait3A_193 = arith.constant 1 : i32
        %dma_wait3A_194 = arith.constant 0 : i32
        %dma_wait3A_195 = arith.constant 0 : i32
        %dma_wait3A_196 = tpu.memref_slice %arg8[%dma_wait3A_192, %dma_wait3A_195] : memref<2x8192xi32, #tpu.memory_space<vmem>> -> memref<1x8192xi32, #tpu.memory_space<vmem>>
        %dma_wait3A_197 = tpu.memref_squeeze %dma_wait3A_196 : memref<1x8192xi32, #tpu.memory_space<vmem>> -> memref<8192xi32, #tpu.memory_space<vmem>>
        %dma_wait3A_198 = arith.constant 0 : i32
        %dma_wait3A_199 = tpu.memref_slice %arg2[%dma_wait3A_198] : memref<262144xi32, #tpu.memory_space<hbm>> -> memref<8192xi32, #tpu.memory_space<hbm>>
        %dma_wait3A_200 = tpu.memref_slice %arg10[%dma_wait3A_193, %dma_wait3A_194] : memref<2x2x!tpu.dma_semaphore, #tpu.memory_space<semaphore_mem>> -> memref<1x1x!tpu.dma_semaphore, #tpu.memory_space<semaphore_mem>>
        %dma_wait3A_201 = tpu.memref_squeeze %dma_wait3A_200 : memref<1x1x!tpu.dma_semaphore, #tpu.memory_space<semaphore_mem>> -> memref<!tpu.dma_semaphore, #tpu.memory_space<semaphore_mem>>
        %dma_wait3A_202 = arith.constant 0 : i32
        %dma_wait3A_203 = tpu.memref_slice %arg8[%dma_wait3A_192, %dma_wait3A_202] : memref<2x8192xi32, #tpu.memory_space<vmem>> -> memref<1x8192xi32, #tpu.memory_space<vmem>>
        %dma_wait3A_204 = tpu.memref_squeeze %dma_wait3A_203 : memref<1x8192xi32, #tpu.memory_space<vmem>> -> memref<8192xi32, #tpu.memory_space<vmem>>
        %dma_wait3A_205 = arith.constant 0 : i32
        %dma_wait3A_206 = tpu.memref_slice %arg2[%dma_wait3A_205] : memref<262144xi32, #tpu.memory_space<hbm>> -> memref<8192xi32, #tpu.memory_space<hbm>>
        tpu.wait_dma2 semaphore(%dma_wait3A_201 : memref<!tpu.dma_semaphore, #tpu.memory_space<semaphore_mem>>) src(%dma_wait3A_206 : memref<8192xi32, #tpu.memory_space<hbm>>) dst(%dma_wait3A_204 : memref<8192xi32, #tpu.memory_space<vmem>>)
        %dma_wait3A_207 = arith.constant 1 : i32
        %dma_wait3A_208 = arith.constant 1 : i32
        %dma_wait3A_209 = arith.constant 1 : i32
        %dma_wait3A_210 = arith.constant 0 : i32
        %dma_wait3A_211 = tpu.memref_slice %arg9[%dma_wait3A_207, %dma_wait3A_210] : memref<2x8192xi32, #tpu.memory_space<vmem>> -> memref<1x8192xi32, #tpu.memory_space<vmem>>
        %dma_wait3A_212 = tpu.memref_squeeze %dma_wait3A_211 : memref<1x8192xi32, #tpu.memory_space<vmem>> -> memref<8192xi32, #tpu.memory_space<vmem>>
        %dma_wait3A_213 = arith.constant 0 : i32
        %dma_wait3A_214 = tpu.memref_slice %arg3[%dma_wait3A_213] : memref<262144xi32, #tpu.memory_space<hbm>> -> memref<8192xi32, #tpu.memory_space<hbm>>
        %dma_wait3A_215 = tpu.memref_slice %arg10[%dma_wait3A_208, %dma_wait3A_209] : memref<2x2x!tpu.dma_semaphore, #tpu.memory_space<semaphore_mem>> -> memref<1x1x!tpu.dma_semaphore, #tpu.memory_space<semaphore_mem>>
        %dma_wait3A_216 = tpu.memref_squeeze %dma_wait3A_215 : memref<1x1x!tpu.dma_semaphore, #tpu.memory_space<semaphore_mem>> -> memref<!tpu.dma_semaphore, #tpu.memory_space<semaphore_mem>>
        %dma_wait3A_217 = arith.constant 0 : i32
        %dma_wait3A_218 = tpu.memref_slice %arg9[%dma_wait3A_207, %dma_wait3A_217] : memref<2x8192xi32, #tpu.memory_space<vmem>> -> memref<1x8192xi32, #tpu.memory_space<vmem>>
        %dma_wait3A_219 = tpu.memref_squeeze %dma_wait3A_218 : memref<1x8192xi32, #tpu.memory_space<vmem>> -> memref<8192xi32, #tpu.memory_space<vmem>>
        %dma_wait3A_220 = arith.constant 0 : i32
        %dma_wait3A_221 = tpu.memref_slice %arg3[%dma_wait3A_220] : memref<262144xi32, #tpu.memory_space<hbm>> -> memref<8192xi32, #tpu.memory_space<hbm>>
        tpu.wait_dma2 semaphore(%dma_wait3A_216 : memref<!tpu.dma_semaphore, #tpu.memory_space<semaphore_mem>>) src(%dma_wait3A_221 : memref<8192xi32, #tpu.memory_space<hbm>>) dst(%dma_wait3A_219 : memref<8192xi32, #tpu.memory_space<vmem>>)
        %scan3A_222 = arith.constant 0 : i32
        %scan3A_223 = arith.constant 0 : i32
        %scan3A_224 = arith.constant 32 : i32
        %scan3A_225 = arith.addi %scan3A_223, %scan3A_224 : i32
        %scan3A_226 = arith.constant 1 : i32
        %scan3A_227 = scf.for %scan3A_237 = %scan3A_223 to %scan3A_225 step %scan3A_226 iter_args(%scan3A_238 = %scan3A_222) -> (i32)  : i32 {
          %mul3A_239 = arith.constant 16 : i32
          %mul3A_240 = arith.muli %scan3A_237, %mul3A_239 : i32
          %add3A_241 = arith.constant 0 : i32
          %add3A_242 = arith.addi %mul3A_240, %add3A_241 : i32
          %mul3A_243 = arith.constant 16 : i32
          %mul3A_244 = arith.muli %add3A_242, %mul3A_243 : i32
          %get3A = arith.constant 1 : i32
          %get3A_245 = arith.index_cast %get3A : i32 to index
          %get3A_246 = arith.index_cast %mul3A_244 : i32 to index
          %get3A_247 = tpu.vector_load %arg8[%get3A_245, %get3A_246] {strides = array<i32>} : memref<2x8192xi32, #tpu.memory_space<vmem>>, vector<16xi32>,
          %get3A_248 = arith.constant 1 : i32
          %get3A_249 = arith.index_cast %get3A_248 : i32 to index
          %get3A_250 = arith.index_cast %mul3A_244 : i32 to index
          %get3A_251 = tpu.vector_load %arg9[%get3A_249, %get3A_250] {strides = array<i32>} : memref<2x8192xi32, #tpu.memory_space<vmem>>, vector<16xi32>,
          %ge3A = vector.broadcast %mul3A_64 : i32 to vector<16xi32>
          %ge3A_252 = arith.cmpi sge, %get3A_251, %ge3A : vector<16xi32>
          %add3A_253 = arith.constant 8 : i32
          %add3A_254 = arith.addi %mul3A_64, %add3A_253 : i32
          %lt3A_255 = vector.broadcast %add3A_254 : i32 to vector<16xi32>
          %lt3A_256 = arith.cmpi slt, %get3A_251, %lt3A_255 : vector<16xi32>
          %and3A = arith.andi %ge3A_252, %lt3A_256 : vector<16xi1>
          %mul3A_257 = arith.constant 8192 : i32
          %mul3A_258 = vector.broadcast %mul3A_257 : i32 to vector<16xi32>
          %mul3A_259 = arith.muli %get3A_251, %mul3A_258 : vector<16xi32>
          %add3A_260 = arith.addi %mul3A_259, %get3A_247 : vector<16xi32>
          %sub3A = vector.broadcast %mul3A_66 : i32 to vector<16xi32>
          %sub3A_261 = arith.subi %add3A_260, %sub3A : vector<16xi32>
          %jit3A = arith.constant 0 : i32
          %broadcast_in_dim3A_262 = vector.broadcast %jit3A : i32 to vector<16xi32>
          %select_n3A = arith.select %and3A, %sub3A_261, %broadcast_in_dim3A_262 : vector<16xi1>, vector<16xi32>
          %mul3A_263 = arith.constant 16 : i32
          %mul3A_264 = arith.muli %scan3A_237, %mul3A_263 : i32
          %add3A_265 = arith.constant 1 : i32
          %add3A_266 = arith.addi %mul3A_264, %add3A_265 : i32
          %mul3A_267 = arith.constant 16 : i32
          %mul3A_268 = arith.muli %add3A_266, %mul3A_267 : i32
          %get3A_269 = arith.constant 1 : i32
          %get3A_270 = arith.index_cast %get3A_269 : i32 to index
          %get3A_271 = arith.index_cast %mul3A_268 : i32 to index
          %get3A_272 = tpu.vector_load %arg8[%get3A_270, %get3A_271] {strides = array<i32>} : memref<2x8192xi32, #tpu.memory_space<vmem>>, vector<16xi32>,
          %get3A_273 = arith.constant 1 : i32
          %get3A_274 = arith.index_cast %get3A_273 : i32 to index
          %get3A_275 = arith.index_cast %mul3A_268 : i32 to index
          %get3A_276 = tpu.vector_load %arg9[%get3A_274, %get3A_275] {strides = array<i32>} : memref<2x8192xi32, #tpu.memory_space<vmem>>, vector<16xi32>,
          %ge3A_277 = vector.broadcast %mul3A_64 : i32 to vector<16xi32>
          %ge3A_278 = arith.cmpi sge, %get3A_276, %ge3A_277 : vector<16xi32>
          %add3A_279 = arith.constant 8 : i32
          %add3A_280 = arith.addi %mul3A_64, %add3A_279 : i32
          %lt3A_281 = vector.broadcast %add3A_280 : i32 to vector<16xi32>
          %lt3A_282 = arith.cmpi slt, %get3A_276, %lt3A_281 : vector<16xi32>
          %and3A_283 = arith.andi %ge3A_278, %lt3A_282 : vector<16xi1>
          %mul3A_284 = arith.constant 8192 : i32
          %mul3A_285 = vector.broadcast %mul3A_284 : i32 to vector<16xi32>
          %mul3A_286 = arith.muli %get3A_276, %mul3A_285 : vector<16xi32>
          %add3A_287 = arith.addi %mul3A_286, %get3A_272 : vector<16xi32>
          %sub3A_288 = vector.broadcast %mul3A_66 : i32 to vector<16xi32>
          %sub3A_289 = arith.subi %add3A_287, %sub3A_288 : vector<16xi32>
          %jit3A_290 = arith.constant 0 : i32
          %broadcast_in_dim3A_291 = vector.broadcast %jit3A_290 : i32 to vector<16xi32>
          %select_n3A_292 = arith.select %and3A_283, %sub3A_289, %broadcast_in_dim3A_291 : vector<16xi1>, vector<16xi32>
          %mul3A_293 = arith.constant 16 : i32
          %mul3A_294 = arith.muli %scan3A_237, %mul3A_293 : i32
          %add3A_295 = arith.constant 2 : i32
          %add3A_296 = arith.addi %mul3A_294, %add3A_295 : i32
          %mul3A_297 = arith.constant 16 : i32
          %mul3A_298 = arith.muli %add3A_296, %mul3A_297 : i32
          %get3A_299 = arith.constant 1 : i32
          %get3A_300 = arith.index_cast %get3A_299 : i32 to index
          %get3A_301 = arith.index_cast %mul3A_298 : i32 to index
          %get3A_302 = tpu.vector_load %arg8[%get3A_300, %get3A_301] {strides = array<i32>} : memref<2x8192xi32, #tpu.memory_space<vmem>>, vector<16xi32>,
          %get3A_303 = arith.constant 1 : i32
          %get3A_304 = arith.index_cast %get3A_303 : i32 to index
          %get3A_305 = arith.index_cast %mul3A_298 : i32 to index
          %get3A_306 = tpu.vector_load %arg9[%get3A_304, %get3A_305] {strides = array<i32>} : memref<2x8192xi32, #tpu.memory_space<vmem>>, vector<16xi32>,
          %ge3A_307 = vector.broadcast %mul3A_64 : i32 to vector<16xi32>
          %ge3A_308 = arith.cmpi sge, %get3A_306, %ge3A_307 : vector<16xi32>
          %add3A_309 = arith.constant 8 : i32
          %add3A_310 = arith.addi %mul3A_64, %add3A_309 : i32
          %lt3A_311 = vector.broadcast %add3A_310 : i32 to vector<16xi32>
          %lt3A_312 = arith.cmpi slt, %get3A_306, %lt3A_311 : vector<16xi32>
          %and3A_313 = arith.andi %ge3A_308, %lt3A_312 : vector<16xi1>
          %mul3A_314 = arith.constant 8192 : i32
          %mul3A_315 = vector.broadcast %mul3A_314 : i32 to vector<16xi32>
          %mul3A_316 = arith.muli %get3A_306, %mul3A_315 : vector<16xi32>
          %add3A_317 = arith.addi %mul3A_316, %get3A_302 : vector<16xi32>
          %sub3A_318 = vector.broadcast %mul3A_66 : i32 to vector<16xi32>
          %sub3A_319 = arith.subi %add3A_317, %sub3A_318 : vector<16xi32>
          %jit3A_320 = arith.constant 0 : i32
          %broadcast_in_dim3A_321 = vector.broadcast %jit3A_320 : i32 to vector<16xi32>
          %select_n3A_322 = arith.select %and3A_313, %sub3A_319, %broadcast_in_dim3A_321 : vector<16xi1>, vector<16xi32>
          %mul3A_323 = arith.constant 16 : i32
          %mul3A_324 = arith.muli %scan3A_237, %mul3A_323 : i32
          %add3A_325 = arith.constant 3 : i32
          %add3A_326 = arith.addi %mul3A_324, %add3A_325 : i32
          %mul3A_327 = arith.constant 16 : i32
          %mul3A_328 = arith.muli %add3A_326, %mul3A_327 : i32
          %get3A_329 = arith.constant 1 : i32
          %get3A_330 = arith.index_cast %get3A_329 : i32 to index
          %get3A_331 = arith.index_cast %mul3A_328 : i32 to index
          %get3A_332 = tpu.vector_load %arg8[%get3A_330, %get3A_331] {strides = array<i32>} : memref<2x8192xi32, #tpu.memory_space<vmem>>, vector<16xi32>,
          %get3A_333 = arith.constant 1 : i32
          %get3A_334 = arith.index_cast %get3A_333 : i32 to index
          %get3A_335 = arith.index_cast %mul3A_328 : i32 to index
          %get3A_336 = tpu.vector_load %arg9[%get3A_334, %get3A_335] {strides = array<i32>} : memref<2x8192xi32, #tpu.memory_space<vmem>>, vector<16xi32>,
          %ge3A_337 = vector.broadcast %mul3A_64 : i32 to vector<16xi32>
          %ge3A_338 = arith.cmpi sge, %get3A_336, %ge3A_337 : vector<16xi32>
          %add3A_339 = arith.constant 8 : i32
          %add3A_340 = arith.addi %mul3A_64, %add3A_339 : i32
          %lt3A_341 = vector.broadcast %add3A_340 : i32 to vector<16xi32>
          %lt3A_342 = arith.cmpi slt, %get3A_336, %lt3A_341 : vector<16xi32>
          %and3A_343 = arith.andi %ge3A_338, %lt3A_342 : vector<16xi1>
          %mul3A_344 = arith.constant 8192 : i32
          %mul3A_345 = vector.broadcast %mul3A_344 : i32 to vector<16xi32>
          %mul3A_346 = arith.muli %get3A_336, %mul3A_345 : vector<16xi32>
          %add3A_347 = arith.addi %mul3A_346, %get3A_332 : vector<16xi32>
          %sub3A_348 = vector.broadcast %mul3A_66 : i32 to vector<16xi32>
          %sub3A_349 = arith.subi %add3A_347, %sub3A_348 : vector<16xi32>
          %jit3A_350 = arith.constant 0 : i32
          %broadcast_in_dim3A_351 = vector.broadcast %jit3A_350 : i32 to vector<16xi32>
          %select_n3A_352 = arith.select %and3A_343, %sub3A_349, %broadcast_in_dim3A_351 : vector<16xi1>, vector<16xi32>
          %mul3A_353 = arith.constant 16 : i32
          %mul3A_354 = arith.muli %scan3A_237, %mul3A_353 : i32
          %add3A_355 = arith.constant 4 : i32
          %add3A_356 = arith.addi %mul3A_354, %add3A_355 : i32
          %mul3A_357 = arith.constant 16 : i32
          %mul3A_358 = arith.muli %add3A_356, %mul3A_357 : i32
          %get3A_359 = arith.constant 1 : i32
          %get3A_360 = arith.index_cast %get3A_359 : i32 to index
          %get3A_361 = arith.index_cast %mul3A_358 : i32 to index
          %get3A_362 = tpu.vector_load %arg8[%get3A_360, %get3A_361] {strides = array<i32>} : memref<2x8192xi32, #tpu.memory_space<vmem>>, vector<16xi32>,
          %get3A_363 = arith.constant 1 : i32
          %get3A_364 = arith.index_cast %get3A_363 : i32 to index
          %get3A_365 = arith.index_cast %mul3A_358 : i32 to index
          %get3A_366 = tpu.vector_load %arg9[%get3A_364, %get3A_365] {strides = array<i32>} : memref<2x8192xi32, #tpu.memory_space<vmem>>, vector<16xi32>,
          %ge3A_367 = vector.broadcast %mul3A_64 : i32 to vector<16xi32>
          %ge3A_368 = arith.cmpi sge, %get3A_366, %ge3A_367 : vector<16xi32>
          %add3A_369 = arith.constant 8 : i32
          %add3A_370 = arith.addi %mul3A_64, %add3A_369 : i32
          %lt3A_371 = vector.broadcast %add3A_370 : i32 to vector<16xi32>
          %lt3A_372 = arith.cmpi slt, %get3A_366, %lt3A_371 : vector<16xi32>
          %and3A_373 = arith.andi %ge3A_368, %lt3A_372 : vector<16xi1>
          %mul3A_374 = arith.constant 8192 : i32
          %mul3A_375 = vector.broadcast %mul3A_374 : i32 to vector<16xi32>
          %mul3A_376 = arith.muli %get3A_366, %mul3A_375 : vector<16xi32>
          %add3A_377 = arith.addi %mul3A_376, %get3A_362 : vector<16xi32>
          %sub3A_378 = vector.broadcast %mul3A_66 : i32 to vector<16xi32>
          %sub3A_379 = arith.subi %add3A_377, %sub3A_378 : vector<16xi32>
          %jit3A_380 = arith.constant 0 : i32
          %broadcast_in_dim3A_381 = vector.broadcast %jit3A_380 : i32 to vector<16xi32>
          %select_n3A_382 = arith.select %and3A_373, %sub3A_379, %broadcast_in_dim3A_381 : vector<16xi1>, vector<16xi32>
          %mul3A_383 = arith.constant 16 : i32
          %mul3A_384 = arith.muli %scan3A_237, %mul3A_383 : i32
          %add3A_385 = arith.constant 5 : i32
          %add3A_386 = arith.addi %mul3A_384, %add3A_385 : i32
          %mul3A_387 = arith.constant 16 : i32
          %mul3A_388 = arith.muli %add3A_386, %mul3A_387 : i32
          %get3A_389 = arith.constant 1 : i32
          %get3A_390 = arith.index_cast %get3A_389 : i32 to index
          %get3A_391 = arith.index_cast %mul3A_388 : i32 to index
          %get3A_392 = tpu.vector_load %arg8[%get3A_390, %get3A_391] {strides = array<i32>} : memref<2x8192xi32, #tpu.memory_space<vmem>>, vector<16xi32>,
          %get3A_393 = arith.constant 1 : i32
          %get3A_394 = arith.index_cast %get3A_393 : i32 to index
          %get3A_395 = arith.index_cast %mul3A_388 : i32 to index
          %get3A_396 = tpu.vector_load %arg9[%get3A_394, %get3A_395] {strides = array<i32>} : memref<2x8192xi32, #tpu.memory_space<vmem>>, vector<16xi32>,
          %ge3A_397 = vector.broadcast %mul3A_64 : i32 to vector<16xi32>
          %ge3A_398 = arith.cmpi sge, %get3A_396, %ge3A_397 : vector<16xi32>
          %add3A_399 = arith.constant 8 : i32
          %add3A_400 = arith.addi %mul3A_64, %add3A_399 : i32
          %lt3A_401 = vector.broadcast %add3A_400 : i32 to vector<16xi32>
          %lt3A_402 = arith.cmpi slt, %get3A_396, %lt3A_401 : vector<16xi32>
          %and3A_403 = arith.andi %ge3A_398, %lt3A_402 : vector<16xi1>
          %mul3A_404 = arith.constant 8192 : i32
          %mul3A_405 = vector.broadcast %mul3A_404 : i32 to vector<16xi32>
          %mul3A_406 = arith.muli %get3A_396, %mul3A_405 : vector<16xi32>
          %add3A_407 = arith.addi %mul3A_406, %get3A_392 : vector<16xi32>
          %sub3A_408 = vector.broadcast %mul3A_66 : i32 to vector<16xi32>
          %sub3A_409 = arith.subi %add3A_407, %sub3A_408 : vector<16xi32>
          %jit3A_410 = arith.constant 0 : i32
          %broadcast_in_dim3A_411 = vector.broadcast %jit3A_410 : i32 to vector<16xi32>
          %select_n3A_412 = arith.select %and3A_403, %sub3A_409, %broadcast_in_dim3A_411 : vector<16xi1>, vector<16xi32>
          %mul3A_413 = arith.constant 16 : i32
          %mul3A_414 = arith.muli %scan3A_237, %mul3A_413 : i32
          %add3A_415 = arith.constant 6 : i32
          %add3A_416 = arith.addi %mul3A_414, %add3A_415 : i32
          %mul3A_417 = arith.constant 16 : i32
          %mul3A_418 = arith.muli %add3A_416, %mul3A_417 : i32
          %get3A_419 = arith.constant 1 : i32
          %get3A_420 = arith.index_cast %get3A_419 : i32 to index
          %get3A_421 = arith.index_cast %mul3A_418 : i32 to index
          %get3A_422 = tpu.vector_load %arg8[%get3A_420, %get3A_421] {strides = array<i32>} : memref<2x8192xi32, #tpu.memory_space<vmem>>, vector<16xi32>,
          %get3A_423 = arith.constant 1 : i32
          %get3A_424 = arith.index_cast %get3A_423 : i32 to index
          %get3A_425 = arith.index_cast %mul3A_418 : i32 to index
          %get3A_426 = tpu.vector_load %arg9[%get3A_424, %get3A_425] {strides = array<i32>} : memref<2x8192xi32, #tpu.memory_space<vmem>>, vector<16xi32>,
          %ge3A_427 = vector.broadcast %mul3A_64 : i32 to vector<16xi32>
          %ge3A_428 = arith.cmpi sge, %get3A_426, %ge3A_427 : vector<16xi32>
          %add3A_429 = arith.constant 8 : i32
          %add3A_430 = arith.addi %mul3A_64, %add3A_429 : i32
          %lt3A_431 = vector.broadcast %add3A_430 : i32 to vector<16xi32>
          %lt3A_432 = arith.cmpi slt, %get3A_426, %lt3A_431 : vector<16xi32>
          %and3A_433 = arith.andi %ge3A_428, %lt3A_432 : vector<16xi1>
          %mul3A_434 = arith.constant 8192 : i32
          %mul3A_435 = vector.broadcast %mul3A_434 : i32 to vector<16xi32>
          %mul3A_436 = arith.muli %get3A_426, %mul3A_435 : vector<16xi32>
          %add3A_437 = arith.addi %mul3A_436, %get3A_422 : vector<16xi32>
          %sub3A_438 = vector.broadcast %mul3A_66 : i32 to vector<16xi32>
          %sub3A_439 = arith.subi %add3A_437, %sub3A_438 : vector<16xi32>
          %jit3A_440 = arith.constant 0 : i32
          %broadcast_in_dim3A_441 = vector.broadcast %jit3A_440 : i32 to vector<16xi32>
          %select_n3A_442 = arith.select %and3A_433, %sub3A_439, %broadcast_in_dim3A_441 : vector<16xi1>, vector<16xi32>
          %mul3A_443 = arith.constant 16 : i32
          %mul3A_444 = arith.muli %scan3A_237, %mul3A_443 : i32
          %add3A_445 = arith.constant 7 : i32
          %add3A_446 = arith.addi %mul3A_444, %add3A_445 : i32
          %mul3A_447 = arith.constant 16 : i32
          %mul3A_448 = arith.muli %add3A_446, %mul3A_447 : i32
          %get3A_449 = arith.constant 1 : i32
          %get3A_450 = arith.index_cast %get3A_449 : i32 to index
          %get3A_451 = arith.index_cast %mul3A_448 : i32 to index
          %get3A_452 = tpu.vector_load %arg8[%get3A_450, %get3A_451] {strides = array<i32>} : memref<2x8192xi32, #tpu.memory_space<vmem>>, vector<16xi32>,
          %get3A_453 = arith.constant 1 : i32
          %get3A_454 = arith.index_cast %get3A_453 : i32 to index
          %get3A_455 = arith.index_cast %mul3A_448 : i32 to index
          %get3A_456 = tpu.vector_load %arg9[%get3A_454, %get3A_455] {strides = array<i32>} : memref<2x8192xi32, #tpu.memory_space<vmem>>, vector<16xi32>,
          %ge3A_457 = vector.broadcast %mul3A_64 : i32 to vector<16xi32>
          %ge3A_458 = arith.cmpi sge, %get3A_456, %ge3A_457 : vector<16xi32>
          %add3A_459 = arith.constant 8 : i32
          %add3A_460 = arith.addi %mul3A_64, %add3A_459 : i32
          %lt3A_461 = vector.broadcast %add3A_460 : i32 to vector<16xi32>
          %lt3A_462 = arith.cmpi slt, %get3A_456, %lt3A_461 : vector<16xi32>
          %and3A_463 = arith.andi %ge3A_458, %lt3A_462 : vector<16xi1>
          %mul3A_464 = arith.constant 8192 : i32
          %mul3A_465 = vector.broadcast %mul3A_464 : i32 to vector<16xi32>
          %mul3A_466 = arith.muli %get3A_456, %mul3A_465 : vector<16xi32>
          %add3A_467 = arith.addi %mul3A_466, %get3A_452 : vector<16xi32>
          %sub3A_468 = vector.broadcast %mul3A_66 : i32 to vector<16xi32>
          %sub3A_469 = arith.subi %add3A_467, %sub3A_468 : vector<16xi32>
          %jit3A_470 = arith.constant 0 : i32
          %broadcast_in_dim3A_471 = vector.broadcast %jit3A_470 : i32 to vector<16xi32>
          %select_n3A_472 = arith.select %and3A_463, %sub3A_469, %broadcast_in_dim3A_471 : vector<16xi1>, vector<16xi32>
          %mul3A_473 = arith.constant 16 : i32
          %mul3A_474 = arith.muli %scan3A_237, %mul3A_473 : i32
          %add3A_475 = arith.constant 8 : i32
          %add3A_476 = arith.addi %mul3A_474, %add3A_475 : i32
          %mul3A_477 = arith.constant 16 : i32
          %mul3A_478 = arith.muli %add3A_476, %mul3A_477 : i32
          %get3A_479 = arith.constant 1 : i32
          %get3A_480 = arith.index_cast %get3A_479 : i32 to index
          %get3A_481 = arith.index_cast %mul3A_478 : i32 to index
          %get3A_482 = tpu.vector_load %arg8[%get3A_480, %get3A_481] {strides = array<i32>} : memref<2x8192xi32, #tpu.memory_space<vmem>>, vector<16xi32>,
          %get3A_483 = arith.constant 1 : i32
          %get3A_484 = arith.index_cast %get3A_483 : i32 to index
          %get3A_485 = arith.index_cast %mul3A_478 : i32 to index
          %get3A_486 = tpu.vector_load %arg9[%get3A_484, %get3A_485] {strides = array<i32>} : memref<2x8192xi32, #tpu.memory_space<vmem>>, vector<16xi32>,
          %ge3A_487 = vector.broadcast %mul3A_64 : i32 to vector<16xi32>
          %ge3A_488 = arith.cmpi sge, %get3A_486, %ge3A_487 : vector<16xi32>
          %add3A_489 = arith.constant 8 : i32
          %add3A_490 = arith.addi %mul3A_64, %add3A_489 : i32
          %lt3A_491 = vector.broadcast %add3A_490 : i32 to vector<16xi32>
          %lt3A_492 = arith.cmpi slt, %get3A_486, %lt3A_491 : vector<16xi32>
          %and3A_493 = arith.andi %ge3A_488, %lt3A_492 : vector<16xi1>
          %mul3A_494 = arith.constant 8192 : i32
          %mul3A_495 = vector.broadcast %mul3A_494 : i32 to vector<16xi32>
          %mul3A_496 = arith.muli %get3A_486, %mul3A_495 : vector<16xi32>
          %add3A_497 = arith.addi %mul3A_496, %get3A_482 : vector<16xi32>
          %sub3A_498 = vector.broadcast %mul3A_66 : i32 to vector<16xi32>
          %sub3A_499 = arith.subi %add3A_497, %sub3A_498 : vector<16xi32>
          %jit3A_500 = arith.constant 0 : i32
          %broadcast_in_dim3A_501 = vector.broadcast %jit3A_500 : i32 to vector<16xi32>
          %select_n3A_502 = arith.select %and3A_493, %sub3A_499, %broadcast_in_dim3A_501 : vector<16xi1>, vector<16xi32>
          %mul3A_503 = arith.constant 16 : i32
          %mul3A_504 = arith.muli %scan3A_237, %mul3A_503 : i32
          %add3A_505 = arith.constant 9 : i32
          %add3A_506 = arith.addi %mul3A_504, %add3A_505 : i32
          %mul3A_507 = arith.constant 16 : i32
          %mul3A_508 = arith.muli %add3A_506, %mul3A_507 : i32
          %get3A_509 = arith.constant 1 : i32
          %get3A_510 = arith.index_cast %get3A_509 : i32 to index
          %get3A_511 = arith.index_cast %mul3A_508 : i32 to index
          %get3A_512 = tpu.vector_load %arg8[%get3A_510, %get3A_511] {strides = array<i32>} : memref<2x8192xi32, #tpu.memory_space<vmem>>, vector<16xi32>,
          %get3A_513 = arith.constant 1 : i32
          %get3A_514 = arith.index_cast %get3A_513 : i32 to index
          %get3A_515 = arith.index_cast %mul3A_508 : i32 to index
          %get3A_516 = tpu.vector_load %arg9[%get3A_514, %get3A_515] {strides = array<i32>} : memref<2x8192xi32, #tpu.memory_space<vmem>>, vector<16xi32>,
          %ge3A_517 = vector.broadcast %mul3A_64 : i32 to vector<16xi32>
          %ge3A_518 = arith.cmpi sge, %get3A_516, %ge3A_517 : vector<16xi32>
          %add3A_519 = arith.constant 8 : i32
          %add3A_520 = arith.addi %mul3A_64, %add3A_519 : i32
          %lt3A_521 = vector.broadcast %add3A_520 : i32 to vector<16xi32>
          %lt3A_522 = arith.cmpi slt, %get3A_516, %lt3A_521 : vector<16xi32>
          %and3A_523 = arith.andi %ge3A_518, %lt3A_522 : vector<16xi1>
          %mul3A_524 = arith.constant 8192 : i32
          %mul3A_525 = vector.broadcast %mul3A_524 : i32 to vector<16xi32>
          %mul3A_526 = arith.muli %get3A_516, %mul3A_525 : vector<16xi32>
          %add3A_527 = arith.addi %mul3A_526, %get3A_512 : vector<16xi32>
          %sub3A_528 = vector.broadcast %mul3A_66 : i32 to vector<16xi32>
          %sub3A_529 = arith.subi %add3A_527, %sub3A_528 : vector<16xi32>
          %jit3A_530 = arith.constant 0 : i32
          %broadcast_in_dim3A_531 = vector.broadcast %jit3A_530 : i32 to vector<16xi32>
          %select_n3A_532 = arith.select %and3A_523, %sub3A_529, %broadcast_in_dim3A_531 : vector<16xi1>, vector<16xi32>
          %mul3A_533 = arith.constant 16 : i32
          %mul3A_534 = arith.muli %scan3A_237, %mul3A_533 : i32
          %add3A_535 = arith.constant 10 : i32
          %add3A_536 = arith.addi %mul3A_534, %add3A_535 : i32
          %mul3A_537 = arith.constant 16 : i32
          %mul3A_538 = arith.muli %add3A_536, %mul3A_537 : i32
          %get3A_539 = arith.constant 1 : i32
          %get3A_540 = arith.index_cast %get3A_539 : i32 to index
          %get3A_541 = arith.index_cast %mul3A_538 : i32 to index
          %get3A_542 = tpu.vector_load %arg8[%get3A_540, %get3A_541] {strides = array<i32>} : memref<2x8192xi32, #tpu.memory_space<vmem>>, vector<16xi32>,
          %get3A_543 = arith.constant 1 : i32
          %get3A_544 = arith.index_cast %get3A_543 : i32 to index
          %get3A_545 = arith.index_cast %mul3A_538 : i32 to index
          %get3A_546 = tpu.vector_load %arg9[%get3A_544, %get3A_545] {strides = array<i32>} : memref<2x8192xi32, #tpu.memory_space<vmem>>, vector<16xi32>,
          %ge3A_547 = vector.broadcast %mul3A_64 : i32 to vector<16xi32>
          %ge3A_548 = arith.cmpi sge, %get3A_546, %ge3A_547 : vector<16xi32>
          %add3A_549 = arith.constant 8 : i32
          %add3A_550 = arith.addi %mul3A_64, %add3A_549 : i32
          %lt3A_551 = vector.broadcast %add3A_550 : i32 to vector<16xi32>
          %lt3A_552 = arith.cmpi slt, %get3A_546, %lt3A_551 : vector<16xi32>
          %and3A_553 = arith.andi %ge3A_548, %lt3A_552 : vector<16xi1>
          %mul3A_554 = arith.constant 8192 : i32
          %mul3A_555 = vector.broadcast %mul3A_554 : i32 to vector<16xi32>
          %mul3A_556 = arith.muli %get3A_546, %mul3A_555 : vector<16xi32>
          %add3A_557 = arith.addi %mul3A_556, %get3A_542 : vector<16xi32>
          %sub3A_558 = vector.broadcast %mul3A_66 : i32 to vector<16xi32>
          %sub3A_559 = arith.subi %add3A_557, %sub3A_558 : vector<16xi32>
          %jit3A_560 = arith.constant 0 : i32
          %broadcast_in_dim3A_561 = vector.broadcast %jit3A_560 : i32 to vector<16xi32>
          %select_n3A_562 = arith.select %and3A_553, %sub3A_559, %broadcast_in_dim3A_561 : vector<16xi1>, vector<16xi32>
          %mul3A_563 = arith.constant 16 : i32
          %mul3A_564 = arith.muli %scan3A_237, %mul3A_563 : i32
          %add3A_565 = arith.constant 11 : i32
          %add3A_566 = arith.addi %mul3A_564, %add3A_565 : i32
          %mul3A_567 = arith.constant 16 : i32
          %mul3A_568 = arith.muli %add3A_566, %mul3A_567 : i32
          %get3A_569 = arith.constant 1 : i32
          %get3A_570 = arith.index_cast %get3A_569 : i32 to index
          %get3A_571 = arith.index_cast %mul3A_568 : i32 to index
          %get3A_572 = tpu.vector_load %arg8[%get3A_570, %get3A_571] {strides = array<i32>} : memref<2x8192xi32, #tpu.memory_space<vmem>>, vector<16xi32>,
          %get3A_573 = arith.constant 1 : i32
          %get3A_574 = arith.index_cast %get3A_573 : i32 to index
          %get3A_575 = arith.index_cast %mul3A_568 : i32 to index
          %get3A_576 = tpu.vector_load %arg9[%get3A_574, %get3A_575] {strides = array<i32>} : memref<2x8192xi32, #tpu.memory_space<vmem>>, vector<16xi32>,
          %ge3A_577 = vector.broadcast %mul3A_64 : i32 to vector<16xi32>
          %ge3A_578 = arith.cmpi sge, %get3A_576, %ge3A_577 : vector<16xi32>
          %add3A_579 = arith.constant 8 : i32
          %add3A_580 = arith.addi %mul3A_64, %add3A_579 : i32
          %lt3A_581 = vector.broadcast %add3A_580 : i32 to vector<16xi32>
          %lt3A_582 = arith.cmpi slt, %get3A_576, %lt3A_581 : vector<16xi32>
          %and3A_583 = arith.andi %ge3A_578, %lt3A_582 : vector<16xi1>
          %mul3A_584 = arith.constant 8192 : i32
          %mul3A_585 = vector.broadcast %mul3A_584 : i32 to vector<16xi32>
          %mul3A_586 = arith.muli %get3A_576, %mul3A_585 : vector<16xi32>
          %add3A_587 = arith.addi %mul3A_586, %get3A_572 : vector<16xi32>
          %sub3A_588 = vector.broadcast %mul3A_66 : i32 to vector<16xi32>
          %sub3A_589 = arith.subi %add3A_587, %sub3A_588 : vector<16xi32>
          %jit3A_590 = arith.constant 0 : i32
          %broadcast_in_dim3A_591 = vector.broadcast %jit3A_590 : i32 to vector<16xi32>
          %select_n3A_592 = arith.select %and3A_583, %sub3A_589, %broadcast_in_dim3A_591 : vector<16xi1>, vector<16xi32>
          %mul3A_593 = arith.constant 16 : i32
          %mul3A_594 = arith.muli %scan3A_237, %mul3A_593 : i32
          %add3A_595 = arith.constant 12 : i32
          %add3A_596 = arith.addi %mul3A_594, %add3A_595 : i32
          %mul3A_597 = arith.constant 16 : i32
          %mul3A_598 = arith.muli %add3A_596, %mul3A_597 : i32
          %get3A_599 = arith.constant 1 : i32
          %get3A_600 = arith.index_cast %get3A_599 : i32 to index
          %get3A_601 = arith.index_cast %mul3A_598 : i32 to index
          %get3A_602 = tpu.vector_load %arg8[%get3A_600, %get3A_601] {strides = array<i32>} : memref<2x8192xi32, #tpu.memory_space<vmem>>, vector<16xi32>,
          %get3A_603 = arith.constant 1 : i32
          %get3A_604 = arith.index_cast %get3A_603 : i32 to index
          %get3A_605 = arith.index_cast %mul3A_598 : i32 to index
          %get3A_606 = tpu.vector_load %arg9[%get3A_604, %get3A_605] {strides = array<i32>} : memref<2x8192xi32, #tpu.memory_space<vmem>>, vector<16xi32>,
          %ge3A_607 = vector.broadcast %mul3A_64 : i32 to vector<16xi32>
          %ge3A_608 = arith.cmpi sge, %get3A_606, %ge3A_607 : vector<16xi32>
          %add3A_609 = arith.constant 8 : i32
          %add3A_610 = arith.addi %mul3A_64, %add3A_609 : i32
          %lt3A_611 = vector.broadcast %add3A_610 : i32 to vector<16xi32>
          %lt3A_612 = arith.cmpi slt, %get3A_606, %lt3A_611 : vector<16xi32>
          %and3A_613 = arith.andi %ge3A_608, %lt3A_612 : vector<16xi1>
          %mul3A_614 = arith.constant 8192 : i32
          %mul3A_615 = vector.broadcast %mul3A_614 : i32 to vector<16xi32>
          %mul3A_616 = arith.muli %get3A_606, %mul3A_615 : vector<16xi32>
          %add3A_617 = arith.addi %mul3A_616, %get3A_602 : vector<16xi32>
          %sub3A_618 = vector.broadcast %mul3A_66 : i32 to vector<16xi32>
          %sub3A_619 = arith.subi %add3A_617, %sub3A_618 : vector<16xi32>
          %jit3A_620 = arith.constant 0 : i32
          %broadcast_in_dim3A_621 = vector.broadcast %jit3A_620 : i32 to vector<16xi32>
          %select_n3A_622 = arith.select %and3A_613, %sub3A_619, %broadcast_in_dim3A_621 : vector<16xi1>, vector<16xi32>
          %mul3A_623 = arith.constant 16 : i32
          %mul3A_624 = arith.muli %scan3A_237, %mul3A_623 : i32
          %add3A_625 = arith.constant 13 : i32
          %add3A_626 = arith.addi %mul3A_624, %add3A_625 : i32
          %mul3A_627 = arith.constant 16 : i32
          %mul3A_628 = arith.muli %add3A_626, %mul3A_627 : i32
          %get3A_629 = arith.constant 1 : i32
          %get3A_630 = arith.index_cast %get3A_629 : i32 to index
          %get3A_631 = arith.index_cast %mul3A_628 : i32 to index
          %get3A_632 = tpu.vector_load %arg8[%get3A_630, %get3A_631] {strides = array<i32>} : memref<2x8192xi32, #tpu.memory_space<vmem>>, vector<16xi32>,
          %get3A_633 = arith.constant 1 : i32
          %get3A_634 = arith.index_cast %get3A_633 : i32 to index
          %get3A_635 = arith.index_cast %mul3A_628 : i32 to index
          %get3A_636 = tpu.vector_load %arg9[%get3A_634, %get3A_635] {strides = array<i32>} : memref<2x8192xi32, #tpu.memory_space<vmem>>, vector<16xi32>,
          %ge3A_637 = vector.broadcast %mul3A_64 : i32 to vector<16xi32>
          %ge3A_638 = arith.cmpi sge, %get3A_636, %ge3A_637 : vector<16xi32>
          %add3A_639 = arith.constant 8 : i32
          %add3A_640 = arith.addi %mul3A_64, %add3A_639 : i32
          %lt3A_641 = vector.broadcast %add3A_640 : i32 to vector<16xi32>
          %lt3A_642 = arith.cmpi slt, %get3A_636, %lt3A_641 : vector<16xi32>
          %and3A_643 = arith.andi %ge3A_638, %lt3A_642 : vector<16xi1>
          %mul3A_644 = arith.constant 8192 : i32
          %mul3A_645 = vector.broadcast %mul3A_644 : i32 to vector<16xi32>
          %mul3A_646 = arith.muli %get3A_636, %mul3A_645 : vector<16xi32>
          %add3A_647 = arith.addi %mul3A_646, %get3A_632 : vector<16xi32>
          %sub3A_648 = vector.broadcast %mul3A_66 : i32 to vector<16xi32>
          %sub3A_649 = arith.subi %add3A_647, %sub3A_648 : vector<16xi32>
          %jit3A_650 = arith.constant 0 : i32
          %broadcast_in_dim3A_651 = vector.broadcast %jit3A_650 : i32 to vector<16xi32>
          %select_n3A_652 = arith.select %and3A_643, %sub3A_649, %broadcast_in_dim3A_651 : vector<16xi1>, vector<16xi32>
          %mul3A_653 = arith.constant 16 : i32
          %mul3A_654 = arith.muli %scan3A_237, %mul3A_653 : i32
          %add3A_655 = arith.constant 14 : i32
          %add3A_656 = arith.addi %mul3A_654, %add3A_655 : i32
          %mul3A_657 = arith.constant 16 : i32
          %mul3A_658 = arith.muli %add3A_656, %mul3A_657 : i32
          %get3A_659 = arith.constant 1 : i32
          %get3A_660 = arith.index_cast %get3A_659 : i32 to index
          %get3A_661 = arith.index_cast %mul3A_658 : i32 to index
          %get3A_662 = tpu.vector_load %arg8[%get3A_660, %get3A_661] {strides = array<i32>} : memref<2x8192xi32, #tpu.memory_space<vmem>>, vector<16xi32>,
          %get3A_663 = arith.constant 1 : i32
          %get3A_664 = arith.index_cast %get3A_663 : i32 to index
          %get3A_665 = arith.index_cast %mul3A_658 : i32 to index
          %get3A_666 = tpu.vector_load %arg9[%get3A_664, %get3A_665] {strides = array<i32>} : memref<2x8192xi32, #tpu.memory_space<vmem>>, vector<16xi32>,
          %ge3A_667 = vector.broadcast %mul3A_64 : i32 to vector<16xi32>
          %ge3A_668 = arith.cmpi sge, %get3A_666, %ge3A_667 : vector<16xi32>
          %add3A_669 = arith.constant 8 : i32
          %add3A_670 = arith.addi %mul3A_64, %add3A_669 : i32
          %lt3A_671 = vector.broadcast %add3A_670 : i32 to vector<16xi32>
          %lt3A_672 = arith.cmpi slt, %get3A_666, %lt3A_671 : vector<16xi32>
          %and3A_673 = arith.andi %ge3A_668, %lt3A_672 : vector<16xi1>
          %mul3A_674 = arith.constant 8192 : i32
          %mul3A_675 = vector.broadcast %mul3A_674 : i32 to vector<16xi32>
          %mul3A_676 = arith.muli %get3A_666, %mul3A_675 : vector<16xi32>
          %add3A_677 = arith.addi %mul3A_676, %get3A_662 : vector<16xi32>
          %sub3A_678 = vector.broadcast %mul3A_66 : i32 to vector<16xi32>
          %sub3A_679 = arith.subi %add3A_677, %sub3A_678 : vector<16xi32>
          %jit3A_680 = arith.constant 0 : i32
          %broadcast_in_dim3A_681 = vector.broadcast %jit3A_680 : i32 to vector<16xi32>
          %select_n3A_682 = arith.select %and3A_673, %sub3A_679, %broadcast_in_dim3A_681 : vector<16xi1>, vector<16xi32>
          %mul3A_683 = arith.constant 16 : i32
          %mul3A_684 = arith.muli %scan3A_237, %mul3A_683 : i32
          %add3A_685 = arith.constant 15 : i32
          %add3A_686 = arith.addi %mul3A_684, %add3A_685 : i32
          %mul3A_687 = arith.constant 16 : i32
          %mul3A_688 = arith.muli %add3A_686, %mul3A_687 : i32
          %get3A_689 = arith.constant 1 : i32
          %get3A_690 = arith.index_cast %get3A_689 : i32 to index
          %get3A_691 = arith.index_cast %mul3A_688 : i32 to index
          %get3A_692 = tpu.vector_load %arg8[%get3A_690, %get3A_691] {strides = array<i32>} : memref<2x8192xi32, #tpu.memory_space<vmem>>, vector<16xi32>,
          %get3A_693 = arith.constant 1 : i32
          %get3A_694 = arith.index_cast %get3A_693 : i32 to index
          %get3A_695 = arith.index_cast %mul3A_688 : i32 to index
          %get3A_696 = tpu.vector_load %arg9[%get3A_694, %get3A_695] {strides = array<i32>} : memref<2x8192xi32, #tpu.memory_space<vmem>>, vector<16xi32>,
          %ge3A_697 = vector.broadcast %mul3A_64 : i32 to vector<16xi32>
          %ge3A_698 = arith.cmpi sge, %get3A_696, %ge3A_697 : vector<16xi32>
          %add3A_699 = arith.constant 8 : i32
          %add3A_700 = arith.addi %mul3A_64, %add3A_699 : i32
          %lt3A_701 = vector.broadcast %add3A_700 : i32 to vector<16xi32>
          %lt3A_702 = arith.cmpi slt, %get3A_696, %lt3A_701 : vector<16xi32>
          %and3A_703 = arith.andi %ge3A_698, %lt3A_702 : vector<16xi1>
          %mul3A_704 = arith.constant 8192 : i32
          %mul3A_705 = vector.broadcast %mul3A_704 : i32 to vector<16xi32>
          %mul3A_706 = arith.muli %get3A_696, %mul3A_705 : vector<16xi32>
          %add3A_707 = arith.addi %mul3A_706, %get3A_692 : vector<16xi32>
          %sub3A_708 = vector.broadcast %mul3A_66 : i32 to vector<16xi32>
          %sub3A_709 = arith.subi %add3A_707, %sub3A_708 : vector<16xi32>
          %jit3A_710 = arith.constant 0 : i32
          %broadcast_in_dim3A_711 = vector.broadcast %jit3A_710 : i32 to vector<16xi32>
          %select_n3A_712 = arith.select %and3A_703, %sub3A_709, %broadcast_in_dim3A_711 : vector<16xi1>, vector<16xi32>
          tpu.vector_store_idx %run_scoped3A[%select_n3A], %broadcast_in_dim3A_1 masked %and3A {add = true} : memref<65536xf32, #tpu.memory_space<vmem>>[vector<16xi32>], vector<16xf32>, vector<16xi1>
          tpu.vector_store_idx %run_scoped3A[%select_n3A_292], %broadcast_in_dim3A_1 masked %and3A_283 {add = true} : memref<65536xf32, #tpu.memory_space<vmem>>[vector<16xi32>], vector<16xf32>, vector<16xi1>
          tpu.vector_store_idx %run_scoped3A[%select_n3A_322], %broadcast_in_dim3A_1 masked %and3A_313 {add = true} : memref<65536xf32, #tpu.memory_space<vmem>>[vector<16xi32>], vector<16xf32>, vector<16xi1>
          tpu.vector_store_idx %run_scoped3A[%select_n3A_352], %broadcast_in_dim3A_1 masked %and3A_343 {add = true} : memref<65536xf32, #tpu.memory_space<vmem>>[vector<16xi32>], vector<16xf32>, vector<16xi1>
          tpu.vector_store_idx %run_scoped3A[%select_n3A_382], %broadcast_in_dim3A_1 masked %and3A_373 {add = true} : memref<65536xf32, #tpu.memory_space<vmem>>[vector<16xi32>], vector<16xf32>, vector<16xi1>
          tpu.vector_store_idx %run_scoped3A[%select_n3A_412], %broadcast_in_dim3A_1 masked %and3A_403 {add = true} : memref<65536xf32, #tpu.memory_space<vmem>>[vector<16xi32>], vector<16xf32>, vector<16xi1>
          tpu.vector_store_idx %run_scoped3A[%select_n3A_442], %broadcast_in_dim3A_1 masked %and3A_433 {add = true} : memref<65536xf32, #tpu.memory_space<vmem>>[vector<16xi32>], vector<16xf32>, vector<16xi1>
          tpu.vector_store_idx %run_scoped3A[%select_n3A_472], %broadcast_in_dim3A_1 masked %and3A_463 {add = true} : memref<65536xf32, #tpu.memory_space<vmem>>[vector<16xi32>], vector<16xf32>, vector<16xi1>
          tpu.vector_store_idx %run_scoped3A[%select_n3A_502], %broadcast_in_dim3A_1 masked %and3A_493 {add = true} : memref<65536xf32, #tpu.memory_space<vmem>>[vector<16xi32>], vector<16xf32>, vector<16xi1>
          tpu.vector_store_idx %run_scoped3A[%select_n3A_532], %broadcast_in_dim3A_1 masked %and3A_523 {add = true} : memref<65536xf32, #tpu.memory_space<vmem>>[vector<16xi32>], vector<16xf32>, vector<16xi1>
          tpu.vector_store_idx %run_scoped3A[%select_n3A_562], %broadcast_in_dim3A_1 masked %and3A_553 {add = true} : memref<65536xf32, #tpu.memory_space<vmem>>[vector<16xi32>], vector<16xf32>, vector<16xi1>
          tpu.vector_store_idx %run_scoped3A[%select_n3A_592], %broadcast_in_dim3A_1 masked %and3A_583 {add = true} : memref<65536xf32, #tpu.memory_space<vmem>>[vector<16xi32>], vector<16xf32>, vector<16xi1>
          tpu.vector_store_idx %run_scoped3A[%select_n3A_622], %broadcast_in_dim3A_1 masked %and3A_613 {add = true} : memref<65536xf32, #tpu.memory_space<vmem>>[vector<16xi32>], vector<16xf32>, vector<16xi1>
          tpu.vector_store_idx %run_scoped3A[%select_n3A_652], %broadcast_in_dim3A_1 masked %and3A_643 {add = true} : memref<65536xf32, #tpu.memory_space<vmem>>[vector<16xi32>], vector<16xf32>, vector<16xi1>
          tpu.vector_store_idx %run_scoped3A[%select_n3A_682], %broadcast_in_dim3A_1 masked %and3A_673 {add = true} : memref<65536xf32, #tpu.memory_space<vmem>>[vector<16xi32>], vector<16xf32>, vector<16xi1>
          tpu.vector_store_idx %run_scoped3A[%select_n3A_712], %broadcast_in_dim3A_1 masked %and3A_703 {add = true} : memref<65536xf32, #tpu.memory_space<vmem>>[vector<16xi32>], vector<16xf32>, vector<16xi1>
          %scan3A_713 = arith.constant 0 : i32
          scf.yield %scan3A_713 : i32
        }
        %scan3A_228 = arith.constant 32 : i32
        %add3A_229 = arith.constant 2 : i32
        %add3A_230 = arith.addi %add3A_191, %add3A_229 : i32
        %lt3A_231 = arith.constant 32 : i32
        %lt3A_232 = arith.cmpi slt, %add3A_230, %lt3A_231 : i32
        %convert_element_type3A_233 = arith.extui %lt3A_232 : i1 to i32
        %cond3A_234 = arith.constant 0 : i32
        %cond3A_235 = arith.cmpi ne, %convert_element_type3A_233, %cond3A_234 : i32
        scf.if %cond3A_235 {
          %add3A_237 = arith.constant 2 : i32
          %add3A_238 = arith.addi %add3A_191, %add3A_237 : i32
          %mul3A_239 = arith.constant 8192 : i32
          %mul3A_240 = arith.muli %add3A_238, %mul3A_239 : i32
          %dma_start3A_241 = arith.constant 1 : i32
          %dma_start3A_242 = arith.constant 1 : i32
          %dma_start3A_243 = arith.constant 0 : i32
          %dma_start3A_244 = arith.constant 0 : i32
          %dma_start3A_245 = tpu.memref_slice %arg8[%dma_start3A_241, %dma_start3A_244] : memref<2x8192xi32, #tpu.memory_space<vmem>> -> memref<1x8192xi32, #tpu.memory_space<vmem>>
          %dma_start3A_246 = tpu.memref_squeeze %dma_start3A_245 : memref<1x8192xi32, #tpu.memory_space<vmem>> -> memref<8192xi32, #tpu.memory_space<vmem>>
          %dma_start3A_247 = tpu.memref_slice %arg2[%mul3A_240] : memref<262144xi32, #tpu.memory_space<hbm>> -> memref<8192xi32, #tpu.memory_space<hbm>>
          %dma_start3A_248 = tpu.memref_slice %arg10[%dma_start3A_242, %dma_start3A_243] : memref<2x2x!tpu.dma_semaphore, #tpu.memory_space<semaphore_mem>> -> memref<1x1x!tpu.dma_semaphore, #tpu.memory_space<semaphore_mem>>
          %dma_start3A_249 = tpu.memref_squeeze %dma_start3A_248 : memref<1x1x!tpu.dma_semaphore, #tpu.memory_space<semaphore_mem>> -> memref<!tpu.dma_semaphore, #tpu.memory_space<semaphore_mem>>
          %dma_start3A_250 = arith.constant 0 : i32
          %dma_start3A_251 = tpu.memref_slice %arg8[%dma_start3A_241, %dma_start3A_250] : memref<2x8192xi32, #tpu.memory_space<vmem>> -> memref<1x8192xi32, #tpu.memory_space<vmem>>
          %dma_start3A_252 = tpu.memref_squeeze %dma_start3A_251 : memref<1x8192xi32, #tpu.memory_space<vmem>> -> memref<8192xi32, #tpu.memory_space<vmem>>
          %dma_start3A_253 = tpu.memref_slice %arg2[%mul3A_240] : memref<262144xi32, #tpu.memory_space<hbm>> -> memref<8192xi32, #tpu.memory_space<hbm>>
          tpu.enqueue_dma source(%dma_start3A_253 : memref<8192xi32, #tpu.memory_space<hbm>>) target(%dma_start3A_252 : memref<8192xi32, #tpu.memory_space<vmem>>) target_semaphore(%dma_start3A_249 : memref<!tpu.dma_semaphore, #tpu.memory_space<semaphore_mem>>)
          %mul3A_254 = arith.constant 8192 : i32
          %mul3A_255 = arith.muli %add3A_238, %mul3A_254 : i32
          %dma_start3A_256 = arith.constant 1 : i32
          %dma_start3A_257 = arith.constant 1 : i32
          %dma_start3A_258 = arith.constant 1 : i32
          %dma_start3A_259 = arith.constant 0 : i32
          %dma_start3A_260 = tpu.memref_slice %arg9[%dma_start3A_256, %dma_start3A_259] : memref<2x8192xi32, #tpu.memory_space<vmem>> -> memref<1x8192xi32, #tpu.memory_space<vmem>>
          %dma_start3A_261 = tpu.memref_squeeze %dma_start3A_260 : memref<1x8192xi32, #tpu.memory_space<vmem>> -> memref<8192xi32, #tpu.memory_space<vmem>>
          %dma_start3A_262 = tpu.memref_slice %arg3[%mul3A_255] : memref<262144xi32, #tpu.memory_space<hbm>> -> memref<8192xi32, #tpu.memory_space<hbm>>
          %dma_start3A_263 = tpu.memref_slice %arg10[%dma_start3A_257, %dma_start3A_258] : memref<2x2x!tpu.dma_semaphore, #tpu.memory_space<semaphore_mem>> -> memref<1x1x!tpu.dma_semaphore, #tpu.memory_space<semaphore_mem>>
          %dma_start3A_264 = tpu.memref_squeeze %dma_start3A_263 : memref<1x1x!tpu.dma_semaphore, #tpu.memory_space<semaphore_mem>> -> memref<!tpu.dma_semaphore, #tpu.memory_space<semaphore_mem>>
          %dma_start3A_265 = arith.constant 0 : i32
          %dma_start3A_266 = tpu.memref_slice %arg9[%dma_start3A_256, %dma_start3A_265] : memref<2x8192xi32, #tpu.memory_space<vmem>> -> memref<1x8192xi32, #tpu.memory_space<vmem>>
          %dma_start3A_267 = tpu.memref_squeeze %dma_start3A_266 : memref<1x8192xi32, #tpu.memory_space<vmem>> -> memref<8192xi32, #tpu.memory_space<vmem>>
          %dma_start3A_268 = tpu.memref_slice %arg3[%mul3A_255] : memref<262144xi32, #tpu.memory_space<hbm>> -> memref<8192xi32, #tpu.memory_space<hbm>>
          tpu.enqueue_dma source(%dma_start3A_268 : memref<8192xi32, #tpu.memory_space<hbm>>) target(%dma_start3A_267 : memref<8192xi32, #tpu.memory_space<vmem>>) target_semaphore(%dma_start3A_264 : memref<!tpu.dma_semaphore, #tpu.memory_space<semaphore_mem>>)
        } else {
        }
        %scan3A_236 = arith.constant 0 : i32
        scf.yield %scan3A_236 : i32
      }
      %scan3A_79 = arith.constant 16 : i32
      %dma_start3A_80 = arith.constant 0 : i32
      %dma_start3A_81 = arith.constant 0 : i32
      %dma_start3A_82 = arith.constant 0 : i32
      %dma_start3A_83 = arith.constant 0 : i32
      %dma_start3A_84 = tpu.memref_slice %arg8[%dma_start3A_80, %dma_start3A_83] : memref<2x8192xi32, #tpu.memory_space<vmem>> -> memref<1x8192xi32, #tpu.memory_space<vmem>>
      %dma_start3A_85 = tpu.memref_squeeze %dma_start3A_84 : memref<1x8192xi32, #tpu.memory_space<vmem>> -> memref<8192xi32, #tpu.memory_space<vmem>>
      %dma_start3A_86 = arith.constant 0 : i32
      %dma_start3A_87 = tpu.memref_slice %arg4[%dma_start3A_86] : memref<262144xi32, #tpu.memory_space<hbm>> -> memref<8192xi32, #tpu.memory_space<hbm>>
      %dma_start3A_88 = tpu.memref_slice %arg10[%dma_start3A_81, %dma_start3A_82] : memref<2x2x!tpu.dma_semaphore, #tpu.memory_space<semaphore_mem>> -> memref<1x1x!tpu.dma_semaphore, #tpu.memory_space<semaphore_mem>>
      %dma_start3A_89 = tpu.memref_squeeze %dma_start3A_88 : memref<1x1x!tpu.dma_semaphore, #tpu.memory_space<semaphore_mem>> -> memref<!tpu.dma_semaphore, #tpu.memory_space<semaphore_mem>>
      %dma_start3A_90 = arith.constant 0 : i32
      %dma_start3A_91 = tpu.memref_slice %arg8[%dma_start3A_80, %dma_start3A_90] : memref<2x8192xi32, #tpu.memory_space<vmem>> -> memref<1x8192xi32, #tpu.memory_space<vmem>>
      %dma_start3A_92 = tpu.memref_squeeze %dma_start3A_91 : memref<1x8192xi32, #tpu.memory_space<vmem>> -> memref<8192xi32, #tpu.memory_space<vmem>>
      %dma_start3A_93 = arith.constant 0 : i32
      %dma_start3A_94 = tpu.memref_slice %arg4[%dma_start3A_93] : memref<262144xi32, #tpu.memory_space<hbm>> -> memref<8192xi32, #tpu.memory_space<hbm>>
      tpu.enqueue_dma source(%dma_start3A_94 : memref<8192xi32, #tpu.memory_space<hbm>>) target(%dma_start3A_92 : memref<8192xi32, #tpu.memory_space<vmem>>) target_semaphore(%dma_start3A_89 : memref<!tpu.dma_semaphore, #tpu.memory_space<semaphore_mem>>)
      %dma_start3A_95 = arith.constant 0 : i32
      %dma_start3A_96 = arith.constant 0 : i32
      %dma_start3A_97 = arith.constant 1 : i32
      %dma_start3A_98 = arith.constant 0 : i32
      %dma_start3A_99 = tpu.memref_slice %arg9[%dma_start3A_95, %dma_start3A_98] : memref<2x8192xi32, #tpu.memory_space<vmem>> -> memref<1x8192xi32, #tpu.memory_space<vmem>>
      %dma_start3A_100 = tpu.memref_squeeze %dma_start3A_99 : memref<1x8192xi32, #tpu.memory_space<vmem>> -> memref<8192xi32, #tpu.memory_space<vmem>>
      %dma_start3A_101 = arith.constant 0 : i32
      %dma_start3A_102 = tpu.memref_slice %arg5[%dma_start3A_101] : memref<262144xi32, #tpu.memory_space<hbm>> -> memref<8192xi32, #tpu.memory_space<hbm>>
      %dma_start3A_103 = tpu.memref_slice %arg10[%dma_start3A_96, %dma_start3A_97] : memref<2x2x!tpu.dma_semaphore, #tpu.memory_space<semaphore_mem>> -> memref<1x1x!tpu.dma_semaphore, #tpu.memory_space<semaphore_mem>>
      %dma_start3A_104 = tpu.memref_squeeze %dma_start3A_103 : memref<1x1x!tpu.dma_semaphore, #tpu.memory_space<semaphore_mem>> -> memref<!tpu.dma_semaphore, #tpu.memory_space<semaphore_mem>>
      %dma_start3A_105 = arith.constant 0 : i32
      %dma_start3A_106 = tpu.memref_slice %arg9[%dma_start3A_95, %dma_start3A_105] : memref<2x8192xi32, #tpu.memory_space<vmem>> -> memref<1x8192xi32, #tpu.memory_space<vmem>>
      %dma_start3A_107 = tpu.memref_squeeze %dma_start3A_106 : memref<1x8192xi32, #tpu.memory_space<vmem>> -> memref<8192xi32, #tpu.memory_space<vmem>>
      %dma_start3A_108 = arith.constant 0 : i32
      %dma_start3A_109 = tpu.memref_slice %arg5[%dma_start3A_108] : memref<262144xi32, #tpu.memory_space<hbm>> -> memref<8192xi32, #tpu.memory_space<hbm>>
      tpu.enqueue_dma source(%dma_start3A_109 : memref<8192xi32, #tpu.memory_space<hbm>>) target(%dma_start3A_107 : memref<8192xi32, #tpu.memory_space<vmem>>) target_semaphore(%dma_start3A_104 : memref<!tpu.dma_semaphore, #tpu.memory_space<semaphore_mem>>)
      %dma_start3A_110 = arith.constant 1 : i32
      %dma_start3A_111 = arith.constant 1 : i32
      %dma_start3A_112 = arith.constant 0 : i32
      %dma_start3A_113 = arith.constant 0 : i32
      %dma_start3A_114 = tpu.memref_slice %arg8[%dma_start3A_110, %dma_start3A_113] : memref<2x8192xi32, #tpu.memory_space<vmem>> -> memref<1x8192xi32, #tpu.memory_space<vmem>>
      %dma_start3A_115 = tpu.memref_squeeze %dma_start3A_114 : memref<1x8192xi32, #tpu.memory_space<vmem>> -> memref<8192xi32, #tpu.memory_space<vmem>>
      %dma_start3A_116 = arith.constant 8192 : i32
      %dma_start3A_117 = tpu.memref_slice %arg4[%dma_start3A_116] : memref<262144xi32, #tpu.memory_space<hbm>> -> memref<8192xi32, #tpu.memory_space<hbm>>
      %dma_start3A_118 = tpu.memref_slice %arg10[%dma_start3A_111, %dma_start3A_112] : memref<2x2x!tpu.dma_semaphore, #tpu.memory_space<semaphore_mem>> -> memref<1x1x!tpu.dma_semaphore, #tpu.memory_space<semaphore_mem>>
      %dma_start3A_119 = tpu.memref_squeeze %dma_start3A_118 : memref<1x1x!tpu.dma_semaphore, #tpu.memory_space<semaphore_mem>> -> memref<!tpu.dma_semaphore, #tpu.memory_space<semaphore_mem>>
      %dma_start3A_120 = arith.constant 0 : i32
      %dma_start3A_121 = tpu.memref_slice %arg8[%dma_start3A_110, %dma_start3A_120] : memref<2x8192xi32, #tpu.memory_space<vmem>> -> memref<1x8192xi32, #tpu.memory_space<vmem>>
      %dma_start3A_122 = tpu.memref_squeeze %dma_start3A_121 : memref<1x8192xi32, #tpu.memory_space<vmem>> -> memref<8192xi32, #tpu.memory_space<vmem>>
      %dma_start3A_123 = arith.constant 8192 : i32
      %dma_start3A_124 = tpu.memref_slice %arg4[%dma_start3A_123] : memref<262144xi32, #tpu.memory_space<hbm>> -> memref<8192xi32, #tpu.memory_space<hbm>>
      tpu.enqueue_dma source(%dma_start3A_124 : memref<8192xi32, #tpu.memory_space<hbm>>) target(%dma_start3A_122 : memref<8192xi32, #tpu.memory_space<vmem>>) target_semaphore(%dma_start3A_119 : memref<!tpu.dma_semaphore, #tpu.memory_space<semaphore_mem>>)
      %dma_start3A_125 = arith.constant 1 : i32
      %dma_start3A_126 = arith.constant 1 : i32
      %dma_start3A_127 = arith.constant 1 : i32
      %dma_start3A_128 = arith.constant 0 : i32
      %dma_start3A_129 = tpu.memref_slice %arg9[%dma_start3A_125, %dma_start3A_128] : memref<2x8192xi32, #tpu.memory_space<vmem>> -> memref<1x8192xi32, #tpu.memory_space<vmem>>
      %dma_start3A_130 = tpu.memref_squeeze %dma_start3A_129 : memref<1x8192xi32, #tpu.memory_space<vmem>> -> memref<8192xi32, #tpu.memory_space<vmem>>
      %dma_start3A_131 = arith.constant 8192 : i32
      %dma_start3A_132 = tpu.memref_slice %arg5[%dma_start3A_131] : memref<262144xi32, #tpu.memory_space<hbm>> -> memref<8192xi32, #tpu.memory_space<hbm>>
      %dma_start3A_133 = tpu.memref_slice %arg10[%dma_start3A_126, %dma_start3A_127] : memref<2x2x!tpu.dma_semaphore, #tpu.memory_space<semaphore_mem>> -> memref<1x1x!tpu.dma_semaphore, #tpu.memory_space<semaphore_mem>>
      %dma_start3A_134 = tpu.memref_squeeze %dma_start3A_133 : memref<1x1x!tpu.dma_semaphore, #tpu.memory_space<semaphore_mem>> -> memref<!tpu.dma_semaphore, #tpu.memory_space<semaphore_mem>>
      %dma_start3A_135 = arith.constant 0 : i32
      %dma_start3A_136 = tpu.memref_slice %arg9[%dma_start3A_125, %dma_start3A_135] : memref<2x8192xi32, #tpu.memory_space<vmem>> -> memref<1x8192xi32, #tpu.memory_space<vmem>>
      %dma_start3A_137 = tpu.memref_squeeze %dma_start3A_136 : memref<1x8192xi32, #tpu.memory_space<vmem>> -> memref<8192xi32, #tpu.memory_space<vmem>>
      %dma_start3A_138 = arith.constant 8192 : i32
      %dma_start3A_139 = tpu.memref_slice %arg5[%dma_start3A_138] : memref<262144xi32, #tpu.memory_space<hbm>> -> memref<8192xi32, #tpu.memory_space<hbm>>
      tpu.enqueue_dma source(%dma_start3A_139 : memref<8192xi32, #tpu.memory_space<hbm>>) target(%dma_start3A_137 : memref<8192xi32, #tpu.memory_space<vmem>>) target_semaphore(%dma_start3A_134 : memref<!tpu.dma_semaphore, #tpu.memory_space<semaphore_mem>>)
      %mul3A_140 = arith.constant 65536 : i32
      %mul3A_141 = arith.muli %add3A, %mul3A_140 : i32
      "tpu.region"() ({
        %run_scoped3A_142 = tpu.sem_alloc : memref<!tpu.dma_semaphore, #tpu.memory_space<semaphore_mem>>
        %dma_start3A_143 = tpu.memref_slice %arg6[%mul3A_141] : memref<2097152xf32, #tpu.memory_space<hbm>> -> memref<65536xf32, #tpu.memory_space<hbm>>
        %dma_start3A_144 = tpu.memref_slice %arg6[%mul3A_141] : memref<2097152xf32, #tpu.memory_space<hbm>> -> memref<65536xf32, #tpu.memory_space<hbm>>
        tpu.enqueue_dma source(%run_scoped3A : memref<65536xf32, #tpu.memory_space<vmem>>) target(%dma_start3A_144 : memref<65536xf32, #tpu.memory_space<hbm>>) target_semaphore(%run_scoped3A_142 : memref<!tpu.dma_semaphore, #tpu.memory_space<semaphore_mem>>)
        %dma_wait3A = tpu.memref_slice %arg6[%mul3A_141] : memref<2097152xf32, #tpu.memory_space<hbm>> -> memref<65536xf32, #tpu.memory_space<hbm>>
        %dma_wait3A_145 = tpu.memref_slice %arg6[%mul3A_141] : memref<2097152xf32, #tpu.memory_space<hbm>> -> memref<65536xf32, #tpu.memory_space<hbm>>
        tpu.wait_dma2 semaphore(%run_scoped3A_142 : memref<!tpu.dma_semaphore, #tpu.memory_space<semaphore_mem>>) src(%run_scoped3A : memref<65536xf32, #tpu.memory_space<vmem>>) dst(%dma_wait3A_145 : memref<65536xf32, #tpu.memory_space<hbm>>)
        tpu.yield
      }) : () -> ()
      tpu.yield
    }) : () -> ()
    "tpu.region"() ({
      %run_scoped3A = memref.alloca() : memref<65536xf32, #tpu.memory_space<vmem>>
      %mul3A_63 = arith.constant 256 : i32
      %mul3A_64 = arith.muli %add3A, %mul3A_63 : i32
      %mul3A_65 = arith.constant 256 : i32
      %mul3A_66 = arith.muli %mul3A_64, %mul3A_65 : i32
      %scan3A = arith.constant 0 : i32
      %scan3A_67 = arith.constant 0 : i32
      %scan3A_68 = arith.constant 4096 : i32
      %scan3A_69 = arith.addi %scan3A_67, %scan3A_68 : i32
      %scan3A_70 = arith.constant 1 : i32
      %scan3A_71 = scf.for %scan3A_82 = %scan3A_67 to %scan3A_69 step %scan3A_70 iter_args(%scan3A_83 = %scan3A) -> (i32)  : i32 {
        %mul3A_84 = arith.constant 16 : i32
        %mul3A_85 = arith.muli %scan3A_82, %mul3A_84 : i32
        %swap3A = arith.index_cast %mul3A_85 : i32 to index
        %swap3A_86 = tpu.vector_load %run_scoped3A[%swap3A] {strides = array<i32>} : memref<65536xf32, #tpu.memory_space<vmem>>, vector<16xf32>,
        tpu.vector_store %run_scoped3A[%swap3A], %broadcast_in_dim3A_3 {strides = array<i32>} : memref<65536xf32, #tpu.memory_space<vmem>>, vector<16xf32>,
        %scan3A_87 = arith.constant 0 : i32
        scf.yield %scan3A_87 : i32
      }
      %scan3A_72 = arith.constant 4096 : i32
      %scan3A_73 = arith.constant 0 : i32
      %scan3A_74 = arith.constant 0 : i32
      %scan3A_75 = arith.constant 16 : i32
      %scan3A_76 = arith.addi %scan3A_74, %scan3A_75 : i32
      %scan3A_77 = arith.constant 1 : i32
      %scan3A_78 = scf.for %scan3A_82 = %scan3A_74 to %scan3A_76 step %scan3A_77 iter_args(%scan3A_83 = %scan3A_73) -> (i32)  : i32 {
        %mul3A_84 = arith.constant 2 : i32
        %mul3A_85 = arith.muli %scan3A_82, %mul3A_84 : i32
        %add3A_86 = arith.constant 0 : i32
        %add3A_87 = arith.addi %mul3A_85, %add3A_86 : i32
        %dma_wait3A = arith.constant 0 : i32
        %dma_wait3A_88 = arith.constant 0 : i32
        %dma_wait3A_89 = arith.constant 0 : i32
        %dma_wait3A_90 = arith.constant 0 : i32
        %dma_wait3A_91 = tpu.memref_slice %arg8[%dma_wait3A, %dma_wait3A_90] : memref<2x8192xi32, #tpu.memory_space<vmem>> -> memref<1x8192xi32, #tpu.memory_space<vmem>>
        %dma_wait3A_92 = tpu.memref_squeeze %dma_wait3A_91 : memref<1x8192xi32, #tpu.memory_space<vmem>> -> memref<8192xi32, #tpu.memory_space<vmem>>
        %dma_wait3A_93 = arith.constant 0 : i32
        %dma_wait3A_94 = tpu.memref_slice %arg4[%dma_wait3A_93] : memref<262144xi32, #tpu.memory_space<hbm>> -> memref<8192xi32, #tpu.memory_space<hbm>>
        %dma_wait3A_95 = tpu.memref_slice %arg10[%dma_wait3A_88, %dma_wait3A_89] : memref<2x2x!tpu.dma_semaphore, #tpu.memory_space<semaphore_mem>> -> memref<1x1x!tpu.dma_semaphore, #tpu.memory_space<semaphore_mem>>
        %dma_wait3A_96 = tpu.memref_squeeze %dma_wait3A_95 : memref<1x1x!tpu.dma_semaphore, #tpu.memory_space<semaphore_mem>> -> memref<!tpu.dma_semaphore, #tpu.memory_space<semaphore_mem>>
        %dma_wait3A_97 = arith.constant 0 : i32
        %dma_wait3A_98 = tpu.memref_slice %arg8[%dma_wait3A, %dma_wait3A_97] : memref<2x8192xi32, #tpu.memory_space<vmem>> -> memref<1x8192xi32, #tpu.memory_space<vmem>>
        %dma_wait3A_99 = tpu.memref_squeeze %dma_wait3A_98 : memref<1x8192xi32, #tpu.memory_space<vmem>> -> memref<8192xi32, #tpu.memory_space<vmem>>
        %dma_wait3A_100 = arith.constant 0 : i32
        %dma_wait3A_101 = tpu.memref_slice %arg4[%dma_wait3A_100] : memref<262144xi32, #tpu.memory_space<hbm>> -> memref<8192xi32, #tpu.memory_space<hbm>>
        tpu.wait_dma2 semaphore(%dma_wait3A_96 : memref<!tpu.dma_semaphore, #tpu.memory_space<semaphore_mem>>) src(%dma_wait3A_101 : memref<8192xi32, #tpu.memory_space<hbm>>) dst(%dma_wait3A_99 : memref<8192xi32, #tpu.memory_space<vmem>>)
        %dma_wait3A_102 = arith.constant 0 : i32
        %dma_wait3A_103 = arith.constant 0 : i32
        %dma_wait3A_104 = arith.constant 1 : i32
        %dma_wait3A_105 = arith.constant 0 : i32
        %dma_wait3A_106 = tpu.memref_slice %arg9[%dma_wait3A_102, %dma_wait3A_105] : memref<2x8192xi32, #tpu.memory_space<vmem>> -> memref<1x8192xi32, #tpu.memory_space<vmem>>
        %dma_wait3A_107 = tpu.memref_squeeze %dma_wait3A_106 : memref<1x8192xi32, #tpu.memory_space<vmem>> -> memref<8192xi32, #tpu.memory_space<vmem>>
        %dma_wait3A_108 = arith.constant 0 : i32
        %dma_wait3A_109 = tpu.memref_slice %arg5[%dma_wait3A_108] : memref<262144xi32, #tpu.memory_space<hbm>> -> memref<8192xi32, #tpu.memory_space<hbm>>
        %dma_wait3A_110 = tpu.memref_slice %arg10[%dma_wait3A_103, %dma_wait3A_104] : memref<2x2x!tpu.dma_semaphore, #tpu.memory_space<semaphore_mem>> -> memref<1x1x!tpu.dma_semaphore, #tpu.memory_space<semaphore_mem>>
        %dma_wait3A_111 = tpu.memref_squeeze %dma_wait3A_110 : memref<1x1x!tpu.dma_semaphore, #tpu.memory_space<semaphore_mem>> -> memref<!tpu.dma_semaphore, #tpu.memory_space<semaphore_mem>>
        %dma_wait3A_112 = arith.constant 0 : i32
        %dma_wait3A_113 = tpu.memref_slice %arg9[%dma_wait3A_102, %dma_wait3A_112] : memref<2x8192xi32, #tpu.memory_space<vmem>> -> memref<1x8192xi32, #tpu.memory_space<vmem>>
        %dma_wait3A_114 = tpu.memref_squeeze %dma_wait3A_113 : memref<1x8192xi32, #tpu.memory_space<vmem>> -> memref<8192xi32, #tpu.memory_space<vmem>>
        %dma_wait3A_115 = arith.constant 0 : i32
        %dma_wait3A_116 = tpu.memref_slice %arg5[%dma_wait3A_115] : memref<262144xi32, #tpu.memory_space<hbm>> -> memref<8192xi32, #tpu.memory_space<hbm>>
        tpu.wait_dma2 semaphore(%dma_wait3A_111 : memref<!tpu.dma_semaphore, #tpu.memory_space<semaphore_mem>>) src(%dma_wait3A_116 : memref<8192xi32, #tpu.memory_space<hbm>>) dst(%dma_wait3A_114 : memref<8192xi32, #tpu.memory_space<vmem>>)
        %scan3A_117 = arith.constant 0 : i32
        %scan3A_118 = arith.constant 0 : i32
        %scan3A_119 = arith.constant 32 : i32
        %scan3A_120 = arith.addi %scan3A_118, %scan3A_119 : i32
        %scan3A_121 = arith.constant 1 : i32
        %scan3A_122 = scf.for %scan3A_177 = %scan3A_118 to %scan3A_120 step %scan3A_121 iter_args(%scan3A_178 = %scan3A_117) -> (i32)  : i32 {
          %mul3A_179 = arith.constant 16 : i32
          %mul3A_180 = arith.muli %scan3A_177, %mul3A_179 : i32
          %add3A_181 = arith.constant 0 : i32
          %add3A_182 = arith.addi %mul3A_180, %add3A_181 : i32
          %mul3A_183 = arith.constant 16 : i32
          %mul3A_184 = arith.muli %add3A_182, %mul3A_183 : i32
          %get3A = arith.constant 0 : i32
          %get3A_185 = arith.index_cast %get3A : i32 to index
          %get3A_186 = arith.index_cast %mul3A_184 : i32 to index
          %get3A_187 = tpu.vector_load %arg8[%get3A_185, %get3A_186] {strides = array<i32>} : memref<2x8192xi32, #tpu.memory_space<vmem>>, vector<16xi32>,
          %get3A_188 = arith.constant 0 : i32
          %get3A_189 = arith.index_cast %get3A_188 : i32 to index
          %get3A_190 = arith.index_cast %mul3A_184 : i32 to index
          %get3A_191 = tpu.vector_load %arg9[%get3A_189, %get3A_190] {strides = array<i32>} : memref<2x8192xi32, #tpu.memory_space<vmem>>, vector<16xi32>,
          %ge3A = vector.broadcast %mul3A_64 : i32 to vector<16xi32>
          %ge3A_192 = arith.cmpi sge, %get3A_191, %ge3A : vector<16xi32>
          %add3A_193 = arith.constant 256 : i32
          %add3A_194 = arith.addi %mul3A_64, %add3A_193 : i32
          %lt3A_195 = vector.broadcast %add3A_194 : i32 to vector<16xi32>
          %lt3A_196 = arith.cmpi slt, %get3A_191, %lt3A_195 : vector<16xi32>
          %and3A = arith.andi %ge3A_192, %lt3A_196 : vector<16xi1>
          %mul3A_197 = arith.constant 256 : i32
          %mul3A_198 = vector.broadcast %mul3A_197 : i32 to vector<16xi32>
          %mul3A_199 = arith.muli %get3A_191, %mul3A_198 : vector<16xi32>
          %add3A_200 = arith.addi %mul3A_199, %get3A_187 : vector<16xi32>
          %sub3A = vector.broadcast %mul3A_66 : i32 to vector<16xi32>
          %sub3A_201 = arith.subi %add3A_200, %sub3A : vector<16xi32>
          %jit3A = arith.constant 0 : i32
          %broadcast_in_dim3A_202 = vector.broadcast %jit3A : i32 to vector<16xi32>
          %select_n3A = arith.select %and3A, %sub3A_201, %broadcast_in_dim3A_202 : vector<16xi1>, vector<16xi32>
          %mul3A_203 = arith.constant 16 : i32
          %mul3A_204 = arith.muli %scan3A_177, %mul3A_203 : i32
          %add3A_205 = arith.constant 1 : i32
          %add3A_206 = arith.addi %mul3A_204, %add3A_205 : i32
          %mul3A_207 = arith.constant 16 : i32
          %mul3A_208 = arith.muli %add3A_206, %mul3A_207 : i32
          %get3A_209 = arith.constant 0 : i32
          %get3A_210 = arith.index_cast %get3A_209 : i32 to index
          %get3A_211 = arith.index_cast %mul3A_208 : i32 to index
          %get3A_212 = tpu.vector_load %arg8[%get3A_210, %get3A_211] {strides = array<i32>} : memref<2x8192xi32, #tpu.memory_space<vmem>>, vector<16xi32>,
          %get3A_213 = arith.constant 0 : i32
          %get3A_214 = arith.index_cast %get3A_213 : i32 to index
          %get3A_215 = arith.index_cast %mul3A_208 : i32 to index
          %get3A_216 = tpu.vector_load %arg9[%get3A_214, %get3A_215] {strides = array<i32>} : memref<2x8192xi32, #tpu.memory_space<vmem>>, vector<16xi32>,
          %ge3A_217 = vector.broadcast %mul3A_64 : i32 to vector<16xi32>
          %ge3A_218 = arith.cmpi sge, %get3A_216, %ge3A_217 : vector<16xi32>
          %add3A_219 = arith.constant 256 : i32
          %add3A_220 = arith.addi %mul3A_64, %add3A_219 : i32
          %lt3A_221 = vector.broadcast %add3A_220 : i32 to vector<16xi32>
          %lt3A_222 = arith.cmpi slt, %get3A_216, %lt3A_221 : vector<16xi32>
          %and3A_223 = arith.andi %ge3A_218, %lt3A_222 : vector<16xi1>
          %mul3A_224 = arith.constant 256 : i32
          %mul3A_225 = vector.broadcast %mul3A_224 : i32 to vector<16xi32>
          %mul3A_226 = arith.muli %get3A_216, %mul3A_225 : vector<16xi32>
          %add3A_227 = arith.addi %mul3A_226, %get3A_212 : vector<16xi32>
          %sub3A_228 = vector.broadcast %mul3A_66 : i32 to vector<16xi32>
          %sub3A_229 = arith.subi %add3A_227, %sub3A_228 : vector<16xi32>
          %jit3A_230 = arith.constant 0 : i32
          %broadcast_in_dim3A_231 = vector.broadcast %jit3A_230 : i32 to vector<16xi32>
          %select_n3A_232 = arith.select %and3A_223, %sub3A_229, %broadcast_in_dim3A_231 : vector<16xi1>, vector<16xi32>
          %mul3A_233 = arith.constant 16 : i32
          %mul3A_234 = arith.muli %scan3A_177, %mul3A_233 : i32
          %add3A_235 = arith.constant 2 : i32
          %add3A_236 = arith.addi %mul3A_234, %add3A_235 : i32
          %mul3A_237 = arith.constant 16 : i32
          %mul3A_238 = arith.muli %add3A_236, %mul3A_237 : i32
          %get3A_239 = arith.constant 0 : i32
          %get3A_240 = arith.index_cast %get3A_239 : i32 to index
          %get3A_241 = arith.index_cast %mul3A_238 : i32 to index
          %get3A_242 = tpu.vector_load %arg8[%get3A_240, %get3A_241] {strides = array<i32>} : memref<2x8192xi32, #tpu.memory_space<vmem>>, vector<16xi32>,
          %get3A_243 = arith.constant 0 : i32
          %get3A_244 = arith.index_cast %get3A_243 : i32 to index
          %get3A_245 = arith.index_cast %mul3A_238 : i32 to index
          %get3A_246 = tpu.vector_load %arg9[%get3A_244, %get3A_245] {strides = array<i32>} : memref<2x8192xi32, #tpu.memory_space<vmem>>, vector<16xi32>,
          %ge3A_247 = vector.broadcast %mul3A_64 : i32 to vector<16xi32>
          %ge3A_248 = arith.cmpi sge, %get3A_246, %ge3A_247 : vector<16xi32>
          %add3A_249 = arith.constant 256 : i32
          %add3A_250 = arith.addi %mul3A_64, %add3A_249 : i32
          %lt3A_251 = vector.broadcast %add3A_250 : i32 to vector<16xi32>
          %lt3A_252 = arith.cmpi slt, %get3A_246, %lt3A_251 : vector<16xi32>
          %and3A_253 = arith.andi %ge3A_248, %lt3A_252 : vector<16xi1>
          %mul3A_254 = arith.constant 256 : i32
          %mul3A_255 = vector.broadcast %mul3A_254 : i32 to vector<16xi32>
          %mul3A_256 = arith.muli %get3A_246, %mul3A_255 : vector<16xi32>
          %add3A_257 = arith.addi %mul3A_256, %get3A_242 : vector<16xi32>
          %sub3A_258 = vector.broadcast %mul3A_66 : i32 to vector<16xi32>
          %sub3A_259 = arith.subi %add3A_257, %sub3A_258 : vector<16xi32>
          %jit3A_260 = arith.constant 0 : i32
          %broadcast_in_dim3A_261 = vector.broadcast %jit3A_260 : i32 to vector<16xi32>
          %select_n3A_262 = arith.select %and3A_253, %sub3A_259, %broadcast_in_dim3A_261 : vector<16xi1>, vector<16xi32>
          %mul3A_263 = arith.constant 16 : i32
          %mul3A_264 = arith.muli %scan3A_177, %mul3A_263 : i32
          %add3A_265 = arith.constant 3 : i32
          %add3A_266 = arith.addi %mul3A_264, %add3A_265 : i32
          %mul3A_267 = arith.constant 16 : i32
          %mul3A_268 = arith.muli %add3A_266, %mul3A_267 : i32
          %get3A_269 = arith.constant 0 : i32
          %get3A_270 = arith.index_cast %get3A_269 : i32 to index
          %get3A_271 = arith.index_cast %mul3A_268 : i32 to index
          %get3A_272 = tpu.vector_load %arg8[%get3A_270, %get3A_271] {strides = array<i32>} : memref<2x8192xi32, #tpu.memory_space<vmem>>, vector<16xi32>,
          %get3A_273 = arith.constant 0 : i32
          %get3A_274 = arith.index_cast %get3A_273 : i32 to index
          %get3A_275 = arith.index_cast %mul3A_268 : i32 to index
          %get3A_276 = tpu.vector_load %arg9[%get3A_274, %get3A_275] {strides = array<i32>} : memref<2x8192xi32, #tpu.memory_space<vmem>>, vector<16xi32>,
          %ge3A_277 = vector.broadcast %mul3A_64 : i32 to vector<16xi32>
          %ge3A_278 = arith.cmpi sge, %get3A_276, %ge3A_277 : vector<16xi32>
          %add3A_279 = arith.constant 256 : i32
          %add3A_280 = arith.addi %mul3A_64, %add3A_279 : i32
          %lt3A_281 = vector.broadcast %add3A_280 : i32 to vector<16xi32>
          %lt3A_282 = arith.cmpi slt, %get3A_276, %lt3A_281 : vector<16xi32>
          %and3A_283 = arith.andi %ge3A_278, %lt3A_282 : vector<16xi1>
          %mul3A_284 = arith.constant 256 : i32
          %mul3A_285 = vector.broadcast %mul3A_284 : i32 to vector<16xi32>
          %mul3A_286 = arith.muli %get3A_276, %mul3A_285 : vector<16xi32>
          %add3A_287 = arith.addi %mul3A_286, %get3A_272 : vector<16xi32>
          %sub3A_288 = vector.broadcast %mul3A_66 : i32 to vector<16xi32>
          %sub3A_289 = arith.subi %add3A_287, %sub3A_288 : vector<16xi32>
          %jit3A_290 = arith.constant 0 : i32
          %broadcast_in_dim3A_291 = vector.broadcast %jit3A_290 : i32 to vector<16xi32>
          %select_n3A_292 = arith.select %and3A_283, %sub3A_289, %broadcast_in_dim3A_291 : vector<16xi1>, vector<16xi32>
          %mul3A_293 = arith.constant 16 : i32
          %mul3A_294 = arith.muli %scan3A_177, %mul3A_293 : i32
          %add3A_295 = arith.constant 4 : i32
          %add3A_296 = arith.addi %mul3A_294, %add3A_295 : i32
          %mul3A_297 = arith.constant 16 : i32
          %mul3A_298 = arith.muli %add3A_296, %mul3A_297 : i32
          %get3A_299 = arith.constant 0 : i32
          %get3A_300 = arith.index_cast %get3A_299 : i32 to index
          %get3A_301 = arith.index_cast %mul3A_298 : i32 to index
          %get3A_302 = tpu.vector_load %arg8[%get3A_300, %get3A_301] {strides = array<i32>} : memref<2x8192xi32, #tpu.memory_space<vmem>>, vector<16xi32>,
          %get3A_303 = arith.constant 0 : i32
          %get3A_304 = arith.index_cast %get3A_303 : i32 to index
          %get3A_305 = arith.index_cast %mul3A_298 : i32 to index
          %get3A_306 = tpu.vector_load %arg9[%get3A_304, %get3A_305] {strides = array<i32>} : memref<2x8192xi32, #tpu.memory_space<vmem>>, vector<16xi32>,
          %ge3A_307 = vector.broadcast %mul3A_64 : i32 to vector<16xi32>
          %ge3A_308 = arith.cmpi sge, %get3A_306, %ge3A_307 : vector<16xi32>
          %add3A_309 = arith.constant 256 : i32
          %add3A_310 = arith.addi %mul3A_64, %add3A_309 : i32
          %lt3A_311 = vector.broadcast %add3A_310 : i32 to vector<16xi32>
          %lt3A_312 = arith.cmpi slt, %get3A_306, %lt3A_311 : vector<16xi32>
          %and3A_313 = arith.andi %ge3A_308, %lt3A_312 : vector<16xi1>
          %mul3A_314 = arith.constant 256 : i32
          %mul3A_315 = vector.broadcast %mul3A_314 : i32 to vector<16xi32>
          %mul3A_316 = arith.muli %get3A_306, %mul3A_315 : vector<16xi32>
          %add3A_317 = arith.addi %mul3A_316, %get3A_302 : vector<16xi32>
          %sub3A_318 = vector.broadcast %mul3A_66 : i32 to vector<16xi32>
          %sub3A_319 = arith.subi %add3A_317, %sub3A_318 : vector<16xi32>
          %jit3A_320 = arith.constant 0 : i32
          %broadcast_in_dim3A_321 = vector.broadcast %jit3A_320 : i32 to vector<16xi32>
          %select_n3A_322 = arith.select %and3A_313, %sub3A_319, %broadcast_in_dim3A_321 : vector<16xi1>, vector<16xi32>
          %mul3A_323 = arith.constant 16 : i32
          %mul3A_324 = arith.muli %scan3A_177, %mul3A_323 : i32
          %add3A_325 = arith.constant 5 : i32
          %add3A_326 = arith.addi %mul3A_324, %add3A_325 : i32
          %mul3A_327 = arith.constant 16 : i32
          %mul3A_328 = arith.muli %add3A_326, %mul3A_327 : i32
          %get3A_329 = arith.constant 0 : i32
          %get3A_330 = arith.index_cast %get3A_329 : i32 to index
          %get3A_331 = arith.index_cast %mul3A_328 : i32 to index
          %get3A_332 = tpu.vector_load %arg8[%get3A_330, %get3A_331] {strides = array<i32>} : memref<2x8192xi32, #tpu.memory_space<vmem>>, vector<16xi32>,
          %get3A_333 = arith.constant 0 : i32
          %get3A_334 = arith.index_cast %get3A_333 : i32 to index
          %get3A_335 = arith.index_cast %mul3A_328 : i32 to index
          %get3A_336 = tpu.vector_load %arg9[%get3A_334, %get3A_335] {strides = array<i32>} : memref<2x8192xi32, #tpu.memory_space<vmem>>, vector<16xi32>,
          %ge3A_337 = vector.broadcast %mul3A_64 : i32 to vector<16xi32>
          %ge3A_338 = arith.cmpi sge, %get3A_336, %ge3A_337 : vector<16xi32>
          %add3A_339 = arith.constant 256 : i32
          %add3A_340 = arith.addi %mul3A_64, %add3A_339 : i32
          %lt3A_341 = vector.broadcast %add3A_340 : i32 to vector<16xi32>
          %lt3A_342 = arith.cmpi slt, %get3A_336, %lt3A_341 : vector<16xi32>
          %and3A_343 = arith.andi %ge3A_338, %lt3A_342 : vector<16xi1>
          %mul3A_344 = arith.constant 256 : i32
          %mul3A_345 = vector.broadcast %mul3A_344 : i32 to vector<16xi32>
          %mul3A_346 = arith.muli %get3A_336, %mul3A_345 : vector<16xi32>
          %add3A_347 = arith.addi %mul3A_346, %get3A_332 : vector<16xi32>
          %sub3A_348 = vector.broadcast %mul3A_66 : i32 to vector<16xi32>
          %sub3A_349 = arith.subi %add3A_347, %sub3A_348 : vector<16xi32>
          %jit3A_350 = arith.constant 0 : i32
          %broadcast_in_dim3A_351 = vector.broadcast %jit3A_350 : i32 to vector<16xi32>
          %select_n3A_352 = arith.select %and3A_343, %sub3A_349, %broadcast_in_dim3A_351 : vector<16xi1>, vector<16xi32>
          %mul3A_353 = arith.constant 16 : i32
          %mul3A_354 = arith.muli %scan3A_177, %mul3A_353 : i32
          %add3A_355 = arith.constant 6 : i32
          %add3A_356 = arith.addi %mul3A_354, %add3A_355 : i32
          %mul3A_357 = arith.constant 16 : i32
          %mul3A_358 = arith.muli %add3A_356, %mul3A_357 : i32
          %get3A_359 = arith.constant 0 : i32
          %get3A_360 = arith.index_cast %get3A_359 : i32 to index
          %get3A_361 = arith.index_cast %mul3A_358 : i32 to index
          %get3A_362 = tpu.vector_load %arg8[%get3A_360, %get3A_361] {strides = array<i32>} : memref<2x8192xi32, #tpu.memory_space<vmem>>, vector<16xi32>,
          %get3A_363 = arith.constant 0 : i32
          %get3A_364 = arith.index_cast %get3A_363 : i32 to index
          %get3A_365 = arith.index_cast %mul3A_358 : i32 to index
          %get3A_366 = tpu.vector_load %arg9[%get3A_364, %get3A_365] {strides = array<i32>} : memref<2x8192xi32, #tpu.memory_space<vmem>>, vector<16xi32>,
          %ge3A_367 = vector.broadcast %mul3A_64 : i32 to vector<16xi32>
          %ge3A_368 = arith.cmpi sge, %get3A_366, %ge3A_367 : vector<16xi32>
          %add3A_369 = arith.constant 256 : i32
          %add3A_370 = arith.addi %mul3A_64, %add3A_369 : i32
          %lt3A_371 = vector.broadcast %add3A_370 : i32 to vector<16xi32>
          %lt3A_372 = arith.cmpi slt, %get3A_366, %lt3A_371 : vector<16xi32>
          %and3A_373 = arith.andi %ge3A_368, %lt3A_372 : vector<16xi1>
          %mul3A_374 = arith.constant 256 : i32
          %mul3A_375 = vector.broadcast %mul3A_374 : i32 to vector<16xi32>
          %mul3A_376 = arith.muli %get3A_366, %mul3A_375 : vector<16xi32>
          %add3A_377 = arith.addi %mul3A_376, %get3A_362 : vector<16xi32>
          %sub3A_378 = vector.broadcast %mul3A_66 : i32 to vector<16xi32>
          %sub3A_379 = arith.subi %add3A_377, %sub3A_378 : vector<16xi32>
          %jit3A_380 = arith.constant 0 : i32
          %broadcast_in_dim3A_381 = vector.broadcast %jit3A_380 : i32 to vector<16xi32>
          %select_n3A_382 = arith.select %and3A_373, %sub3A_379, %broadcast_in_dim3A_381 : vector<16xi1>, vector<16xi32>
          %mul3A_383 = arith.constant 16 : i32
          %mul3A_384 = arith.muli %scan3A_177, %mul3A_383 : i32
          %add3A_385 = arith.constant 7 : i32
          %add3A_386 = arith.addi %mul3A_384, %add3A_385 : i32
          %mul3A_387 = arith.constant 16 : i32
          %mul3A_388 = arith.muli %add3A_386, %mul3A_387 : i32
          %get3A_389 = arith.constant 0 : i32
          %get3A_390 = arith.index_cast %get3A_389 : i32 to index
          %get3A_391 = arith.index_cast %mul3A_388 : i32 to index
          %get3A_392 = tpu.vector_load %arg8[%get3A_390, %get3A_391] {strides = array<i32>} : memref<2x8192xi32, #tpu.memory_space<vmem>>, vector<16xi32>,
          %get3A_393 = arith.constant 0 : i32
          %get3A_394 = arith.index_cast %get3A_393 : i32 to index
          %get3A_395 = arith.index_cast %mul3A_388 : i32 to index
          %get3A_396 = tpu.vector_load %arg9[%get3A_394, %get3A_395] {strides = array<i32>} : memref<2x8192xi32, #tpu.memory_space<vmem>>, vector<16xi32>,
          %ge3A_397 = vector.broadcast %mul3A_64 : i32 to vector<16xi32>
          %ge3A_398 = arith.cmpi sge, %get3A_396, %ge3A_397 : vector<16xi32>
          %add3A_399 = arith.constant 256 : i32
          %add3A_400 = arith.addi %mul3A_64, %add3A_399 : i32
          %lt3A_401 = vector.broadcast %add3A_400 : i32 to vector<16xi32>
          %lt3A_402 = arith.cmpi slt, %get3A_396, %lt3A_401 : vector<16xi32>
          %and3A_403 = arith.andi %ge3A_398, %lt3A_402 : vector<16xi1>
          %mul3A_404 = arith.constant 256 : i32
          %mul3A_405 = vector.broadcast %mul3A_404 : i32 to vector<16xi32>
          %mul3A_406 = arith.muli %get3A_396, %mul3A_405 : vector<16xi32>
          %add3A_407 = arith.addi %mul3A_406, %get3A_392 : vector<16xi32>
          %sub3A_408 = vector.broadcast %mul3A_66 : i32 to vector<16xi32>
          %sub3A_409 = arith.subi %add3A_407, %sub3A_408 : vector<16xi32>
          %jit3A_410 = arith.constant 0 : i32
          %broadcast_in_dim3A_411 = vector.broadcast %jit3A_410 : i32 to vector<16xi32>
          %select_n3A_412 = arith.select %and3A_403, %sub3A_409, %broadcast_in_dim3A_411 : vector<16xi1>, vector<16xi32>
          %mul3A_413 = arith.constant 16 : i32
          %mul3A_414 = arith.muli %scan3A_177, %mul3A_413 : i32
          %add3A_415 = arith.constant 8 : i32
          %add3A_416 = arith.addi %mul3A_414, %add3A_415 : i32
          %mul3A_417 = arith.constant 16 : i32
          %mul3A_418 = arith.muli %add3A_416, %mul3A_417 : i32
          %get3A_419 = arith.constant 0 : i32
          %get3A_420 = arith.index_cast %get3A_419 : i32 to index
          %get3A_421 = arith.index_cast %mul3A_418 : i32 to index
          %get3A_422 = tpu.vector_load %arg8[%get3A_420, %get3A_421] {strides = array<i32>} : memref<2x8192xi32, #tpu.memory_space<vmem>>, vector<16xi32>,
          %get3A_423 = arith.constant 0 : i32
          %get3A_424 = arith.index_cast %get3A_423 : i32 to index
          %get3A_425 = arith.index_cast %mul3A_418 : i32 to index
          %get3A_426 = tpu.vector_load %arg9[%get3A_424, %get3A_425] {strides = array<i32>} : memref<2x8192xi32, #tpu.memory_space<vmem>>, vector<16xi32>,
          %ge3A_427 = vector.broadcast %mul3A_64 : i32 to vector<16xi32>
          %ge3A_428 = arith.cmpi sge, %get3A_426, %ge3A_427 : vector<16xi32>
          %add3A_429 = arith.constant 256 : i32
          %add3A_430 = arith.addi %mul3A_64, %add3A_429 : i32
          %lt3A_431 = vector.broadcast %add3A_430 : i32 to vector<16xi32>
          %lt3A_432 = arith.cmpi slt, %get3A_426, %lt3A_431 : vector<16xi32>
          %and3A_433 = arith.andi %ge3A_428, %lt3A_432 : vector<16xi1>
          %mul3A_434 = arith.constant 256 : i32
          %mul3A_435 = vector.broadcast %mul3A_434 : i32 to vector<16xi32>
          %mul3A_436 = arith.muli %get3A_426, %mul3A_435 : vector<16xi32>
          %add3A_437 = arith.addi %mul3A_436, %get3A_422 : vector<16xi32>
          %sub3A_438 = vector.broadcast %mul3A_66 : i32 to vector<16xi32>
          %sub3A_439 = arith.subi %add3A_437, %sub3A_438 : vector<16xi32>
          %jit3A_440 = arith.constant 0 : i32
          %broadcast_in_dim3A_441 = vector.broadcast %jit3A_440 : i32 to vector<16xi32>
          %select_n3A_442 = arith.select %and3A_433, %sub3A_439, %broadcast_in_dim3A_441 : vector<16xi1>, vector<16xi32>
          %mul3A_443 = arith.constant 16 : i32
          %mul3A_444 = arith.muli %scan3A_177, %mul3A_443 : i32
          %add3A_445 = arith.constant 9 : i32
          %add3A_446 = arith.addi %mul3A_444, %add3A_445 : i32
          %mul3A_447 = arith.constant 16 : i32
          %mul3A_448 = arith.muli %add3A_446, %mul3A_447 : i32
          %get3A_449 = arith.constant 0 : i32
          %get3A_450 = arith.index_cast %get3A_449 : i32 to index
          %get3A_451 = arith.index_cast %mul3A_448 : i32 to index
          %get3A_452 = tpu.vector_load %arg8[%get3A_450, %get3A_451] {strides = array<i32>} : memref<2x8192xi32, #tpu.memory_space<vmem>>, vector<16xi32>,
          %get3A_453 = arith.constant 0 : i32
          %get3A_454 = arith.index_cast %get3A_453 : i32 to index
          %get3A_455 = arith.index_cast %mul3A_448 : i32 to index
          %get3A_456 = tpu.vector_load %arg9[%get3A_454, %get3A_455] {strides = array<i32>} : memref<2x8192xi32, #tpu.memory_space<vmem>>, vector<16xi32>,
          %ge3A_457 = vector.broadcast %mul3A_64 : i32 to vector<16xi32>
          %ge3A_458 = arith.cmpi sge, %get3A_456, %ge3A_457 : vector<16xi32>
          %add3A_459 = arith.constant 256 : i32
          %add3A_460 = arith.addi %mul3A_64, %add3A_459 : i32
          %lt3A_461 = vector.broadcast %add3A_460 : i32 to vector<16xi32>
          %lt3A_462 = arith.cmpi slt, %get3A_456, %lt3A_461 : vector<16xi32>
          %and3A_463 = arith.andi %ge3A_458, %lt3A_462 : vector<16xi1>
          %mul3A_464 = arith.constant 256 : i32
          %mul3A_465 = vector.broadcast %mul3A_464 : i32 to vector<16xi32>
          %mul3A_466 = arith.muli %get3A_456, %mul3A_465 : vector<16xi32>
          %add3A_467 = arith.addi %mul3A_466, %get3A_452 : vector<16xi32>
          %sub3A_468 = vector.broadcast %mul3A_66 : i32 to vector<16xi32>
          %sub3A_469 = arith.subi %add3A_467, %sub3A_468 : vector<16xi32>
          %jit3A_470 = arith.constant 0 : i32
          %broadcast_in_dim3A_471 = vector.broadcast %jit3A_470 : i32 to vector<16xi32>
          %select_n3A_472 = arith.select %and3A_463, %sub3A_469, %broadcast_in_dim3A_471 : vector<16xi1>, vector<16xi32>
          %mul3A_473 = arith.constant 16 : i32
          %mul3A_474 = arith.muli %scan3A_177, %mul3A_473 : i32
          %add3A_475 = arith.constant 10 : i32
          %add3A_476 = arith.addi %mul3A_474, %add3A_475 : i32
          %mul3A_477 = arith.constant 16 : i32
          %mul3A_478 = arith.muli %add3A_476, %mul3A_477 : i32
          %get3A_479 = arith.constant 0 : i32
          %get3A_480 = arith.index_cast %get3A_479 : i32 to index
          %get3A_481 = arith.index_cast %mul3A_478 : i32 to index
          %get3A_482 = tpu.vector_load %arg8[%get3A_480, %get3A_481] {strides = array<i32>} : memref<2x8192xi32, #tpu.memory_space<vmem>>, vector<16xi32>,
          %get3A_483 = arith.constant 0 : i32
          %get3A_484 = arith.index_cast %get3A_483 : i32 to index
          %get3A_485 = arith.index_cast %mul3A_478 : i32 to index
          %get3A_486 = tpu.vector_load %arg9[%get3A_484, %get3A_485] {strides = array<i32>} : memref<2x8192xi32, #tpu.memory_space<vmem>>, vector<16xi32>,
          %ge3A_487 = vector.broadcast %mul3A_64 : i32 to vector<16xi32>
          %ge3A_488 = arith.cmpi sge, %get3A_486, %ge3A_487 : vector<16xi32>
          %add3A_489 = arith.constant 256 : i32
          %add3A_490 = arith.addi %mul3A_64, %add3A_489 : i32
          %lt3A_491 = vector.broadcast %add3A_490 : i32 to vector<16xi32>
          %lt3A_492 = arith.cmpi slt, %get3A_486, %lt3A_491 : vector<16xi32>
          %and3A_493 = arith.andi %ge3A_488, %lt3A_492 : vector<16xi1>
          %mul3A_494 = arith.constant 256 : i32
          %mul3A_495 = vector.broadcast %mul3A_494 : i32 to vector<16xi32>
          %mul3A_496 = arith.muli %get3A_486, %mul3A_495 : vector<16xi32>
          %add3A_497 = arith.addi %mul3A_496, %get3A_482 : vector<16xi32>
          %sub3A_498 = vector.broadcast %mul3A_66 : i32 to vector<16xi32>
          %sub3A_499 = arith.subi %add3A_497, %sub3A_498 : vector<16xi32>
          %jit3A_500 = arith.constant 0 : i32
          %broadcast_in_dim3A_501 = vector.broadcast %jit3A_500 : i32 to vector<16xi32>
          %select_n3A_502 = arith.select %and3A_493, %sub3A_499, %broadcast_in_dim3A_501 : vector<16xi1>, vector<16xi32>
          %mul3A_503 = arith.constant 16 : i32
          %mul3A_504 = arith.muli %scan3A_177, %mul3A_503 : i32
          %add3A_505 = arith.constant 11 : i32
          %add3A_506 = arith.addi %mul3A_504, %add3A_505 : i32
          %mul3A_507 = arith.constant 16 : i32
          %mul3A_508 = arith.muli %add3A_506, %mul3A_507 : i32
          %get3A_509 = arith.constant 0 : i32
          %get3A_510 = arith.index_cast %get3A_509 : i32 to index
          %get3A_511 = arith.index_cast %mul3A_508 : i32 to index
          %get3A_512 = tpu.vector_load %arg8[%get3A_510, %get3A_511] {strides = array<i32>} : memref<2x8192xi32, #tpu.memory_space<vmem>>, vector<16xi32>,
          %get3A_513 = arith.constant 0 : i32
          %get3A_514 = arith.index_cast %get3A_513 : i32 to index
          %get3A_515 = arith.index_cast %mul3A_508 : i32 to index
          %get3A_516 = tpu.vector_load %arg9[%get3A_514, %get3A_515] {strides = array<i32>} : memref<2x8192xi32, #tpu.memory_space<vmem>>, vector<16xi32>,
          %ge3A_517 = vector.broadcast %mul3A_64 : i32 to vector<16xi32>
          %ge3A_518 = arith.cmpi sge, %get3A_516, %ge3A_517 : vector<16xi32>
          %add3A_519 = arith.constant 256 : i32
          %add3A_520 = arith.addi %mul3A_64, %add3A_519 : i32
          %lt3A_521 = vector.broadcast %add3A_520 : i32 to vector<16xi32>
          %lt3A_522 = arith.cmpi slt, %get3A_516, %lt3A_521 : vector<16xi32>
          %and3A_523 = arith.andi %ge3A_518, %lt3A_522 : vector<16xi1>
          %mul3A_524 = arith.constant 256 : i32
          %mul3A_525 = vector.broadcast %mul3A_524 : i32 to vector<16xi32>
          %mul3A_526 = arith.muli %get3A_516, %mul3A_525 : vector<16xi32>
          %add3A_527 = arith.addi %mul3A_526, %get3A_512 : vector<16xi32>
          %sub3A_528 = vector.broadcast %mul3A_66 : i32 to vector<16xi32>
          %sub3A_529 = arith.subi %add3A_527, %sub3A_528 : vector<16xi32>
          %jit3A_530 = arith.constant 0 : i32
          %broadcast_in_dim3A_531 = vector.broadcast %jit3A_530 : i32 to vector<16xi32>
          %select_n3A_532 = arith.select %and3A_523, %sub3A_529, %broadcast_in_dim3A_531 : vector<16xi1>, vector<16xi32>
          %mul3A_533 = arith.constant 16 : i32
          %mul3A_534 = arith.muli %scan3A_177, %mul3A_533 : i32
          %add3A_535 = arith.constant 12 : i32
          %add3A_536 = arith.addi %mul3A_534, %add3A_535 : i32
          %mul3A_537 = arith.constant 16 : i32
          %mul3A_538 = arith.muli %add3A_536, %mul3A_537 : i32
          %get3A_539 = arith.constant 0 : i32
          %get3A_540 = arith.index_cast %get3A_539 : i32 to index
          %get3A_541 = arith.index_cast %mul3A_538 : i32 to index
          %get3A_542 = tpu.vector_load %arg8[%get3A_540, %get3A_541] {strides = array<i32>} : memref<2x8192xi32, #tpu.memory_space<vmem>>, vector<16xi32>,
          %get3A_543 = arith.constant 0 : i32
          %get3A_544 = arith.index_cast %get3A_543 : i32 to index
          %get3A_545 = arith.index_cast %mul3A_538 : i32 to index
          %get3A_546 = tpu.vector_load %arg9[%get3A_544, %get3A_545] {strides = array<i32>} : memref<2x8192xi32, #tpu.memory_space<vmem>>, vector<16xi32>,
          %ge3A_547 = vector.broadcast %mul3A_64 : i32 to vector<16xi32>
          %ge3A_548 = arith.cmpi sge, %get3A_546, %ge3A_547 : vector<16xi32>
          %add3A_549 = arith.constant 256 : i32
          %add3A_550 = arith.addi %mul3A_64, %add3A_549 : i32
          %lt3A_551 = vector.broadcast %add3A_550 : i32 to vector<16xi32>
          %lt3A_552 = arith.cmpi slt, %get3A_546, %lt3A_551 : vector<16xi32>
          %and3A_553 = arith.andi %ge3A_548, %lt3A_552 : vector<16xi1>
          %mul3A_554 = arith.constant 256 : i32
          %mul3A_555 = vector.broadcast %mul3A_554 : i32 to vector<16xi32>
          %mul3A_556 = arith.muli %get3A_546, %mul3A_555 : vector<16xi32>
          %add3A_557 = arith.addi %mul3A_556, %get3A_542 : vector<16xi32>
          %sub3A_558 = vector.broadcast %mul3A_66 : i32 to vector<16xi32>
          %sub3A_559 = arith.subi %add3A_557, %sub3A_558 : vector<16xi32>
          %jit3A_560 = arith.constant 0 : i32
          %broadcast_in_dim3A_561 = vector.broadcast %jit3A_560 : i32 to vector<16xi32>
          %select_n3A_562 = arith.select %and3A_553, %sub3A_559, %broadcast_in_dim3A_561 : vector<16xi1>, vector<16xi32>
          %mul3A_563 = arith.constant 16 : i32
          %mul3A_564 = arith.muli %scan3A_177, %mul3A_563 : i32
          %add3A_565 = arith.constant 13 : i32
          %add3A_566 = arith.addi %mul3A_564, %add3A_565 : i32
          %mul3A_567 = arith.constant 16 : i32
          %mul3A_568 = arith.muli %add3A_566, %mul3A_567 : i32
          %get3A_569 = arith.constant 0 : i32
          %get3A_570 = arith.index_cast %get3A_569 : i32 to index
          %get3A_571 = arith.index_cast %mul3A_568 : i32 to index
          %get3A_572 = tpu.vector_load %arg8[%get3A_570, %get3A_571] {strides = array<i32>} : memref<2x8192xi32, #tpu.memory_space<vmem>>, vector<16xi32>,
          %get3A_573 = arith.constant 0 : i32
          %get3A_574 = arith.index_cast %get3A_573 : i32 to index
          %get3A_575 = arith.index_cast %mul3A_568 : i32 to index
          %get3A_576 = tpu.vector_load %arg9[%get3A_574, %get3A_575] {strides = array<i32>} : memref<2x8192xi32, #tpu.memory_space<vmem>>, vector<16xi32>,
          %ge3A_577 = vector.broadcast %mul3A_64 : i32 to vector<16xi32>
          %ge3A_578 = arith.cmpi sge, %get3A_576, %ge3A_577 : vector<16xi32>
          %add3A_579 = arith.constant 256 : i32
          %add3A_580 = arith.addi %mul3A_64, %add3A_579 : i32
          %lt3A_581 = vector.broadcast %add3A_580 : i32 to vector<16xi32>
          %lt3A_582 = arith.cmpi slt, %get3A_576, %lt3A_581 : vector<16xi32>
          %and3A_583 = arith.andi %ge3A_578, %lt3A_582 : vector<16xi1>
          %mul3A_584 = arith.constant 256 : i32
          %mul3A_585 = vector.broadcast %mul3A_584 : i32 to vector<16xi32>
          %mul3A_586 = arith.muli %get3A_576, %mul3A_585 : vector<16xi32>
          %add3A_587 = arith.addi %mul3A_586, %get3A_572 : vector<16xi32>
          %sub3A_588 = vector.broadcast %mul3A_66 : i32 to vector<16xi32>
          %sub3A_589 = arith.subi %add3A_587, %sub3A_588 : vector<16xi32>
          %jit3A_590 = arith.constant 0 : i32
          %broadcast_in_dim3A_591 = vector.broadcast %jit3A_590 : i32 to vector<16xi32>
          %select_n3A_592 = arith.select %and3A_583, %sub3A_589, %broadcast_in_dim3A_591 : vector<16xi1>, vector<16xi32>
          %mul3A_593 = arith.constant 16 : i32
          %mul3A_594 = arith.muli %scan3A_177, %mul3A_593 : i32
          %add3A_595 = arith.constant 14 : i32
          %add3A_596 = arith.addi %mul3A_594, %add3A_595 : i32
          %mul3A_597 = arith.constant 16 : i32
          %mul3A_598 = arith.muli %add3A_596, %mul3A_597 : i32
          %get3A_599 = arith.constant 0 : i32
          %get3A_600 = arith.index_cast %get3A_599 : i32 to index
          %get3A_601 = arith.index_cast %mul3A_598 : i32 to index
          %get3A_602 = tpu.vector_load %arg8[%get3A_600, %get3A_601] {strides = array<i32>} : memref<2x8192xi32, #tpu.memory_space<vmem>>, vector<16xi32>,
          %get3A_603 = arith.constant 0 : i32
          %get3A_604 = arith.index_cast %get3A_603 : i32 to index
          %get3A_605 = arith.index_cast %mul3A_598 : i32 to index
          %get3A_606 = tpu.vector_load %arg9[%get3A_604, %get3A_605] {strides = array<i32>} : memref<2x8192xi32, #tpu.memory_space<vmem>>, vector<16xi32>,
          %ge3A_607 = vector.broadcast %mul3A_64 : i32 to vector<16xi32>
          %ge3A_608 = arith.cmpi sge, %get3A_606, %ge3A_607 : vector<16xi32>
          %add3A_609 = arith.constant 256 : i32
          %add3A_610 = arith.addi %mul3A_64, %add3A_609 : i32
          %lt3A_611 = vector.broadcast %add3A_610 : i32 to vector<16xi32>
          %lt3A_612 = arith.cmpi slt, %get3A_606, %lt3A_611 : vector<16xi32>
          %and3A_613 = arith.andi %ge3A_608, %lt3A_612 : vector<16xi1>
          %mul3A_614 = arith.constant 256 : i32
          %mul3A_615 = vector.broadcast %mul3A_614 : i32 to vector<16xi32>
          %mul3A_616 = arith.muli %get3A_606, %mul3A_615 : vector<16xi32>
          %add3A_617 = arith.addi %mul3A_616, %get3A_602 : vector<16xi32>
          %sub3A_618 = vector.broadcast %mul3A_66 : i32 to vector<16xi32>
          %sub3A_619 = arith.subi %add3A_617, %sub3A_618 : vector<16xi32>
          %jit3A_620 = arith.constant 0 : i32
          %broadcast_in_dim3A_621 = vector.broadcast %jit3A_620 : i32 to vector<16xi32>
          %select_n3A_622 = arith.select %and3A_613, %sub3A_619, %broadcast_in_dim3A_621 : vector<16xi1>, vector<16xi32>
          %mul3A_623 = arith.constant 16 : i32
          %mul3A_624 = arith.muli %scan3A_177, %mul3A_623 : i32
          %add3A_625 = arith.constant 15 : i32
          %add3A_626 = arith.addi %mul3A_624, %add3A_625 : i32
          %mul3A_627 = arith.constant 16 : i32
          %mul3A_628 = arith.muli %add3A_626, %mul3A_627 : i32
          %get3A_629 = arith.constant 0 : i32
          %get3A_630 = arith.index_cast %get3A_629 : i32 to index
          %get3A_631 = arith.index_cast %mul3A_628 : i32 to index
          %get3A_632 = tpu.vector_load %arg8[%get3A_630, %get3A_631] {strides = array<i32>} : memref<2x8192xi32, #tpu.memory_space<vmem>>, vector<16xi32>,
          %get3A_633 = arith.constant 0 : i32
          %get3A_634 = arith.index_cast %get3A_633 : i32 to index
          %get3A_635 = arith.index_cast %mul3A_628 : i32 to index
          %get3A_636 = tpu.vector_load %arg9[%get3A_634, %get3A_635] {strides = array<i32>} : memref<2x8192xi32, #tpu.memory_space<vmem>>, vector<16xi32>,
          %ge3A_637 = vector.broadcast %mul3A_64 : i32 to vector<16xi32>
          %ge3A_638 = arith.cmpi sge, %get3A_636, %ge3A_637 : vector<16xi32>
          %add3A_639 = arith.constant 256 : i32
          %add3A_640 = arith.addi %mul3A_64, %add3A_639 : i32
          %lt3A_641 = vector.broadcast %add3A_640 : i32 to vector<16xi32>
          %lt3A_642 = arith.cmpi slt, %get3A_636, %lt3A_641 : vector<16xi32>
          %and3A_643 = arith.andi %ge3A_638, %lt3A_642 : vector<16xi1>
          %mul3A_644 = arith.constant 256 : i32
          %mul3A_645 = vector.broadcast %mul3A_644 : i32 to vector<16xi32>
          %mul3A_646 = arith.muli %get3A_636, %mul3A_645 : vector<16xi32>
          %add3A_647 = arith.addi %mul3A_646, %get3A_632 : vector<16xi32>
          %sub3A_648 = vector.broadcast %mul3A_66 : i32 to vector<16xi32>
          %sub3A_649 = arith.subi %add3A_647, %sub3A_648 : vector<16xi32>
          %jit3A_650 = arith.constant 0 : i32
          %broadcast_in_dim3A_651 = vector.broadcast %jit3A_650 : i32 to vector<16xi32>
          %select_n3A_652 = arith.select %and3A_643, %sub3A_649, %broadcast_in_dim3A_651 : vector<16xi1>, vector<16xi32>
          tpu.vector_store_idx %run_scoped3A[%select_n3A], %broadcast_in_dim3A_1 masked %and3A {add = true} : memref<65536xf32, #tpu.memory_space<vmem>>[vector<16xi32>], vector<16xf32>, vector<16xi1>
          tpu.vector_store_idx %run_scoped3A[%select_n3A_232], %broadcast_in_dim3A_1 masked %and3A_223 {add = true} : memref<65536xf32, #tpu.memory_space<vmem>>[vector<16xi32>], vector<16xf32>, vector<16xi1>
          tpu.vector_store_idx %run_scoped3A[%select_n3A_262], %broadcast_in_dim3A_1 masked %and3A_253 {add = true} : memref<65536xf32, #tpu.memory_space<vmem>>[vector<16xi32>], vector<16xf32>, vector<16xi1>
          tpu.vector_store_idx %run_scoped3A[%select_n3A_292], %broadcast_in_dim3A_1 masked %and3A_283 {add = true} : memref<65536xf32, #tpu.memory_space<vmem>>[vector<16xi32>], vector<16xf32>, vector<16xi1>
          tpu.vector_store_idx %run_scoped3A[%select_n3A_322], %broadcast_in_dim3A_1 masked %and3A_313 {add = true} : memref<65536xf32, #tpu.memory_space<vmem>>[vector<16xi32>], vector<16xf32>, vector<16xi1>
          tpu.vector_store_idx %run_scoped3A[%select_n3A_352], %broadcast_in_dim3A_1 masked %and3A_343 {add = true} : memref<65536xf32, #tpu.memory_space<vmem>>[vector<16xi32>], vector<16xf32>, vector<16xi1>
          tpu.vector_store_idx %run_scoped3A[%select_n3A_382], %broadcast_in_dim3A_1 masked %and3A_373 {add = true} : memref<65536xf32, #tpu.memory_space<vmem>>[vector<16xi32>], vector<16xf32>, vector<16xi1>
          tpu.vector_store_idx %run_scoped3A[%select_n3A_412], %broadcast_in_dim3A_1 masked %and3A_403 {add = true} : memref<65536xf32, #tpu.memory_space<vmem>>[vector<16xi32>], vector<16xf32>, vector<16xi1>
          tpu.vector_store_idx %run_scoped3A[%select_n3A_442], %broadcast_in_dim3A_1 masked %and3A_433 {add = true} : memref<65536xf32, #tpu.memory_space<vmem>>[vector<16xi32>], vector<16xf32>, vector<16xi1>
          tpu.vector_store_idx %run_scoped3A[%select_n3A_472], %broadcast_in_dim3A_1 masked %and3A_463 {add = true} : memref<65536xf32, #tpu.memory_space<vmem>>[vector<16xi32>], vector<16xf32>, vector<16xi1>
          tpu.vector_store_idx %run_scoped3A[%select_n3A_502], %broadcast_in_dim3A_1 masked %and3A_493 {add = true} : memref<65536xf32, #tpu.memory_space<vmem>>[vector<16xi32>], vector<16xf32>, vector<16xi1>
          tpu.vector_store_idx %run_scoped3A[%select_n3A_532], %broadcast_in_dim3A_1 masked %and3A_523 {add = true} : memref<65536xf32, #tpu.memory_space<vmem>>[vector<16xi32>], vector<16xf32>, vector<16xi1>
          tpu.vector_store_idx %run_scoped3A[%select_n3A_562], %broadcast_in_dim3A_1 masked %and3A_553 {add = true} : memref<65536xf32, #tpu.memory_space<vmem>>[vector<16xi32>], vector<16xf32>, vector<16xi1>
          tpu.vector_store_idx %run_scoped3A[%select_n3A_592], %broadcast_in_dim3A_1 masked %and3A_583 {add = true} : memref<65536xf32, #tpu.memory_space<vmem>>[vector<16xi32>], vector<16xf32>, vector<16xi1>
          tpu.vector_store_idx %run_scoped3A[%select_n3A_622], %broadcast_in_dim3A_1 masked %and3A_613 {add = true} : memref<65536xf32, #tpu.memory_space<vmem>>[vector<16xi32>], vector<16xf32>, vector<16xi1>
          tpu.vector_store_idx %run_scoped3A[%select_n3A_652], %broadcast_in_dim3A_1 masked %and3A_643 {add = true} : memref<65536xf32, #tpu.memory_space<vmem>>[vector<16xi32>], vector<16xf32>, vector<16xi1>
          %scan3A_653 = arith.constant 0 : i32
          scf.yield %scan3A_653 : i32
        }
        %scan3A_123 = arith.constant 32 : i32
        %add3A_124 = arith.constant 2 : i32
        %add3A_125 = arith.addi %add3A_87, %add3A_124 : i32
        %lt3A = arith.constant 32 : i32
        %lt3A_126 = arith.cmpi slt, %add3A_125, %lt3A : i32
        %convert_element_type3A = arith.extui %lt3A_126 : i1 to i32
        %cond3A = arith.constant 0 : i32
        %cond3A_127 = arith.cmpi ne, %convert_element_type3A, %cond3A : i32
        scf.if %cond3A_127 {
          %add3A_177 = arith.constant 2 : i32
          %add3A_178 = arith.addi %add3A_87, %add3A_177 : i32
          %mul3A_179 = arith.constant 8192 : i32
          %mul3A_180 = arith.muli %add3A_178, %mul3A_179 : i32
          %dma_start3A_181 = arith.constant 0 : i32
          %dma_start3A_182 = arith.constant 0 : i32
          %dma_start3A_183 = arith.constant 0 : i32
          %dma_start3A_184 = arith.constant 0 : i32
          %dma_start3A_185 = tpu.memref_slice %arg8[%dma_start3A_181, %dma_start3A_184] : memref<2x8192xi32, #tpu.memory_space<vmem>> -> memref<1x8192xi32, #tpu.memory_space<vmem>>
          %dma_start3A_186 = tpu.memref_squeeze %dma_start3A_185 : memref<1x8192xi32, #tpu.memory_space<vmem>> -> memref<8192xi32, #tpu.memory_space<vmem>>
          %dma_start3A_187 = tpu.memref_slice %arg4[%mul3A_180] : memref<262144xi32, #tpu.memory_space<hbm>> -> memref<8192xi32, #tpu.memory_space<hbm>>
          %dma_start3A_188 = tpu.memref_slice %arg10[%dma_start3A_182, %dma_start3A_183] : memref<2x2x!tpu.dma_semaphore, #tpu.memory_space<semaphore_mem>> -> memref<1x1x!tpu.dma_semaphore, #tpu.memory_space<semaphore_mem>>
          %dma_start3A_189 = tpu.memref_squeeze %dma_start3A_188 : memref<1x1x!tpu.dma_semaphore, #tpu.memory_space<semaphore_mem>> -> memref<!tpu.dma_semaphore, #tpu.memory_space<semaphore_mem>>
          %dma_start3A_190 = arith.constant 0 : i32
          %dma_start3A_191 = tpu.memref_slice %arg8[%dma_start3A_181, %dma_start3A_190] : memref<2x8192xi32, #tpu.memory_space<vmem>> -> memref<1x8192xi32, #tpu.memory_space<vmem>>
          %dma_start3A_192 = tpu.memref_squeeze %dma_start3A_191 : memref<1x8192xi32, #tpu.memory_space<vmem>> -> memref<8192xi32, #tpu.memory_space<vmem>>
          %dma_start3A_193 = tpu.memref_slice %arg4[%mul3A_180] : memref<262144xi32, #tpu.memory_space<hbm>> -> memref<8192xi32, #tpu.memory_space<hbm>>
          tpu.enqueue_dma source(%dma_start3A_193 : memref<8192xi32, #tpu.memory_space<hbm>>) target(%dma_start3A_192 : memref<8192xi32, #tpu.memory_space<vmem>>) target_semaphore(%dma_start3A_189 : memref<!tpu.dma_semaphore, #tpu.memory_space<semaphore_mem>>)
          %mul3A_194 = arith.constant 8192 : i32
          %mul3A_195 = arith.muli %add3A_178, %mul3A_194 : i32
          %dma_start3A_196 = arith.constant 0 : i32
          %dma_start3A_197 = arith.constant 0 : i32
          %dma_start3A_198 = arith.constant 1 : i32
          %dma_start3A_199 = arith.constant 0 : i32
          %dma_start3A_200 = tpu.memref_slice %arg9[%dma_start3A_196, %dma_start3A_199] : memref<2x8192xi32, #tpu.memory_space<vmem>> -> memref<1x8192xi32, #tpu.memory_space<vmem>>
          %dma_start3A_201 = tpu.memref_squeeze %dma_start3A_200 : memref<1x8192xi32, #tpu.memory_space<vmem>> -> memref<8192xi32, #tpu.memory_space<vmem>>
          %dma_start3A_202 = tpu.memref_slice %arg5[%mul3A_195] : memref<262144xi32, #tpu.memory_space<hbm>> -> memref<8192xi32, #tpu.memory_space<hbm>>
          %dma_start3A_203 = tpu.memref_slice %arg10[%dma_start3A_197, %dma_start3A_198] : memref<2x2x!tpu.dma_semaphore, #tpu.memory_space<semaphore_mem>> -> memref<1x1x!tpu.dma_semaphore, #tpu.memory_space<semaphore_mem>>
          %dma_start3A_204 = tpu.memref_squeeze %dma_start3A_203 : memref<1x1x!tpu.dma_semaphore, #tpu.memory_space<semaphore_mem>> -> memref<!tpu.dma_semaphore, #tpu.memory_space<semaphore_mem>>
          %dma_start3A_205 = arith.constant 0 : i32
          %dma_start3A_206 = tpu.memref_slice %arg9[%dma_start3A_196, %dma_start3A_205] : memref<2x8192xi32, #tpu.memory_space<vmem>> -> memref<1x8192xi32, #tpu.memory_space<vmem>>
          %dma_start3A_207 = tpu.memref_squeeze %dma_start3A_206 : memref<1x8192xi32, #tpu.memory_space<vmem>> -> memref<8192xi32, #tpu.memory_space<vmem>>
          %dma_start3A_208 = tpu.memref_slice %arg5[%mul3A_195] : memref<262144xi32, #tpu.memory_space<hbm>> -> memref<8192xi32, #tpu.memory_space<hbm>>
          tpu.enqueue_dma source(%dma_start3A_208 : memref<8192xi32, #tpu.memory_space<hbm>>) target(%dma_start3A_207 : memref<8192xi32, #tpu.memory_space<vmem>>) target_semaphore(%dma_start3A_204 : memref<!tpu.dma_semaphore, #tpu.memory_space<semaphore_mem>>)
        } else {
        }
        %mul3A_128 = arith.constant 2 : i32
        %mul3A_129 = arith.muli %scan3A_82, %mul3A_128 : i32
        %add3A_130 = arith.constant 1 : i32
        %add3A_131 = arith.addi %mul3A_129, %add3A_130 : i32
        %dma_wait3A_132 = arith.constant 1 : i32
        %dma_wait3A_133 = arith.constant 1 : i32
        %dma_wait3A_134 = arith.constant 0 : i32
        %dma_wait3A_135 = arith.constant 0 : i32
        %dma_wait3A_136 = tpu.memref_slice %arg8[%dma_wait3A_132, %dma_wait3A_135] : memref<2x8192xi32, #tpu.memory_space<vmem>> -> memref<1x8192xi32, #tpu.memory_space<vmem>>
        %dma_wait3A_137 = tpu.memref_squeeze %dma_wait3A_136 : memref<1x8192xi32, #tpu.memory_space<vmem>> -> memref<8192xi32, #tpu.memory_space<vmem>>
        %dma_wait3A_138 = arith.constant 0 : i32
        %dma_wait3A_139 = tpu.memref_slice %arg4[%dma_wait3A_138] : memref<262144xi32, #tpu.memory_space<hbm>> -> memref<8192xi32, #tpu.memory_space<hbm>>
        %dma_wait3A_140 = tpu.memref_slice %arg10[%dma_wait3A_133, %dma_wait3A_134] : memref<2x2x!tpu.dma_semaphore, #tpu.memory_space<semaphore_mem>> -> memref<1x1x!tpu.dma_semaphore, #tpu.memory_space<semaphore_mem>>
        %dma_wait3A_141 = tpu.memref_squeeze %dma_wait3A_140 : memref<1x1x!tpu.dma_semaphore, #tpu.memory_space<semaphore_mem>> -> memref<!tpu.dma_semaphore, #tpu.memory_space<semaphore_mem>>
        %dma_wait3A_142 = arith.constant 0 : i32
        %dma_wait3A_143 = tpu.memref_slice %arg8[%dma_wait3A_132, %dma_wait3A_142] : memref<2x8192xi32, #tpu.memory_space<vmem>> -> memref<1x8192xi32, #tpu.memory_space<vmem>>
        %dma_wait3A_144 = tpu.memref_squeeze %dma_wait3A_143 : memref<1x8192xi32, #tpu.memory_space<vmem>> -> memref<8192xi32, #tpu.memory_space<vmem>>
        %dma_wait3A_145 = arith.constant 0 : i32
        %dma_wait3A_146 = tpu.memref_slice %arg4[%dma_wait3A_145] : memref<262144xi32, #tpu.memory_space<hbm>> -> memref<8192xi32, #tpu.memory_space<hbm>>
        tpu.wait_dma2 semaphore(%dma_wait3A_141 : memref<!tpu.dma_semaphore, #tpu.memory_space<semaphore_mem>>) src(%dma_wait3A_146 : memref<8192xi32, #tpu.memory_space<hbm>>) dst(%dma_wait3A_144 : memref<8192xi32, #tpu.memory_space<vmem>>)
        %dma_wait3A_147 = arith.constant 1 : i32
        %dma_wait3A_148 = arith.constant 1 : i32
        %dma_wait3A_149 = arith.constant 1 : i32
        %dma_wait3A_150 = arith.constant 0 : i32
        %dma_wait3A_151 = tpu.memref_slice %arg9[%dma_wait3A_147, %dma_wait3A_150] : memref<2x8192xi32, #tpu.memory_space<vmem>> -> memref<1x8192xi32, #tpu.memory_space<vmem>>
        %dma_wait3A_152 = tpu.memref_squeeze %dma_wait3A_151 : memref<1x8192xi32, #tpu.memory_space<vmem>> -> memref<8192xi32, #tpu.memory_space<vmem>>
        %dma_wait3A_153 = arith.constant 0 : i32
        %dma_wait3A_154 = tpu.memref_slice %arg5[%dma_wait3A_153] : memref<262144xi32, #tpu.memory_space<hbm>> -> memref<8192xi32, #tpu.memory_space<hbm>>
        %dma_wait3A_155 = tpu.memref_slice %arg10[%dma_wait3A_148, %dma_wait3A_149] : memref<2x2x!tpu.dma_semaphore, #tpu.memory_space<semaphore_mem>> -> memref<1x1x!tpu.dma_semaphore, #tpu.memory_space<semaphore_mem>>
        %dma_wait3A_156 = tpu.memref_squeeze %dma_wait3A_155 : memref<1x1x!tpu.dma_semaphore, #tpu.memory_space<semaphore_mem>> -> memref<!tpu.dma_semaphore, #tpu.memory_space<semaphore_mem>>
        %dma_wait3A_157 = arith.constant 0 : i32
        %dma_wait3A_158 = tpu.memref_slice %arg9[%dma_wait3A_147, %dma_wait3A_157] : memref<2x8192xi32, #tpu.memory_space<vmem>> -> memref<1x8192xi32, #tpu.memory_space<vmem>>
        %dma_wait3A_159 = tpu.memref_squeeze %dma_wait3A_158 : memref<1x8192xi32, #tpu.memory_space<vmem>> -> memref<8192xi32, #tpu.memory_space<vmem>>
        %dma_wait3A_160 = arith.constant 0 : i32
        %dma_wait3A_161 = tpu.memref_slice %arg5[%dma_wait3A_160] : memref<262144xi32, #tpu.memory_space<hbm>> -> memref<8192xi32, #tpu.memory_space<hbm>>
        tpu.wait_dma2 semaphore(%dma_wait3A_156 : memref<!tpu.dma_semaphore, #tpu.memory_space<semaphore_mem>>) src(%dma_wait3A_161 : memref<8192xi32, #tpu.memory_space<hbm>>) dst(%dma_wait3A_159 : memref<8192xi32, #tpu.memory_space<vmem>>)
        %scan3A_162 = arith.constant 0 : i32
        %scan3A_163 = arith.constant 0 : i32
        %scan3A_164 = arith.constant 32 : i32
        %scan3A_165 = arith.addi %scan3A_163, %scan3A_164 : i32
        %scan3A_166 = arith.constant 1 : i32
        %scan3A_167 = scf.for %scan3A_177 = %scan3A_163 to %scan3A_165 step %scan3A_166 iter_args(%scan3A_178 = %scan3A_162) -> (i32)  : i32 {
          %mul3A_179 = arith.constant 16 : i32
          %mul3A_180 = arith.muli %scan3A_177, %mul3A_179 : i32
          %add3A_181 = arith.constant 0 : i32
          %add3A_182 = arith.addi %mul3A_180, %add3A_181 : i32
          %mul3A_183 = arith.constant 16 : i32
          %mul3A_184 = arith.muli %add3A_182, %mul3A_183 : i32
          %get3A = arith.constant 1 : i32
          %get3A_185 = arith.index_cast %get3A : i32 to index
          %get3A_186 = arith.index_cast %mul3A_184 : i32 to index
          %get3A_187 = tpu.vector_load %arg8[%get3A_185, %get3A_186] {strides = array<i32>} : memref<2x8192xi32, #tpu.memory_space<vmem>>, vector<16xi32>,
          %get3A_188 = arith.constant 1 : i32
          %get3A_189 = arith.index_cast %get3A_188 : i32 to index
          %get3A_190 = arith.index_cast %mul3A_184 : i32 to index
          %get3A_191 = tpu.vector_load %arg9[%get3A_189, %get3A_190] {strides = array<i32>} : memref<2x8192xi32, #tpu.memory_space<vmem>>, vector<16xi32>,
          %ge3A = vector.broadcast %mul3A_64 : i32 to vector<16xi32>
          %ge3A_192 = arith.cmpi sge, %get3A_191, %ge3A : vector<16xi32>
          %add3A_193 = arith.constant 256 : i32
          %add3A_194 = arith.addi %mul3A_64, %add3A_193 : i32
          %lt3A_195 = vector.broadcast %add3A_194 : i32 to vector<16xi32>
          %lt3A_196 = arith.cmpi slt, %get3A_191, %lt3A_195 : vector<16xi32>
          %and3A = arith.andi %ge3A_192, %lt3A_196 : vector<16xi1>
          %mul3A_197 = arith.constant 256 : i32
          %mul3A_198 = vector.broadcast %mul3A_197 : i32 to vector<16xi32>
          %mul3A_199 = arith.muli %get3A_191, %mul3A_198 : vector<16xi32>
          %add3A_200 = arith.addi %mul3A_199, %get3A_187 : vector<16xi32>
          %sub3A = vector.broadcast %mul3A_66 : i32 to vector<16xi32>
          %sub3A_201 = arith.subi %add3A_200, %sub3A : vector<16xi32>
          %jit3A = arith.constant 0 : i32
          %broadcast_in_dim3A_202 = vector.broadcast %jit3A : i32 to vector<16xi32>
          %select_n3A = arith.select %and3A, %sub3A_201, %broadcast_in_dim3A_202 : vector<16xi1>, vector<16xi32>
          %mul3A_203 = arith.constant 16 : i32
          %mul3A_204 = arith.muli %scan3A_177, %mul3A_203 : i32
          %add3A_205 = arith.constant 1 : i32
          %add3A_206 = arith.addi %mul3A_204, %add3A_205 : i32
          %mul3A_207 = arith.constant 16 : i32
          %mul3A_208 = arith.muli %add3A_206, %mul3A_207 : i32
          %get3A_209 = arith.constant 1 : i32
          %get3A_210 = arith.index_cast %get3A_209 : i32 to index
          %get3A_211 = arith.index_cast %mul3A_208 : i32 to index
          %get3A_212 = tpu.vector_load %arg8[%get3A_210, %get3A_211] {strides = array<i32>} : memref<2x8192xi32, #tpu.memory_space<vmem>>, vector<16xi32>,
          %get3A_213 = arith.constant 1 : i32
          %get3A_214 = arith.index_cast %get3A_213 : i32 to index
          %get3A_215 = arith.index_cast %mul3A_208 : i32 to index
          %get3A_216 = tpu.vector_load %arg9[%get3A_214, %get3A_215] {strides = array<i32>} : memref<2x8192xi32, #tpu.memory_space<vmem>>, vector<16xi32>,
          %ge3A_217 = vector.broadcast %mul3A_64 : i32 to vector<16xi32>
          %ge3A_218 = arith.cmpi sge, %get3A_216, %ge3A_217 : vector<16xi32>
          %add3A_219 = arith.constant 256 : i32
          %add3A_220 = arith.addi %mul3A_64, %add3A_219 : i32
          %lt3A_221 = vector.broadcast %add3A_220 : i32 to vector<16xi32>
          %lt3A_222 = arith.cmpi slt, %get3A_216, %lt3A_221 : vector<16xi32>
          %and3A_223 = arith.andi %ge3A_218, %lt3A_222 : vector<16xi1>
          %mul3A_224 = arith.constant 256 : i32
          %mul3A_225 = vector.broadcast %mul3A_224 : i32 to vector<16xi32>
          %mul3A_226 = arith.muli %get3A_216, %mul3A_225 : vector<16xi32>
          %add3A_227 = arith.addi %mul3A_226, %get3A_212 : vector<16xi32>
          %sub3A_228 = vector.broadcast %mul3A_66 : i32 to vector<16xi32>
          %sub3A_229 = arith.subi %add3A_227, %sub3A_228 : vector<16xi32>
          %jit3A_230 = arith.constant 0 : i32
          %broadcast_in_dim3A_231 = vector.broadcast %jit3A_230 : i32 to vector<16xi32>
          %select_n3A_232 = arith.select %and3A_223, %sub3A_229, %broadcast_in_dim3A_231 : vector<16xi1>, vector<16xi32>
          %mul3A_233 = arith.constant 16 : i32
          %mul3A_234 = arith.muli %scan3A_177, %mul3A_233 : i32
          %add3A_235 = arith.constant 2 : i32
          %add3A_236 = arith.addi %mul3A_234, %add3A_235 : i32
          %mul3A_237 = arith.constant 16 : i32
          %mul3A_238 = arith.muli %add3A_236, %mul3A_237 : i32
          %get3A_239 = arith.constant 1 : i32
          %get3A_240 = arith.index_cast %get3A_239 : i32 to index
          %get3A_241 = arith.index_cast %mul3A_238 : i32 to index
          %get3A_242 = tpu.vector_load %arg8[%get3A_240, %get3A_241] {strides = array<i32>} : memref<2x8192xi32, #tpu.memory_space<vmem>>, vector<16xi32>,
          %get3A_243 = arith.constant 1 : i32
          %get3A_244 = arith.index_cast %get3A_243 : i32 to index
          %get3A_245 = arith.index_cast %mul3A_238 : i32 to index
          %get3A_246 = tpu.vector_load %arg9[%get3A_244, %get3A_245] {strides = array<i32>} : memref<2x8192xi32, #tpu.memory_space<vmem>>, vector<16xi32>,
          %ge3A_247 = vector.broadcast %mul3A_64 : i32 to vector<16xi32>
          %ge3A_248 = arith.cmpi sge, %get3A_246, %ge3A_247 : vector<16xi32>
          %add3A_249 = arith.constant 256 : i32
          %add3A_250 = arith.addi %mul3A_64, %add3A_249 : i32
          %lt3A_251 = vector.broadcast %add3A_250 : i32 to vector<16xi32>
          %lt3A_252 = arith.cmpi slt, %get3A_246, %lt3A_251 : vector<16xi32>
          %and3A_253 = arith.andi %ge3A_248, %lt3A_252 : vector<16xi1>
          %mul3A_254 = arith.constant 256 : i32
          %mul3A_255 = vector.broadcast %mul3A_254 : i32 to vector<16xi32>
          %mul3A_256 = arith.muli %get3A_246, %mul3A_255 : vector<16xi32>
          %add3A_257 = arith.addi %mul3A_256, %get3A_242 : vector<16xi32>
          %sub3A_258 = vector.broadcast %mul3A_66 : i32 to vector<16xi32>
          %sub3A_259 = arith.subi %add3A_257, %sub3A_258 : vector<16xi32>
          %jit3A_260 = arith.constant 0 : i32
          %broadcast_in_dim3A_261 = vector.broadcast %jit3A_260 : i32 to vector<16xi32>
          %select_n3A_262 = arith.select %and3A_253, %sub3A_259, %broadcast_in_dim3A_261 : vector<16xi1>, vector<16xi32>
          %mul3A_263 = arith.constant 16 : i32
          %mul3A_264 = arith.muli %scan3A_177, %mul3A_263 : i32
          %add3A_265 = arith.constant 3 : i32
          %add3A_266 = arith.addi %mul3A_264, %add3A_265 : i32
          %mul3A_267 = arith.constant 16 : i32
          %mul3A_268 = arith.muli %add3A_266, %mul3A_267 : i32
          %get3A_269 = arith.constant 1 : i32
          %get3A_270 = arith.index_cast %get3A_269 : i32 to index
          %get3A_271 = arith.index_cast %mul3A_268 : i32 to index
          %get3A_272 = tpu.vector_load %arg8[%get3A_270, %get3A_271] {strides = array<i32>} : memref<2x8192xi32, #tpu.memory_space<vmem>>, vector<16xi32>,
          %get3A_273 = arith.constant 1 : i32
          %get3A_274 = arith.index_cast %get3A_273 : i32 to index
          %get3A_275 = arith.index_cast %mul3A_268 : i32 to index
          %get3A_276 = tpu.vector_load %arg9[%get3A_274, %get3A_275] {strides = array<i32>} : memref<2x8192xi32, #tpu.memory_space<vmem>>, vector<16xi32>,
          %ge3A_277 = vector.broadcast %mul3A_64 : i32 to vector<16xi32>
          %ge3A_278 = arith.cmpi sge, %get3A_276, %ge3A_277 : vector<16xi32>
          %add3A_279 = arith.constant 256 : i32
          %add3A_280 = arith.addi %mul3A_64, %add3A_279 : i32
          %lt3A_281 = vector.broadcast %add3A_280 : i32 to vector<16xi32>
          %lt3A_282 = arith.cmpi slt, %get3A_276, %lt3A_281 : vector<16xi32>
          %and3A_283 = arith.andi %ge3A_278, %lt3A_282 : vector<16xi1>
          %mul3A_284 = arith.constant 256 : i32
          %mul3A_285 = vector.broadcast %mul3A_284 : i32 to vector<16xi32>
          %mul3A_286 = arith.muli %get3A_276, %mul3A_285 : vector<16xi32>
          %add3A_287 = arith.addi %mul3A_286, %get3A_272 : vector<16xi32>
          %sub3A_288 = vector.broadcast %mul3A_66 : i32 to vector<16xi32>
          %sub3A_289 = arith.subi %add3A_287, %sub3A_288 : vector<16xi32>
          %jit3A_290 = arith.constant 0 : i32
          %broadcast_in_dim3A_291 = vector.broadcast %jit3A_290 : i32 to vector<16xi32>
          %select_n3A_292 = arith.select %and3A_283, %sub3A_289, %broadcast_in_dim3A_291 : vector<16xi1>, vector<16xi32>
          %mul3A_293 = arith.constant 16 : i32
          %mul3A_294 = arith.muli %scan3A_177, %mul3A_293 : i32
          %add3A_295 = arith.constant 4 : i32
          %add3A_296 = arith.addi %mul3A_294, %add3A_295 : i32
          %mul3A_297 = arith.constant 16 : i32
          %mul3A_298 = arith.muli %add3A_296, %mul3A_297 : i32
          %get3A_299 = arith.constant 1 : i32
          %get3A_300 = arith.index_cast %get3A_299 : i32 to index
          %get3A_301 = arith.index_cast %mul3A_298 : i32 to index
          %get3A_302 = tpu.vector_load %arg8[%get3A_300, %get3A_301] {strides = array<i32>} : memref<2x8192xi32, #tpu.memory_space<vmem>>, vector<16xi32>,
          %get3A_303 = arith.constant 1 : i32
          %get3A_304 = arith.index_cast %get3A_303 : i32 to index
          %get3A_305 = arith.index_cast %mul3A_298 : i32 to index
          %get3A_306 = tpu.vector_load %arg9[%get3A_304, %get3A_305] {strides = array<i32>} : memref<2x8192xi32, #tpu.memory_space<vmem>>, vector<16xi32>,
          %ge3A_307 = vector.broadcast %mul3A_64 : i32 to vector<16xi32>
          %ge3A_308 = arith.cmpi sge, %get3A_306, %ge3A_307 : vector<16xi32>
          %add3A_309 = arith.constant 256 : i32
          %add3A_310 = arith.addi %mul3A_64, %add3A_309 : i32
          %lt3A_311 = vector.broadcast %add3A_310 : i32 to vector<16xi32>
          %lt3A_312 = arith.cmpi slt, %get3A_306, %lt3A_311 : vector<16xi32>
          %and3A_313 = arith.andi %ge3A_308, %lt3A_312 : vector<16xi1>
          %mul3A_314 = arith.constant 256 : i32
          %mul3A_315 = vector.broadcast %mul3A_314 : i32 to vector<16xi32>
          %mul3A_316 = arith.muli %get3A_306, %mul3A_315 : vector<16xi32>
          %add3A_317 = arith.addi %mul3A_316, %get3A_302 : vector<16xi32>
          %sub3A_318 = vector.broadcast %mul3A_66 : i32 to vector<16xi32>
          %sub3A_319 = arith.subi %add3A_317, %sub3A_318 : vector<16xi32>
          %jit3A_320 = arith.constant 0 : i32
          %broadcast_in_dim3A_321 = vector.broadcast %jit3A_320 : i32 to vector<16xi32>
          %select_n3A_322 = arith.select %and3A_313, %sub3A_319, %broadcast_in_dim3A_321 : vector<16xi1>, vector<16xi32>
          %mul3A_323 = arith.constant 16 : i32
          %mul3A_324 = arith.muli %scan3A_177, %mul3A_323 : i32
          %add3A_325 = arith.constant 5 : i32
          %add3A_326 = arith.addi %mul3A_324, %add3A_325 : i32
          %mul3A_327 = arith.constant 16 : i32
          %mul3A_328 = arith.muli %add3A_326, %mul3A_327 : i32
          %get3A_329 = arith.constant 1 : i32
          %get3A_330 = arith.index_cast %get3A_329 : i32 to index
          %get3A_331 = arith.index_cast %mul3A_328 : i32 to index
          %get3A_332 = tpu.vector_load %arg8[%get3A_330, %get3A_331] {strides = array<i32>} : memref<2x8192xi32, #tpu.memory_space<vmem>>, vector<16xi32>,
          %get3A_333 = arith.constant 1 : i32
          %get3A_334 = arith.index_cast %get3A_333 : i32 to index
          %get3A_335 = arith.index_cast %mul3A_328 : i32 to index
          %get3A_336 = tpu.vector_load %arg9[%get3A_334, %get3A_335] {strides = array<i32>} : memref<2x8192xi32, #tpu.memory_space<vmem>>, vector<16xi32>,
          %ge3A_337 = vector.broadcast %mul3A_64 : i32 to vector<16xi32>
          %ge3A_338 = arith.cmpi sge, %get3A_336, %ge3A_337 : vector<16xi32>
          %add3A_339 = arith.constant 256 : i32
          %add3A_340 = arith.addi %mul3A_64, %add3A_339 : i32
          %lt3A_341 = vector.broadcast %add3A_340 : i32 to vector<16xi32>
          %lt3A_342 = arith.cmpi slt, %get3A_336, %lt3A_341 : vector<16xi32>
          %and3A_343 = arith.andi %ge3A_338, %lt3A_342 : vector<16xi1>
          %mul3A_344 = arith.constant 256 : i32
          %mul3A_345 = vector.broadcast %mul3A_344 : i32 to vector<16xi32>
          %mul3A_346 = arith.muli %get3A_336, %mul3A_345 : vector<16xi32>
          %add3A_347 = arith.addi %mul3A_346, %get3A_332 : vector<16xi32>
          %sub3A_348 = vector.broadcast %mul3A_66 : i32 to vector<16xi32>
          %sub3A_349 = arith.subi %add3A_347, %sub3A_348 : vector<16xi32>
          %jit3A_350 = arith.constant 0 : i32
          %broadcast_in_dim3A_351 = vector.broadcast %jit3A_350 : i32 to vector<16xi32>
          %select_n3A_352 = arith.select %and3A_343, %sub3A_349, %broadcast_in_dim3A_351 : vector<16xi1>, vector<16xi32>
          %mul3A_353 = arith.constant 16 : i32
          %mul3A_354 = arith.muli %scan3A_177, %mul3A_353 : i32
          %add3A_355 = arith.constant 6 : i32
          %add3A_356 = arith.addi %mul3A_354, %add3A_355 : i32
          %mul3A_357 = arith.constant 16 : i32
          %mul3A_358 = arith.muli %add3A_356, %mul3A_357 : i32
          %get3A_359 = arith.constant 1 : i32
          %get3A_360 = arith.index_cast %get3A_359 : i32 to index
          %get3A_361 = arith.index_cast %mul3A_358 : i32 to index
          %get3A_362 = tpu.vector_load %arg8[%get3A_360, %get3A_361] {strides = array<i32>} : memref<2x8192xi32, #tpu.memory_space<vmem>>, vector<16xi32>,
          %get3A_363 = arith.constant 1 : i32
          %get3A_364 = arith.index_cast %get3A_363 : i32 to index
          %get3A_365 = arith.index_cast %mul3A_358 : i32 to index
          %get3A_366 = tpu.vector_load %arg9[%get3A_364, %get3A_365] {strides = array<i32>} : memref<2x8192xi32, #tpu.memory_space<vmem>>, vector<16xi32>,
          %ge3A_367 = vector.broadcast %mul3A_64 : i32 to vector<16xi32>
          %ge3A_368 = arith.cmpi sge, %get3A_366, %ge3A_367 : vector<16xi32>
          %add3A_369 = arith.constant 256 : i32
          %add3A_370 = arith.addi %mul3A_64, %add3A_369 : i32
          %lt3A_371 = vector.broadcast %add3A_370 : i32 to vector<16xi32>
          %lt3A_372 = arith.cmpi slt, %get3A_366, %lt3A_371 : vector<16xi32>
          %and3A_373 = arith.andi %ge3A_368, %lt3A_372 : vector<16xi1>
          %mul3A_374 = arith.constant 256 : i32
          %mul3A_375 = vector.broadcast %mul3A_374 : i32 to vector<16xi32>
          %mul3A_376 = arith.muli %get3A_366, %mul3A_375 : vector<16xi32>
          %add3A_377 = arith.addi %mul3A_376, %get3A_362 : vector<16xi32>
          %sub3A_378 = vector.broadcast %mul3A_66 : i32 to vector<16xi32>
          %sub3A_379 = arith.subi %add3A_377, %sub3A_378 : vector<16xi32>
          %jit3A_380 = arith.constant 0 : i32
          %broadcast_in_dim3A_381 = vector.broadcast %jit3A_380 : i32 to vector<16xi32>
          %select_n3A_382 = arith.select %and3A_373, %sub3A_379, %broadcast_in_dim3A_381 : vector<16xi1>, vector<16xi32>
          %mul3A_383 = arith.constant 16 : i32
          %mul3A_384 = arith.muli %scan3A_177, %mul3A_383 : i32
          %add3A_385 = arith.constant 7 : i32
          %add3A_386 = arith.addi %mul3A_384, %add3A_385 : i32
          %mul3A_387 = arith.constant 16 : i32
          %mul3A_388 = arith.muli %add3A_386, %mul3A_387 : i32
          %get3A_389 = arith.constant 1 : i32
          %get3A_390 = arith.index_cast %get3A_389 : i32 to index
          %get3A_391 = arith.index_cast %mul3A_388 : i32 to index
          %get3A_392 = tpu.vector_load %arg8[%get3A_390, %get3A_391] {strides = array<i32>} : memref<2x8192xi32, #tpu.memory_space<vmem>>, vector<16xi32>,
          %get3A_393 = arith.constant 1 : i32
          %get3A_394 = arith.index_cast %get3A_393 : i32 to index
          %get3A_395 = arith.index_cast %mul3A_388 : i32 to index
          %get3A_396 = tpu.vector_load %arg9[%get3A_394, %get3A_395] {strides = array<i32>} : memref<2x8192xi32, #tpu.memory_space<vmem>>, vector<16xi32>,
          %ge3A_397 = vector.broadcast %mul3A_64 : i32 to vector<16xi32>
          %ge3A_398 = arith.cmpi sge, %get3A_396, %ge3A_397 : vector<16xi32>
          %add3A_399 = arith.constant 256 : i32
          %add3A_400 = arith.addi %mul3A_64, %add3A_399 : i32
          %lt3A_401 = vector.broadcast %add3A_400 : i32 to vector<16xi32>
          %lt3A_402 = arith.cmpi slt, %get3A_396, %lt3A_401 : vector<16xi32>
          %and3A_403 = arith.andi %ge3A_398, %lt3A_402 : vector<16xi1>
          %mul3A_404 = arith.constant 256 : i32
          %mul3A_405 = vector.broadcast %mul3A_404 : i32 to vector<16xi32>
          %mul3A_406 = arith.muli %get3A_396, %mul3A_405 : vector<16xi32>
          %add3A_407 = arith.addi %mul3A_406, %get3A_392 : vector<16xi32>
          %sub3A_408 = vector.broadcast %mul3A_66 : i32 to vector<16xi32>
          %sub3A_409 = arith.subi %add3A_407, %sub3A_408 : vector<16xi32>
          %jit3A_410 = arith.constant 0 : i32
          %broadcast_in_dim3A_411 = vector.broadcast %jit3A_410 : i32 to vector<16xi32>
          %select_n3A_412 = arith.select %and3A_403, %sub3A_409, %broadcast_in_dim3A_411 : vector<16xi1>, vector<16xi32>
          %mul3A_413 = arith.constant 16 : i32
          %mul3A_414 = arith.muli %scan3A_177, %mul3A_413 : i32
          %add3A_415 = arith.constant 8 : i32
          %add3A_416 = arith.addi %mul3A_414, %add3A_415 : i32
          %mul3A_417 = arith.constant 16 : i32
          %mul3A_418 = arith.muli %add3A_416, %mul3A_417 : i32
          %get3A_419 = arith.constant 1 : i32
          %get3A_420 = arith.index_cast %get3A_419 : i32 to index
          %get3A_421 = arith.index_cast %mul3A_418 : i32 to index
          %get3A_422 = tpu.vector_load %arg8[%get3A_420, %get3A_421] {strides = array<i32>} : memref<2x8192xi32, #tpu.memory_space<vmem>>, vector<16xi32>,
          %get3A_423 = arith.constant 1 : i32
          %get3A_424 = arith.index_cast %get3A_423 : i32 to index
          %get3A_425 = arith.index_cast %mul3A_418 : i32 to index
          %get3A_426 = tpu.vector_load %arg9[%get3A_424, %get3A_425] {strides = array<i32>} : memref<2x8192xi32, #tpu.memory_space<vmem>>, vector<16xi32>,
          %ge3A_427 = vector.broadcast %mul3A_64 : i32 to vector<16xi32>
          %ge3A_428 = arith.cmpi sge, %get3A_426, %ge3A_427 : vector<16xi32>
          %add3A_429 = arith.constant 256 : i32
          %add3A_430 = arith.addi %mul3A_64, %add3A_429 : i32
          %lt3A_431 = vector.broadcast %add3A_430 : i32 to vector<16xi32>
          %lt3A_432 = arith.cmpi slt, %get3A_426, %lt3A_431 : vector<16xi32>
          %and3A_433 = arith.andi %ge3A_428, %lt3A_432 : vector<16xi1>
          %mul3A_434 = arith.constant 256 : i32
          %mul3A_435 = vector.broadcast %mul3A_434 : i32 to vector<16xi32>
          %mul3A_436 = arith.muli %get3A_426, %mul3A_435 : vector<16xi32>
          %add3A_437 = arith.addi %mul3A_436, %get3A_422 : vector<16xi32>
          %sub3A_438 = vector.broadcast %mul3A_66 : i32 to vector<16xi32>
          %sub3A_439 = arith.subi %add3A_437, %sub3A_438 : vector<16xi32>
          %jit3A_440 = arith.constant 0 : i32
          %broadcast_in_dim3A_441 = vector.broadcast %jit3A_440 : i32 to vector<16xi32>
          %select_n3A_442 = arith.select %and3A_433, %sub3A_439, %broadcast_in_dim3A_441 : vector<16xi1>, vector<16xi32>
          %mul3A_443 = arith.constant 16 : i32
          %mul3A_444 = arith.muli %scan3A_177, %mul3A_443 : i32
          %add3A_445 = arith.constant 9 : i32
          %add3A_446 = arith.addi %mul3A_444, %add3A_445 : i32
          %mul3A_447 = arith.constant 16 : i32
          %mul3A_448 = arith.muli %add3A_446, %mul3A_447 : i32
          %get3A_449 = arith.constant 1 : i32
          %get3A_450 = arith.index_cast %get3A_449 : i32 to index
          %get3A_451 = arith.index_cast %mul3A_448 : i32 to index
          %get3A_452 = tpu.vector_load %arg8[%get3A_450, %get3A_451] {strides = array<i32>} : memref<2x8192xi32, #tpu.memory_space<vmem>>, vector<16xi32>,
          %get3A_453 = arith.constant 1 : i32
          %get3A_454 = arith.index_cast %get3A_453 : i32 to index
          %get3A_455 = arith.index_cast %mul3A_448 : i32 to index
          %get3A_456 = tpu.vector_load %arg9[%get3A_454, %get3A_455] {strides = array<i32>} : memref<2x8192xi32, #tpu.memory_space<vmem>>, vector<16xi32>,
          %ge3A_457 = vector.broadcast %mul3A_64 : i32 to vector<16xi32>
          %ge3A_458 = arith.cmpi sge, %get3A_456, %ge3A_457 : vector<16xi32>
          %add3A_459 = arith.constant 256 : i32
          %add3A_460 = arith.addi %mul3A_64, %add3A_459 : i32
          %lt3A_461 = vector.broadcast %add3A_460 : i32 to vector<16xi32>
          %lt3A_462 = arith.cmpi slt, %get3A_456, %lt3A_461 : vector<16xi32>
          %and3A_463 = arith.andi %ge3A_458, %lt3A_462 : vector<16xi1>
          %mul3A_464 = arith.constant 256 : i32
          %mul3A_465 = vector.broadcast %mul3A_464 : i32 to vector<16xi32>
          %mul3A_466 = arith.muli %get3A_456, %mul3A_465 : vector<16xi32>
          %add3A_467 = arith.addi %mul3A_466, %get3A_452 : vector<16xi32>
          %sub3A_468 = vector.broadcast %mul3A_66 : i32 to vector<16xi32>
          %sub3A_469 = arith.subi %add3A_467, %sub3A_468 : vector<16xi32>
          %jit3A_470 = arith.constant 0 : i32
          %broadcast_in_dim3A_471 = vector.broadcast %jit3A_470 : i32 to vector<16xi32>
          %select_n3A_472 = arith.select %and3A_463, %sub3A_469, %broadcast_in_dim3A_471 : vector<16xi1>, vector<16xi32>
          %mul3A_473 = arith.constant 16 : i32
          %mul3A_474 = arith.muli %scan3A_177, %mul3A_473 : i32
          %add3A_475 = arith.constant 10 : i32
          %add3A_476 = arith.addi %mul3A_474, %add3A_475 : i32
          %mul3A_477 = arith.constant 16 : i32
          %mul3A_478 = arith.muli %add3A_476, %mul3A_477 : i32
          %get3A_479 = arith.constant 1 : i32
          %get3A_480 = arith.index_cast %get3A_479 : i32 to index
          %get3A_481 = arith.index_cast %mul3A_478 : i32 to index
          %get3A_482 = tpu.vector_load %arg8[%get3A_480, %get3A_481] {strides = array<i32>} : memref<2x8192xi32, #tpu.memory_space<vmem>>, vector<16xi32>,
          %get3A_483 = arith.constant 1 : i32
          %get3A_484 = arith.index_cast %get3A_483 : i32 to index
          %get3A_485 = arith.index_cast %mul3A_478 : i32 to index
          %get3A_486 = tpu.vector_load %arg9[%get3A_484, %get3A_485] {strides = array<i32>} : memref<2x8192xi32, #tpu.memory_space<vmem>>, vector<16xi32>,
          %ge3A_487 = vector.broadcast %mul3A_64 : i32 to vector<16xi32>
          %ge3A_488 = arith.cmpi sge, %get3A_486, %ge3A_487 : vector<16xi32>
          %add3A_489 = arith.constant 256 : i32
          %add3A_490 = arith.addi %mul3A_64, %add3A_489 : i32
          %lt3A_491 = vector.broadcast %add3A_490 : i32 to vector<16xi32>
          %lt3A_492 = arith.cmpi slt, %get3A_486, %lt3A_491 : vector<16xi32>
          %and3A_493 = arith.andi %ge3A_488, %lt3A_492 : vector<16xi1>
          %mul3A_494 = arith.constant 256 : i32
          %mul3A_495 = vector.broadcast %mul3A_494 : i32 to vector<16xi32>
          %mul3A_496 = arith.muli %get3A_486, %mul3A_495 : vector<16xi32>
          %add3A_497 = arith.addi %mul3A_496, %get3A_482 : vector<16xi32>
          %sub3A_498 = vector.broadcast %mul3A_66 : i32 to vector<16xi32>
          %sub3A_499 = arith.subi %add3A_497, %sub3A_498 : vector<16xi32>
          %jit3A_500 = arith.constant 0 : i32
          %broadcast_in_dim3A_501 = vector.broadcast %jit3A_500 : i32 to vector<16xi32>
          %select_n3A_502 = arith.select %and3A_493, %sub3A_499, %broadcast_in_dim3A_501 : vector<16xi1>, vector<16xi32>
          %mul3A_503 = arith.constant 16 : i32
          %mul3A_504 = arith.muli %scan3A_177, %mul3A_503 : i32
          %add3A_505 = arith.constant 11 : i32
          %add3A_506 = arith.addi %mul3A_504, %add3A_505 : i32
          %mul3A_507 = arith.constant 16 : i32
          %mul3A_508 = arith.muli %add3A_506, %mul3A_507 : i32
          %get3A_509 = arith.constant 1 : i32
          %get3A_510 = arith.index_cast %get3A_509 : i32 to index
          %get3A_511 = arith.index_cast %mul3A_508 : i32 to index
          %get3A_512 = tpu.vector_load %arg8[%get3A_510, %get3A_511] {strides = array<i32>} : memref<2x8192xi32, #tpu.memory_space<vmem>>, vector<16xi32>,
          %get3A_513 = arith.constant 1 : i32
          %get3A_514 = arith.index_cast %get3A_513 : i32 to index
          %get3A_515 = arith.index_cast %mul3A_508 : i32 to index
          %get3A_516 = tpu.vector_load %arg9[%get3A_514, %get3A_515] {strides = array<i32>} : memref<2x8192xi32, #tpu.memory_space<vmem>>, vector<16xi32>,
          %ge3A_517 = vector.broadcast %mul3A_64 : i32 to vector<16xi32>
          %ge3A_518 = arith.cmpi sge, %get3A_516, %ge3A_517 : vector<16xi32>
          %add3A_519 = arith.constant 256 : i32
          %add3A_520 = arith.addi %mul3A_64, %add3A_519 : i32
          %lt3A_521 = vector.broadcast %add3A_520 : i32 to vector<16xi32>
          %lt3A_522 = arith.cmpi slt, %get3A_516, %lt3A_521 : vector<16xi32>
          %and3A_523 = arith.andi %ge3A_518, %lt3A_522 : vector<16xi1>
          %mul3A_524 = arith.constant 256 : i32
          %mul3A_525 = vector.broadcast %mul3A_524 : i32 to vector<16xi32>
          %mul3A_526 = arith.muli %get3A_516, %mul3A_525 : vector<16xi32>
          %add3A_527 = arith.addi %mul3A_526, %get3A_512 : vector<16xi32>
          %sub3A_528 = vector.broadcast %mul3A_66 : i32 to vector<16xi32>
          %sub3A_529 = arith.subi %add3A_527, %sub3A_528 : vector<16xi32>
          %jit3A_530 = arith.constant 0 : i32
          %broadcast_in_dim3A_531 = vector.broadcast %jit3A_530 : i32 to vector<16xi32>
          %select_n3A_532 = arith.select %and3A_523, %sub3A_529, %broadcast_in_dim3A_531 : vector<16xi1>, vector<16xi32>
          %mul3A_533 = arith.constant 16 : i32
          %mul3A_534 = arith.muli %scan3A_177, %mul3A_533 : i32
          %add3A_535 = arith.constant 12 : i32
          %add3A_536 = arith.addi %mul3A_534, %add3A_535 : i32
          %mul3A_537 = arith.constant 16 : i32
          %mul3A_538 = arith.muli %add3A_536, %mul3A_537 : i32
          %get3A_539 = arith.constant 1 : i32
          %get3A_540 = arith.index_cast %get3A_539 : i32 to index
          %get3A_541 = arith.index_cast %mul3A_538 : i32 to index
          %get3A_542 = tpu.vector_load %arg8[%get3A_540, %get3A_541] {strides = array<i32>} : memref<2x8192xi32, #tpu.memory_space<vmem>>, vector<16xi32>,
          %get3A_543 = arith.constant 1 : i32
          %get3A_544 = arith.index_cast %get3A_543 : i32 to index
          %get3A_545 = arith.index_cast %mul3A_538 : i32 to index
          %get3A_546 = tpu.vector_load %arg9[%get3A_544, %get3A_545] {strides = array<i32>} : memref<2x8192xi32, #tpu.memory_space<vmem>>, vector<16xi32>,
          %ge3A_547 = vector.broadcast %mul3A_64 : i32 to vector<16xi32>
          %ge3A_548 = arith.cmpi sge, %get3A_546, %ge3A_547 : vector<16xi32>
          %add3A_549 = arith.constant 256 : i32
          %add3A_550 = arith.addi %mul3A_64, %add3A_549 : i32
          %lt3A_551 = vector.broadcast %add3A_550 : i32 to vector<16xi32>
          %lt3A_552 = arith.cmpi slt, %get3A_546, %lt3A_551 : vector<16xi32>
          %and3A_553 = arith.andi %ge3A_548, %lt3A_552 : vector<16xi1>
          %mul3A_554 = arith.constant 256 : i32
          %mul3A_555 = vector.broadcast %mul3A_554 : i32 to vector<16xi32>
          %mul3A_556 = arith.muli %get3A_546, %mul3A_555 : vector<16xi32>
          %add3A_557 = arith.addi %mul3A_556, %get3A_542 : vector<16xi32>
          %sub3A_558 = vector.broadcast %mul3A_66 : i32 to vector<16xi32>
          %sub3A_559 = arith.subi %add3A_557, %sub3A_558 : vector<16xi32>
          %jit3A_560 = arith.constant 0 : i32
          %broadcast_in_dim3A_561 = vector.broadcast %jit3A_560 : i32 to vector<16xi32>
          %select_n3A_562 = arith.select %and3A_553, %sub3A_559, %broadcast_in_dim3A_561 : vector<16xi1>, vector<16xi32>
          %mul3A_563 = arith.constant 16 : i32
          %mul3A_564 = arith.muli %scan3A_177, %mul3A_563 : i32
          %add3A_565 = arith.constant 13 : i32
          %add3A_566 = arith.addi %mul3A_564, %add3A_565 : i32
          %mul3A_567 = arith.constant 16 : i32
          %mul3A_568 = arith.muli %add3A_566, %mul3A_567 : i32
          %get3A_569 = arith.constant 1 : i32
          %get3A_570 = arith.index_cast %get3A_569 : i32 to index
          %get3A_571 = arith.index_cast %mul3A_568 : i32 to index
          %get3A_572 = tpu.vector_load %arg8[%get3A_570, %get3A_571] {strides = array<i32>} : memref<2x8192xi32, #tpu.memory_space<vmem>>, vector<16xi32>,
          %get3A_573 = arith.constant 1 : i32
          %get3A_574 = arith.index_cast %get3A_573 : i32 to index
          %get3A_575 = arith.index_cast %mul3A_568 : i32 to index
          %get3A_576 = tpu.vector_load %arg9[%get3A_574, %get3A_575] {strides = array<i32>} : memref<2x8192xi32, #tpu.memory_space<vmem>>, vector<16xi32>,
          %ge3A_577 = vector.broadcast %mul3A_64 : i32 to vector<16xi32>
          %ge3A_578 = arith.cmpi sge, %get3A_576, %ge3A_577 : vector<16xi32>
          %add3A_579 = arith.constant 256 : i32
          %add3A_580 = arith.addi %mul3A_64, %add3A_579 : i32
          %lt3A_581 = vector.broadcast %add3A_580 : i32 to vector<16xi32>
          %lt3A_582 = arith.cmpi slt, %get3A_576, %lt3A_581 : vector<16xi32>
          %and3A_583 = arith.andi %ge3A_578, %lt3A_582 : vector<16xi1>
          %mul3A_584 = arith.constant 256 : i32
          %mul3A_585 = vector.broadcast %mul3A_584 : i32 to vector<16xi32>
          %mul3A_586 = arith.muli %get3A_576, %mul3A_585 : vector<16xi32>
          %add3A_587 = arith.addi %mul3A_586, %get3A_572 : vector<16xi32>
          %sub3A_588 = vector.broadcast %mul3A_66 : i32 to vector<16xi32>
          %sub3A_589 = arith.subi %add3A_587, %sub3A_588 : vector<16xi32>
          %jit3A_590 = arith.constant 0 : i32
          %broadcast_in_dim3A_591 = vector.broadcast %jit3A_590 : i32 to vector<16xi32>
          %select_n3A_592 = arith.select %and3A_583, %sub3A_589, %broadcast_in_dim3A_591 : vector<16xi1>, vector<16xi32>
          %mul3A_593 = arith.constant 16 : i32
          %mul3A_594 = arith.muli %scan3A_177, %mul3A_593 : i32
          %add3A_595 = arith.constant 14 : i32
          %add3A_596 = arith.addi %mul3A_594, %add3A_595 : i32
          %mul3A_597 = arith.constant 16 : i32
          %mul3A_598 = arith.muli %add3A_596, %mul3A_597 : i32
          %get3A_599 = arith.constant 1 : i32
          %get3A_600 = arith.index_cast %get3A_599 : i32 to index
          %get3A_601 = arith.index_cast %mul3A_598 : i32 to index
          %get3A_602 = tpu.vector_load %arg8[%get3A_600, %get3A_601] {strides = array<i32>} : memref<2x8192xi32, #tpu.memory_space<vmem>>, vector<16xi32>,
          %get3A_603 = arith.constant 1 : i32
          %get3A_604 = arith.index_cast %get3A_603 : i32 to index
          %get3A_605 = arith.index_cast %mul3A_598 : i32 to index
          %get3A_606 = tpu.vector_load %arg9[%get3A_604, %get3A_605] {strides = array<i32>} : memref<2x8192xi32, #tpu.memory_space<vmem>>, vector<16xi32>,
          %ge3A_607 = vector.broadcast %mul3A_64 : i32 to vector<16xi32>
          %ge3A_608 = arith.cmpi sge, %get3A_606, %ge3A_607 : vector<16xi32>
          %add3A_609 = arith.constant 256 : i32
          %add3A_610 = arith.addi %mul3A_64, %add3A_609 : i32
          %lt3A_611 = vector.broadcast %add3A_610 : i32 to vector<16xi32>
          %lt3A_612 = arith.cmpi slt, %get3A_606, %lt3A_611 : vector<16xi32>
          %and3A_613 = arith.andi %ge3A_608, %lt3A_612 : vector<16xi1>
          %mul3A_614 = arith.constant 256 : i32
          %mul3A_615 = vector.broadcast %mul3A_614 : i32 to vector<16xi32>
          %mul3A_616 = arith.muli %get3A_606, %mul3A_615 : vector<16xi32>
          %add3A_617 = arith.addi %mul3A_616, %get3A_602 : vector<16xi32>
          %sub3A_618 = vector.broadcast %mul3A_66 : i32 to vector<16xi32>
          %sub3A_619 = arith.subi %add3A_617, %sub3A_618 : vector<16xi32>
          %jit3A_620 = arith.constant 0 : i32
          %broadcast_in_dim3A_621 = vector.broadcast %jit3A_620 : i32 to vector<16xi32>
          %select_n3A_622 = arith.select %and3A_613, %sub3A_619, %broadcast_in_dim3A_621 : vector<16xi1>, vector<16xi32>
          %mul3A_623 = arith.constant 16 : i32
          %mul3A_624 = arith.muli %scan3A_177, %mul3A_623 : i32
          %add3A_625 = arith.constant 15 : i32
          %add3A_626 = arith.addi %mul3A_624, %add3A_625 : i32
          %mul3A_627 = arith.constant 16 : i32
          %mul3A_628 = arith.muli %add3A_626, %mul3A_627 : i32
          %get3A_629 = arith.constant 1 : i32
          %get3A_630 = arith.index_cast %get3A_629 : i32 to index
          %get3A_631 = arith.index_cast %mul3A_628 : i32 to index
          %get3A_632 = tpu.vector_load %arg8[%get3A_630, %get3A_631] {strides = array<i32>} : memref<2x8192xi32, #tpu.memory_space<vmem>>, vector<16xi32>,
          %get3A_633 = arith.constant 1 : i32
          %get3A_634 = arith.index_cast %get3A_633 : i32 to index
          %get3A_635 = arith.index_cast %mul3A_628 : i32 to index
          %get3A_636 = tpu.vector_load %arg9[%get3A_634, %get3A_635] {strides = array<i32>} : memref<2x8192xi32, #tpu.memory_space<vmem>>, vector<16xi32>,
          %ge3A_637 = vector.broadcast %mul3A_64 : i32 to vector<16xi32>
          %ge3A_638 = arith.cmpi sge, %get3A_636, %ge3A_637 : vector<16xi32>
          %add3A_639 = arith.constant 256 : i32
          %add3A_640 = arith.addi %mul3A_64, %add3A_639 : i32
          %lt3A_641 = vector.broadcast %add3A_640 : i32 to vector<16xi32>
          %lt3A_642 = arith.cmpi slt, %get3A_636, %lt3A_641 : vector<16xi32>
          %and3A_643 = arith.andi %ge3A_638, %lt3A_642 : vector<16xi1>
          %mul3A_644 = arith.constant 256 : i32
          %mul3A_645 = vector.broadcast %mul3A_644 : i32 to vector<16xi32>
          %mul3A_646 = arith.muli %get3A_636, %mul3A_645 : vector<16xi32>
          %add3A_647 = arith.addi %mul3A_646, %get3A_632 : vector<16xi32>
          %sub3A_648 = vector.broadcast %mul3A_66 : i32 to vector<16xi32>
          %sub3A_649 = arith.subi %add3A_647, %sub3A_648 : vector<16xi32>
          %jit3A_650 = arith.constant 0 : i32
          %broadcast_in_dim3A_651 = vector.broadcast %jit3A_650 : i32 to vector<16xi32>
          %select_n3A_652 = arith.select %and3A_643, %sub3A_649, %broadcast_in_dim3A_651 : vector<16xi1>, vector<16xi32>
          tpu.vector_store_idx %run_scoped3A[%select_n3A], %broadcast_in_dim3A_1 masked %and3A {add = true} : memref<65536xf32, #tpu.memory_space<vmem>>[vector<16xi32>], vector<16xf32>, vector<16xi1>
          tpu.vector_store_idx %run_scoped3A[%select_n3A_232], %broadcast_in_dim3A_1 masked %and3A_223 {add = true} : memref<65536xf32, #tpu.memory_space<vmem>>[vector<16xi32>], vector<16xf32>, vector<16xi1>
          tpu.vector_store_idx %run_scoped3A[%select_n3A_262], %broadcast_in_dim3A_1 masked %and3A_253 {add = true} : memref<65536xf32, #tpu.memory_space<vmem>>[vector<16xi32>], vector<16xf32>, vector<16xi1>
          tpu.vector_store_idx %run_scoped3A[%select_n3A_292], %broadcast_in_dim3A_1 masked %and3A_283 {add = true} : memref<65536xf32, #tpu.memory_space<vmem>>[vector<16xi32>], vector<16xf32>, vector<16xi1>
          tpu.vector_store_idx %run_scoped3A[%select_n3A_322], %broadcast_in_dim3A_1 masked %and3A_313 {add = true} : memref<65536xf32, #tpu.memory_space<vmem>>[vector<16xi32>], vector<16xf32>, vector<16xi1>
          tpu.vector_store_idx %run_scoped3A[%select_n3A_352], %broadcast_in_dim3A_1 masked %and3A_343 {add = true} : memref<65536xf32, #tpu.memory_space<vmem>>[vector<16xi32>], vector<16xf32>, vector<16xi1>
          tpu.vector_store_idx %run_scoped3A[%select_n3A_382], %broadcast_in_dim3A_1 masked %and3A_373 {add = true} : memref<65536xf32, #tpu.memory_space<vmem>>[vector<16xi32>], vector<16xf32>, vector<16xi1>
          tpu.vector_store_idx %run_scoped3A[%select_n3A_412], %broadcast_in_dim3A_1 masked %and3A_403 {add = true} : memref<65536xf32, #tpu.memory_space<vmem>>[vector<16xi32>], vector<16xf32>, vector<16xi1>
          tpu.vector_store_idx %run_scoped3A[%select_n3A_442], %broadcast_in_dim3A_1 masked %and3A_433 {add = true} : memref<65536xf32, #tpu.memory_space<vmem>>[vector<16xi32>], vector<16xf32>, vector<16xi1>
          tpu.vector_store_idx %run_scoped3A[%select_n3A_472], %broadcast_in_dim3A_1 masked %and3A_463 {add = true} : memref<65536xf32, #tpu.memory_space<vmem>>[vector<16xi32>], vector<16xf32>, vector<16xi1>
          tpu.vector_store_idx %run_scoped3A[%select_n3A_502], %broadcast_in_dim3A_1 masked %and3A_493 {add = true} : memref<65536xf32, #tpu.memory_space<vmem>>[vector<16xi32>], vector<16xf32>, vector<16xi1>
          tpu.vector_store_idx %run_scoped3A[%select_n3A_532], %broadcast_in_dim3A_1 masked %and3A_523 {add = true} : memref<65536xf32, #tpu.memory_space<vmem>>[vector<16xi32>], vector<16xf32>, vector<16xi1>
          tpu.vector_store_idx %run_scoped3A[%select_n3A_562], %broadcast_in_dim3A_1 masked %and3A_553 {add = true} : memref<65536xf32, #tpu.memory_space<vmem>>[vector<16xi32>], vector<16xf32>, vector<16xi1>
          tpu.vector_store_idx %run_scoped3A[%select_n3A_592], %broadcast_in_dim3A_1 masked %and3A_583 {add = true} : memref<65536xf32, #tpu.memory_space<vmem>>[vector<16xi32>], vector<16xf32>, vector<16xi1>
          tpu.vector_store_idx %run_scoped3A[%select_n3A_622], %broadcast_in_dim3A_1 masked %and3A_613 {add = true} : memref<65536xf32, #tpu.memory_space<vmem>>[vector<16xi32>], vector<16xf32>, vector<16xi1>
          tpu.vector_store_idx %run_scoped3A[%select_n3A_652], %broadcast_in_dim3A_1 masked %and3A_643 {add = true} : memref<65536xf32, #tpu.memory_space<vmem>>[vector<16xi32>], vector<16xf32>, vector<16xi1>
          %scan3A_653 = arith.constant 0 : i32
          scf.yield %scan3A_653 : i32
        }
        %scan3A_168 = arith.constant 32 : i32
        %add3A_169 = arith.constant 2 : i32
        %add3A_170 = arith.addi %add3A_131, %add3A_169 : i32
        %lt3A_171 = arith.constant 32 : i32
        %lt3A_172 = arith.cmpi slt, %add3A_170, %lt3A_171 : i32
        %convert_element_type3A_173 = arith.extui %lt3A_172 : i1 to i32
        %cond3A_174 = arith.constant 0 : i32
        %cond3A_175 = arith.cmpi ne, %convert_element_type3A_173, %cond3A_174 : i32
        scf.if %cond3A_175 {
          %add3A_177 = arith.constant 2 : i32
          %add3A_178 = arith.addi %add3A_131, %add3A_177 : i32
          %mul3A_179 = arith.constant 8192 : i32
          %mul3A_180 = arith.muli %add3A_178, %mul3A_179 : i32
          %dma_start3A_181 = arith.constant 1 : i32
          %dma_start3A_182 = arith.constant 1 : i32
          %dma_start3A_183 = arith.constant 0 : i32
          %dma_start3A_184 = arith.constant 0 : i32
          %dma_start3A_185 = tpu.memref_slice %arg8[%dma_start3A_181, %dma_start3A_184] : memref<2x8192xi32, #tpu.memory_space<vmem>> -> memref<1x8192xi32, #tpu.memory_space<vmem>>
          %dma_start3A_186 = tpu.memref_squeeze %dma_start3A_185 : memref<1x8192xi32, #tpu.memory_space<vmem>> -> memref<8192xi32, #tpu.memory_space<vmem>>
          %dma_start3A_187 = tpu.memref_slice %arg4[%mul3A_180] : memref<262144xi32, #tpu.memory_space<hbm>> -> memref<8192xi32, #tpu.memory_space<hbm>>
          %dma_start3A_188 = tpu.memref_slice %arg10[%dma_start3A_182, %dma_start3A_183] : memref<2x2x!tpu.dma_semaphore, #tpu.memory_space<semaphore_mem>> -> memref<1x1x!tpu.dma_semaphore, #tpu.memory_space<semaphore_mem>>
          %dma_start3A_189 = tpu.memref_squeeze %dma_start3A_188 : memref<1x1x!tpu.dma_semaphore, #tpu.memory_space<semaphore_mem>> -> memref<!tpu.dma_semaphore, #tpu.memory_space<semaphore_mem>>
          %dma_start3A_190 = arith.constant 0 : i32
          %dma_start3A_191 = tpu.memref_slice %arg8[%dma_start3A_181, %dma_start3A_190] : memref<2x8192xi32, #tpu.memory_space<vmem>> -> memref<1x8192xi32, #tpu.memory_space<vmem>>
          %dma_start3A_192 = tpu.memref_squeeze %dma_start3A_191 : memref<1x8192xi32, #tpu.memory_space<vmem>> -> memref<8192xi32, #tpu.memory_space<vmem>>
          %dma_start3A_193 = tpu.memref_slice %arg4[%mul3A_180] : memref<262144xi32, #tpu.memory_space<hbm>> -> memref<8192xi32, #tpu.memory_space<hbm>>
          tpu.enqueue_dma source(%dma_start3A_193 : memref<8192xi32, #tpu.memory_space<hbm>>) target(%dma_start3A_192 : memref<8192xi32, #tpu.memory_space<vmem>>) target_semaphore(%dma_start3A_189 : memref<!tpu.dma_semaphore, #tpu.memory_space<semaphore_mem>>)
          %mul3A_194 = arith.constant 8192 : i32
          %mul3A_195 = arith.muli %add3A_178, %mul3A_194 : i32
          %dma_start3A_196 = arith.constant 1 : i32
          %dma_start3A_197 = arith.constant 1 : i32
          %dma_start3A_198 = arith.constant 1 : i32
          %dma_start3A_199 = arith.constant 0 : i32
          %dma_start3A_200 = tpu.memref_slice %arg9[%dma_start3A_196, %dma_start3A_199] : memref<2x8192xi32, #tpu.memory_space<vmem>> -> memref<1x8192xi32, #tpu.memory_space<vmem>>
          %dma_start3A_201 = tpu.memref_squeeze %dma_start3A_200 : memref<1x8192xi32, #tpu.memory_space<vmem>> -> memref<8192xi32, #tpu.memory_space<vmem>>
          %dma_start3A_202 = tpu.memref_slice %arg5[%mul3A_195] : memref<262144xi32, #tpu.memory_space<hbm>> -> memref<8192xi32, #tpu.memory_space<hbm>>
          %dma_start3A_203 = tpu.memref_slice %arg10[%dma_start3A_197, %dma_start3A_198] : memref<2x2x!tpu.dma_semaphore, #tpu.memory_space<semaphore_mem>> -> memref<1x1x!tpu.dma_semaphore, #tpu.memory_space<semaphore_mem>>
          %dma_start3A_204 = tpu.memref_squeeze %dma_start3A_203 : memref<1x1x!tpu.dma_semaphore, #tpu.memory_space<semaphore_mem>> -> memref<!tpu.dma_semaphore, #tpu.memory_space<semaphore_mem>>
          %dma_start3A_205 = arith.constant 0 : i32
          %dma_start3A_206 = tpu.memref_slice %arg9[%dma_start3A_196, %dma_start3A_205] : memref<2x8192xi32, #tpu.memory_space<vmem>> -> memref<1x8192xi32, #tpu.memory_space<vmem>>
          %dma_start3A_207 = tpu.memref_squeeze %dma_start3A_206 : memref<1x8192xi32, #tpu.memory_space<vmem>> -> memref<8192xi32, #tpu.memory_space<vmem>>
          %dma_start3A_208 = tpu.memref_slice %arg5[%mul3A_195] : memref<262144xi32, #tpu.memory_space<hbm>> -> memref<8192xi32, #tpu.memory_space<hbm>>
          tpu.enqueue_dma source(%dma_start3A_208 : memref<8192xi32, #tpu.memory_space<hbm>>) target(%dma_start3A_207 : memref<8192xi32, #tpu.memory_space<vmem>>) target_semaphore(%dma_start3A_204 : memref<!tpu.dma_semaphore, #tpu.memory_space<semaphore_mem>>)
        } else {
        }
        %scan3A_176 = arith.constant 0 : i32
        scf.yield %scan3A_176 : i32
      }
      %scan3A_79 = arith.constant 16 : i32
      %mul3A_80 = arith.constant 65536 : i32
      %mul3A_81 = arith.muli %add3A, %mul3A_80 : i32
      "tpu.region"() ({
        %run_scoped3A_82 = tpu.sem_alloc : memref<!tpu.dma_semaphore, #tpu.memory_space<semaphore_mem>>
        %dma_start3A_83 = tpu.memref_slice %arg7[%mul3A_81] : memref<2097152xf32, #tpu.memory_space<hbm>> -> memref<65536xf32, #tpu.memory_space<hbm>>
        %dma_start3A_84 = tpu.memref_slice %arg7[%mul3A_81] : memref<2097152xf32, #tpu.memory_space<hbm>> -> memref<65536xf32, #tpu.memory_space<hbm>>
        tpu.enqueue_dma source(%run_scoped3A : memref<65536xf32, #tpu.memory_space<vmem>>) target(%dma_start3A_84 : memref<65536xf32, #tpu.memory_space<hbm>>) target_semaphore(%run_scoped3A_82 : memref<!tpu.dma_semaphore, #tpu.memory_space<semaphore_mem>>)
        %dma_wait3A = tpu.memref_slice %arg7[%mul3A_81] : memref<2097152xf32, #tpu.memory_space<hbm>> -> memref<65536xf32, #tpu.memory_space<hbm>>
        %dma_wait3A_85 = tpu.memref_slice %arg7[%mul3A_81] : memref<2097152xf32, #tpu.memory_space<hbm>> -> memref<65536xf32, #tpu.memory_space<hbm>>
        tpu.wait_dma2 semaphore(%run_scoped3A_82 : memref<!tpu.dma_semaphore, #tpu.memory_space<semaphore_mem>>) src(%run_scoped3A : memref<65536xf32, #tpu.memory_space<vmem>>) dst(%dma_wait3A_85 : memref<65536xf32, #tpu.memory_space<hbm>>)
        tpu.yield
      }) : () -> ()
      tpu.yield
    }) : () -> ()
    return
  }
}

module attributes {stable_mosaic.version = 14 : i64} {
  func.func @_dense_body(%arg0: memref<256x128xf32, #tpu.memory_space<vmem>>, %arg1: memref<8192x128xf32, #tpu.memory_space<vmem>>, %arg2: memref<256x8192xf32, #tpu.memory_space<vmem>>, %arg3: memref<8192x256xf32, #tpu.memory_space<vmem>>, %arg4: memref<128x64xf32, #tpu.memory_space<vmem>>, %arg5: memref<128x64xf32, #tpu.memory_space<vmem>>, %arg6: memref<1x64xf32, #tpu.memory_space<vmem>>, %arg7: memref<128x64xf32, #tpu.memory_space<vmem>>, %arg8: memref<128x64xf32, #tpu.memory_space<vmem>>, %arg9: memref<1x64xf32, #tpu.memory_space<vmem>>, %arg10: memref<64x16xf32, #tpu.memory_space<vmem>>, %arg11: memref<64x16xf32, #tpu.memory_space<vmem>>, %arg12: memref<1x16xf32, #tpu.memory_space<vmem>>, %arg13: memref<64x16xf32, #tpu.memory_space<vmem>>, %arg14: memref<64x16xf32, #tpu.memory_space<vmem>>, %arg15: memref<1x16xf32, #tpu.memory_space<vmem>>, %arg16: memref<256x8192xf32, #tpu.memory_space<vmem>>) attributes {dimension_semantics = [], scalar_prefetch = 0 : i64, scratch_operands = 0 : i64, tpu.core_type = #tpu.core_type<tc>} {
    %get3A = arith.constant 0 : index
    %get3A_0 = arith.constant 0 : index
    %get3A_1 = vector.load %arg2[%get3A, %get3A_0] : memref<256x8192xf32, #tpu.memory_space<vmem>>, vector<256x8192xf32>
    %get3A_2 = arith.constant 0 : index
    %get3A_3 = arith.constant 0 : index
    %get3A_4 = vector.load %arg3[%get3A_2, %get3A_3] : memref<8192x256xf32, #tpu.memory_space<vmem>>, vector<8192x256xf32>
    %get3A_5 = arith.constant 0 : index
    %get3A_6 = arith.constant 0 : index
    %get3A_7 = vector.load %arg0[%get3A_5, %get3A_6] : memref<256x128xf32, #tpu.memory_space<vmem>>, vector<256x128xf32>
    %get3A_8 = arith.constant 0 : index
    %get3A_9 = arith.constant 0 : index
    %get3A_10 = vector.load %arg1[%get3A_8, %get3A_9] : memref<8192x128xf32, #tpu.memory_space<vmem>>, vector<8192x128xf32>
    %reduce_sum3A = arith.constant dense<0.000000e+00> : vector<256xf32>
    %reduce_sum3A_11 = vector.multi_reduction <add>, %get3A_1, %reduce_sum3A [1] : vector<256x8192xf32> to vector<256xf32>
    %broadcast_in_dim3A = vector.shape_cast %reduce_sum3A_11 : vector<256xf32> to vector<256x1xf32>
    %max3A = arith.constant 1.000000e+00 : f32
    %max3A_12 = vector.broadcast %max3A : f32 to vector<256x1xf32>
    %max3A_13 = arith.maximumf %broadcast_in_dim3A, %max3A_12 : vector<256x1xf32>
    %div3A = arith.constant 1.000000e+00 : f32
    %div3A_14 = vector.broadcast %div3A : f32 to vector<256x1xf32>
    %div3A_15 = arith.divf %div3A_14, %max3A_13 : vector<256x1xf32>
    %reduce_sum3A_16 = arith.constant dense<0.000000e+00> : vector<8192xf32>
    %reduce_sum3A_17 = vector.multi_reduction <add>, %get3A_4, %reduce_sum3A_16 [1] : vector<8192x256xf32> to vector<8192xf32>
    %broadcast_in_dim3A_18 = vector.shape_cast %reduce_sum3A_17 : vector<8192xf32> to vector<8192x1xf32>
    %max3A_19 = arith.constant 1.000000e+00 : f32
    %max3A_20 = vector.broadcast %max3A_19 : f32 to vector<8192x1xf32>
    %max3A_21 = arith.maximumf %broadcast_in_dim3A_18, %max3A_20 : vector<8192x1xf32>
    %div3A_22 = arith.constant 1.000000e+00 : f32
    %div3A_23 = vector.broadcast %div3A_22 : f32 to vector<8192x1xf32>
    %div3A_24 = arith.divf %div3A_23, %max3A_21 : vector<8192x1xf32>
    %dot_general3A = arith.constant dense<0.000000e+00> : vector<256x128xf32>
    %dot_general3A_25 = tpu.matmul %get3A_1, %get3A_10, %dot_general3A {dimension_numbers = #tpu.dot_dimension_numbers<[1], [0], [0], [1], [0, 0, 1, 1], [], []>, transpose_lhs_hint = false} : vector<256x8192xf32>, vector<8192x128xf32>, vector<256x128xf32> -> vector<256x128xf32>
    %mul3A = vector.broadcast %div3A_15 : vector<256x1xf32> to vector<256x128xf32>
    %mul3A_26 = arith.mulf %dot_general3A_25, %mul3A : vector<256x128xf32>
    %get3A_27 = arith.constant 0 : index
    %get3A_28 = arith.constant 0 : index
    %get3A_29 = vector.load %arg4[%get3A_27, %get3A_28] : memref<128x64xf32, #tpu.memory_space<vmem>>, vector<128x64xf32>
    %dot_general3A_30 = arith.constant dense<0.000000e+00> : vector<256x64xf32>
    %dot_general3A_31 = tpu.matmul %get3A_7, %get3A_29, %dot_general3A_30 {dimension_numbers = #tpu.dot_dimension_numbers<[1], [0], [0], [1], [0, 0, 1, 1], [], []>, transpose_lhs_hint = false} : vector<256x128xf32>, vector<128x64xf32>, vector<256x64xf32> -> vector<256x64xf32>
    %get3A_32 = arith.constant 0 : index
    %get3A_33 = arith.constant 0 : index
    %get3A_34 = vector.load %arg5[%get3A_32, %get3A_33] : memref<128x64xf32, #tpu.memory_space<vmem>>, vector<128x64xf32>
    %dot_general3A_35 = arith.constant dense<0.000000e+00> : vector<256x64xf32>
    %dot_general3A_36 = tpu.matmul %mul3A_26, %get3A_34, %dot_general3A_35 {dimension_numbers = #tpu.dot_dimension_numbers<[1], [0], [0], [1], [0, 0, 1, 1], [], []>, transpose_lhs_hint = false} : vector<256x128xf32>, vector<128x64xf32>, vector<256x64xf32> -> vector<256x64xf32>
    %add3A = arith.addf %dot_general3A_31, %dot_general3A_36 : vector<256x64xf32>
    %get3A_37 = arith.constant 0 : index
    %get3A_38 = arith.constant 0 : index
    %get3A_39 = vector.load %arg6[%get3A_37, %get3A_38] : memref<1x64xf32, #tpu.memory_space<vmem>>, vector<1x64xf32>
    %add3A_40 = vector.broadcast %get3A_39 : vector<1x64xf32> to vector<256x64xf32>
    %add3A_41 = arith.addf %add3A, %add3A_40 : vector<256x64xf32>
    %max3A_42 = arith.constant 0.000000e+00 : f32
    %max3A_43 = vector.broadcast %max3A_42 : f32 to vector<256x64xf32>
    %max3A_44 = arith.maximumf %add3A_41, %max3A_43 : vector<256x64xf32>
    %dot_general3A_45 = arith.constant dense<0.000000e+00> : vector<8192x128xf32>
    %dot_general3A_46 = tpu.matmul %get3A_4, %get3A_7, %dot_general3A_45 {dimension_numbers = #tpu.dot_dimension_numbers<[1], [0], [0], [1], [0, 0, 1, 1], [], []>, transpose_lhs_hint = false} : vector<8192x256xf32>, vector<256x128xf32>, vector<8192x128xf32> -> vector<8192x128xf32>
    %mul3A_47 = vector.broadcast %div3A_24 : vector<8192x1xf32> to vector<8192x128xf32>
    %mul3A_48 = arith.mulf %dot_general3A_46, %mul3A_47 : vector<8192x128xf32>
    %get3A_49 = arith.constant 0 : index
    %get3A_50 = arith.constant 0 : index
    %get3A_51 = vector.load %arg7[%get3A_49, %get3A_50] : memref<128x64xf32, #tpu.memory_space<vmem>>, vector<128x64xf32>
    %dot_general3A_52 = arith.constant dense<0.000000e+00> : vector<8192x64xf32>
    %dot_general3A_53 = tpu.matmul %get3A_10, %get3A_51, %dot_general3A_52 {dimension_numbers = #tpu.dot_dimension_numbers<[1], [0], [0], [1], [0, 0, 1, 1], [], []>, transpose_lhs_hint = false} : vector<8192x128xf32>, vector<128x64xf32>, vector<8192x64xf32> -> vector<8192x64xf32>
    %get3A_54 = arith.constant 0 : index
    %get3A_55 = arith.constant 0 : index
    %get3A_56 = vector.load %arg8[%get3A_54, %get3A_55] : memref<128x64xf32, #tpu.memory_space<vmem>>, vector<128x64xf32>
    %dot_general3A_57 = arith.constant dense<0.000000e+00> : vector<8192x64xf32>
    %dot_general3A_58 = tpu.matmul %mul3A_48, %get3A_56, %dot_general3A_57 {dimension_numbers = #tpu.dot_dimension_numbers<[1], [0], [0], [1], [0, 0, 1, 1], [], []>, transpose_lhs_hint = false} : vector<8192x128xf32>, vector<128x64xf32>, vector<8192x64xf32> -> vector<8192x64xf32>
    %add3A_59 = arith.addf %dot_general3A_53, %dot_general3A_58 : vector<8192x64xf32>
    %get3A_60 = arith.constant 0 : index
    %get3A_61 = arith.constant 0 : index
    %get3A_62 = vector.load %arg9[%get3A_60, %get3A_61] : memref<1x64xf32, #tpu.memory_space<vmem>>, vector<1x64xf32>
    %add3A_63 = vector.broadcast %get3A_62 : vector<1x64xf32> to vector<8192x64xf32>
    %add3A_64 = arith.addf %add3A_59, %add3A_63 : vector<8192x64xf32>
    %max3A_65 = arith.constant 0.000000e+00 : f32
    %max3A_66 = vector.broadcast %max3A_65 : f32 to vector<8192x64xf32>
    %max3A_67 = arith.maximumf %add3A_64, %max3A_66 : vector<8192x64xf32>
    %dot_general3A_68 = arith.constant dense<0.000000e+00> : vector<256x64xf32>
    %dot_general3A_69 = tpu.matmul %get3A_1, %max3A_67, %dot_general3A_68 {dimension_numbers = #tpu.dot_dimension_numbers<[1], [0], [0], [1], [0, 0, 1, 1], [], []>, transpose_lhs_hint = false} : vector<256x8192xf32>, vector<8192x64xf32>, vector<256x64xf32> -> vector<256x64xf32>
    %mul3A_70 = vector.broadcast %div3A_15 : vector<256x1xf32> to vector<256x64xf32>
    %mul3A_71 = arith.mulf %dot_general3A_69, %mul3A_70 : vector<256x64xf32>
    %get3A_72 = arith.constant 0 : index
    %get3A_73 = arith.constant 0 : index
    %get3A_74 = vector.load %arg10[%get3A_72, %get3A_73] : memref<64x16xf32, #tpu.memory_space<vmem>>, vector<64x16xf32>
    %dot_general3A_75 = arith.constant dense<0.000000e+00> : vector<256x16xf32>
    %dot_general3A_76 = tpu.matmul %max3A_44, %get3A_74, %dot_general3A_75 {dimension_numbers = #tpu.dot_dimension_numbers<[1], [0], [0], [1], [0, 0, 1, 1], [], []>, transpose_lhs_hint = false} : vector<256x64xf32>, vector<64x16xf32>, vector<256x16xf32> -> vector<256x16xf32>
    %get3A_77 = arith.constant 0 : index
    %get3A_78 = arith.constant 0 : index
    %get3A_79 = vector.load %arg11[%get3A_77, %get3A_78] : memref<64x16xf32, #tpu.memory_space<vmem>>, vector<64x16xf32>
    %dot_general3A_80 = arith.constant dense<0.000000e+00> : vector<256x16xf32>
    %dot_general3A_81 = tpu.matmul %mul3A_71, %get3A_79, %dot_general3A_80 {dimension_numbers = #tpu.dot_dimension_numbers<[1], [0], [0], [1], [0, 0, 1, 1], [], []>, transpose_lhs_hint = false} : vector<256x64xf32>, vector<64x16xf32>, vector<256x16xf32> -> vector<256x16xf32>
    %add3A_82 = arith.addf %dot_general3A_76, %dot_general3A_81 : vector<256x16xf32>
    %get3A_83 = arith.constant 0 : index
    %get3A_84 = arith.constant 0 : index
    %get3A_85 = vector.load %arg12[%get3A_83, %get3A_84] : memref<1x16xf32, #tpu.memory_space<vmem>>, vector<1x16xf32>
    %add3A_86 = vector.broadcast %get3A_85 : vector<1x16xf32> to vector<256x16xf32>
    %add3A_87 = arith.addf %add3A_82, %add3A_86 : vector<256x16xf32>
    %dot_general3A_88 = arith.constant dense<0.000000e+00> : vector<8192x64xf32>
    %dot_general3A_89 = tpu.matmul %get3A_4, %max3A_44, %dot_general3A_88 {dimension_numbers = #tpu.dot_dimension_numbers<[1], [0], [0], [1], [0, 0, 1, 1], [], []>, transpose_lhs_hint = false} : vector<8192x256xf32>, vector<256x64xf32>, vector<8192x64xf32> -> vector<8192x64xf32>
    %mul3A_90 = vector.broadcast %div3A_24 : vector<8192x1xf32> to vector<8192x64xf32>
    %mul3A_91 = arith.mulf %dot_general3A_89, %mul3A_90 : vector<8192x64xf32>
    %get3A_92 = arith.constant 0 : index
    %get3A_93 = arith.constant 0 : index
    %get3A_94 = vector.load %arg13[%get3A_92, %get3A_93] : memref<64x16xf32, #tpu.memory_space<vmem>>, vector<64x16xf32>
    %dot_general3A_95 = arith.constant dense<0.000000e+00> : vector<8192x16xf32>
    %dot_general3A_96 = tpu.matmul %max3A_67, %get3A_94, %dot_general3A_95 {dimension_numbers = #tpu.dot_dimension_numbers<[1], [0], [0], [1], [0, 0, 1, 1], [], []>, transpose_lhs_hint = false} : vector<8192x64xf32>, vector<64x16xf32>, vector<8192x16xf32> -> vector<8192x16xf32>
    %get3A_97 = arith.constant 0 : index
    %get3A_98 = arith.constant 0 : index
    %get3A_99 = vector.load %arg14[%get3A_97, %get3A_98] : memref<64x16xf32, #tpu.memory_space<vmem>>, vector<64x16xf32>
    %dot_general3A_100 = arith.constant dense<0.000000e+00> : vector<8192x16xf32>
    %dot_general3A_101 = tpu.matmul %mul3A_91, %get3A_99, %dot_general3A_100 {dimension_numbers = #tpu.dot_dimension_numbers<[1], [0], [0], [1], [0, 0, 1, 1], [], []>, transpose_lhs_hint = false} : vector<8192x64xf32>, vector<64x16xf32>, vector<8192x16xf32> -> vector<8192x16xf32>
    %add3A_102 = arith.addf %dot_general3A_96, %dot_general3A_101 : vector<8192x16xf32>
    %get3A_103 = arith.constant 0 : index
    %get3A_104 = arith.constant 0 : index
    %get3A_105 = vector.load %arg15[%get3A_103, %get3A_104] : memref<1x16xf32, #tpu.memory_space<vmem>>, vector<1x16xf32>
    %add3A_106 = vector.broadcast %get3A_105 : vector<1x16xf32> to vector<8192x16xf32>
    %add3A_107 = arith.addf %add3A_102, %add3A_106 : vector<8192x16xf32>
    %dot_general3A_108 = arith.constant dense<0.000000e+00> : vector<256x8192xf32>
    %dot_general3A_109 = tpu.matmul %add3A_87, %add3A_107, %dot_general3A_108 {dimension_numbers = #tpu.dot_dimension_numbers<[1], [1], [0], [0], [0, 0, 1, 0], [], []>, transpose_lhs_hint = false} : vector<256x16xf32>, vector<8192x16xf32>, vector<256x8192xf32> -> vector<256x8192xf32>
    %reduce_max3A = arith.constant dense<0xFF800000> : vector<256xf32>
    %reduce_max3A_110 = vector.multi_reduction <maximumf>, %dot_general3A_109, %reduce_max3A [1] : vector<256x8192xf32> to vector<256xf32>
    %broadcast_in_dim3A_111 = vector.shape_cast %reduce_max3A_110 : vector<256xf32> to vector<256x1xf32>
    %sub3A = vector.broadcast %broadcast_in_dim3A_111 : vector<256x1xf32> to vector<256x8192xf32>
    %sub3A_112 = arith.subf %dot_general3A_109, %sub3A : vector<256x8192xf32>
    %exp3A = math.exp %sub3A_112 : vector<256x8192xf32>
    %reduce_sum3A_113 = arith.constant dense<0.000000e+00> : vector<256xf32>
    %reduce_sum3A_114 = vector.multi_reduction <add>, %exp3A, %reduce_sum3A_113 [1] : vector<256x8192xf32> to vector<256xf32>
    %broadcast_in_dim3A_115 = vector.shape_cast %reduce_sum3A_114 : vector<256xf32> to vector<256x1xf32>
    %div3A_116 = vector.broadcast %broadcast_in_dim3A_115 : vector<256x1xf32> to vector<256x8192xf32>
    %div3A_117 = arith.divf %exp3A, %div3A_116 : vector<256x8192xf32>
    %swap3A = arith.constant 0 : index
    %swap3A_118 = arith.constant 0 : index
    %swap3A_119 = vector.load %arg16[%swap3A, %swap3A_118] : memref<256x8192xf32, #tpu.memory_space<vmem>>, vector<256x8192xf32>
    tpu.vector_store %arg16[%swap3A, %swap3A_118], %div3A_117 {strides = array<i32>} : memref<256x8192xf32, #tpu.memory_space<vmem>>, vector<256x8192xf32>,
    return
  }
}

</mosaic_0001>

<sc_bundles>
// kernel: kernel.4.cloned.1.call-start
scs
__scs_entry_jumppad:
0x0: {  	(pc) =	sbr.rel $0x88, $3  }
0x1: {  	(tag) =	ssettag $0x0;
	lr =	simm.s32 $0x1  }
0x2: {  	[smem:$0x3F8F] =	sst lr;
	_ =	strace $0xD0000000  }
0x3: {  	_ = 	snop  }
0x4: {  	_ = 	snop  }
0x5: {  	_ = 	snop  }
0x6: {  	_ = 	snop  }
0x7: {  	_ = 	snop  }
__scs_overlays_trampoline_lowered:
0x8: {  	[smem:$0x3F9E] =	sst s0  }
0x9: {  	[smem:$0x3F9F] =	sst s1  }
0xa: {  	[smem:$0x3FA0] =	sst s2  }
0xb: {  	[smem:$0x3FA1] =	sst s3  }
0xc: {  	[smem:$0x3FA2] =	sst s4  }
0xd: {  	[smem:$0x3FA3] =	sst s5  }
0xe: {  	[smem:$0x3FA4] =	sst s6  }
0xf: {  	[smem:$0x3FA5] =	sst s7  }
0x10: {  	[smem:$0x3FA6] =	sst s8  }
0x11: {  	[smem:$0x3FA7] =	sst s9;
	s0 =	simm.s32 @!p0 $0x0  }
0x12: {  	s1 =	sld [smem:$0x3F8D];
	s0 =	simm.s32 @p0 $0x1  }
0x13: {  	[smem:$0x3FA8] =	sst s0;
	s0 =	simm.s32 @!p1 $0x0  }
0x14: {  	s2 =	sld [smem:$0x3F8C];
	s0 =	simm.s32 @p1 $0x1  }
0x15: {  	[smem:$0x3FA9] =	sst s0;
	s0 =	simm.s32 @!p2 $0x0  }
0x16: {  	s3 =	sld [smem:$0x3FDB];
	s0 =	simm.s32 @p2 $0x1  }
0x17: {  	s4 =	simm.s32 $0x1BF5;
	[smem:$0x3FAB] =	sst s0  }
0x18: {  	s0 =	sld [smem:$0x3F8E];
	_ =	swait.ge [sflag:s4], $0x0  }
0x19: {  	s7 =	sld [smem:$0x3F8F]  }
0x1a: {  	s8 =	sadd.s32 $0xFFFFE003, lr  }
0x1b: {  	s9 =	sadd.s32 $0xFFFFFEF7, lr;
	s5 =	simm.s32 $0xFFFFFFFF;
	p2 =	slt.u32 s8, $0xFFFFF086  }
0x1c: {  	p1 =	slt.u32 s9, $0xF7A;
	s5 =	simm.s32 @!p2 $0x0  }
0x1d: {  	s5 =	simm.s32 @p1 $0x1;
	p0 =	seq.s32 s7, s2  }
0x1e: {  	s7 =	smul.u32 @!p0 $0xF7A, s2;
	p2 =	seq.s32 @!p0 s5, $0x0  }
0x1f: {  	s9 =	smul.u32 $0xF7A, s1;
	s8 =	simm.s32 @!p0 $0x1BF5;
	p2 =	por !p2, p0  }
0x20: {  	[sflag:s8] =	ssyncset.s32 @!p0 $0xFFFFF086;
	s6 =	sadd.s32 @!p0 s3, s7;
	s7 =	simm.s32 @!p0 $0x108  }
0x21: {  	s3 =	sadd.s32 s3, s9;
	s6 =	sadd.s32 @!p0 $0x88, s6;
	s7 =	simm.s32 @p2 $0x1082  }
0x22: {  	[simem:s7], [sflag:s8] =	dma.local @!p0 [hbm:s6], $0xF7A  }
0x23: {  	s9 =	sor.u32 $0xD0000000, s2;
	s6 =	simm.s32 $0x108;
	_ =	swait.ge @!p0 [sflag:s8], $0x0  }
0x24: {  	s3 =	sadd.s32 $0x88, s3;
	s6 =	simm.s32 @!p1 $0x1082;
	[sflag:s4] =	ssyncset.s32 $0xFFFFF086  }
0x25: {  	[simem:s6], [sflag:s4] =	dma.local [hbm:s3], $0xF7A  }
0x26: {  	[smem:$0x3F8F] =	sst s1;
	(tag) =	ssettag s2;
	_ =	strace s9  }
0x27: {  	s1 =	sld [smem:$0x3F9F]  }
0x28: {  	s2 =	sld [smem:$0x3FA0]  }
0x29: {  	s4 =	sld [smem:$0x3FA2]  }
0x2a: {  	p0 =	seq.s32 s5, $0x0;
	s5 =	sld [smem:$0x3FA3]  }
0x2b: {  	s6 =	sld [smem:$0x3FA4]  }
0x2c: {  	s7 =	sld [smem:$0x3FA5]  }
0x2d: {  	s3 =	simm.s32 $0x108;
	s8 =	sld [smem:$0x3FA6]  }
0x2e: {  	s3 =	simm.s32 @!p0 $0x1082;
	s9 =	sld [smem:$0x3FA7]  }
0x2f: {  	lr =	sadd.s32 s0, s3;
	s0 =	sld [smem:$0x3F9E]  }
0x30: {  	s3 =	sld [smem:$0x3FA1]  }
0x31: {  	[smem:$0x3FAA] =	sst s10  }
0x32: {  	s10 =	sld [smem:$0x3FA8];
	_ =	sdelay $0x3  }
0x33: {  	p0 =	seq.s32 s10, $0x1;
	s10 =	sld [smem:$0x3FAA];
	_ =	sdelay $0x3  }
0x34: {  	[smem:$0x3FAA] =	sst s10  }
0x35: {  	s10 =	sld [smem:$0x3FA9];
	_ =	sdelay $0x3  }
0x36: {  	p1 =	seq.s32 s10, $0x1;
	s10 =	sld [smem:$0x3FAA];
	_ =	sdelay $0x3  }
0x37: {  	[smem:$0x3FAA] =	sst s10  }
0x38: {  	s10 =	sld [smem:$0x3FAB]  }
0x39: {  	_ = 	snop;
	(pc) =	sbr.ind lr, $3  }
0x3a: {  	_ = 	snop  }
0x3b: {  	_ = 	snop  }
0x3c: {  	p2 =	seq.s32 s10, $0x1;
	s10 =	sld [smem:$0x3FAA]  }
0x3d: {  	_ =	shalt  }
0x3e: {  	_ =	shalt  }
0x3f: {  	_ =	shalt  }
0x40: {  	_ =	shalt  }
0x41: {  	_ =	shalt  }
0x42: {  	_ =	shalt  }
0x43: {  	_ =	shalt  }
0x44: {  	_ =	shalt  }
0x45: {  	_ =	shalt  }
0x46: {  	_ =	shalt  }
0x47: {  	_ =	shalt  }
0x48: {  	_ =	shalt  }
0x49: {  	_ =	shalt  }
0x4a: {  	_ =	shalt  }
0x4b: {  	_ =	shalt  }
0x4c: {  	_ =	shalt  }
0x4d: {  	_ =	shalt  }
0x4e: {  	_ =	shalt  }
0x4f: {  	_ =	shalt  }
0x50: {  	_ =	shalt  }
0x51: {  	_ =	shalt  }
0x52: {  	_ =	shalt  }
0x53: {  	_ =	shalt  }
0x54: {  	_ =	shalt  }
0x55: {  	_ =	shalt  }
0x56: {  	_ =	shalt  }
0x57: {  	_ =	shalt  }
0x58: {  	_ =	shalt  }
0x59: {  	_ =	shalt  }
0x5a: {  	_ =	shalt  }
0x5b: {  	_ =	shalt  }
0x5c: {  	_ =	shalt  }
0x5d: {  	_ =	shalt  }
0x5e: {  	_ =	shalt  }
0x5f: {  	_ =	shalt  }
0x60: {  	_ =	shalt  }
0x61: {  	_ =	shalt  }
0x62: {  	_ =	shalt  }
0x63: {  	_ =	shalt  }
0x64: {  	_ =	shalt  }
0x65: {  	_ =	shalt  }
0x66: {  	_ =	shalt  }
0x67: {  	_ =	shalt  }
0x68: {  	_ =	shalt  }
0x69: {  	_ =	shalt  }
0x6a: {  	_ =	shalt  }
0x6b: {  	_ =	shalt  }
0x6c: {  	_ =	shalt  }
0x6d: {  	_ =	shalt  }
0x6e: {  	_ =	shalt  }
0x6f: {  	_ =	shalt  }
0x70: {  	_ =	shalt  }
0x71: {  	_ =	shalt  }
0x72: {  	_ =	shalt  }
0x73: {  	_ =	shalt  }
0x74: {  	_ =	shalt  }
0x75: {  	_ =	shalt  }
0x76: {  	_ =	shalt  }
0x77: {  	_ =	shalt  }
0x78: {  	_ =	shalt  }
0x79: {  	_ =	shalt  }
0x7a: {  	_ =	shalt  }
0x7b: {  	_ =	shalt  }
0x7c: {  	_ =	shalt  }
0x7d: {  	_ =	shalt  }
0x7e: {  	_ =	shalt  }
0x7f: {  	_ =	shalt  }
0x80: {  	_ =	shalt  }
0x81: {  	_ =	shalt  }
0x82: {  	_ =	shalt  }
0x83: {  	_ =	shalt  }
0x84: {  	_ =	shalt  }
0x85: {  	_ =	shalt  }
0x86: {  	_ =	shalt  }
0x87: {  	_ =	shalt  }
.Lfunc_end0:
.L_simem_size_0:
called_computation_lowered:
.L_overlay_start_0:
0x88: {  	s2 =	sld [smem:$0x3FD9]  }
0x89: {  	s3 =	sld [smem:$0x3FFE];
	_ =	sdelay $0x1  }
0x8a: {  	s1 =	srdreg.scid  }
0x8b: {  	s0 =	sand.u32 $0x1, s1  }
0x8c: {  	s17 =	sshll.u32 s0, $0xA;
	s2 =	sadd.s32 s3, s2  }
0x8d: {  	s2 =	sadd.s32 s2, s17  }
0x8e: {  	[smem:$0x3FB6] =	sst s2  }
0x8f: {  	_ = 	snop  }
0x90: {  	s2 =	sld [smem:$0x3FC7]  }
0x91: {  	s18 =	sld [smem:$0x3FC6]  }
0x92: {  	s4 =	sld [smem:$0x3FC5]  }
0x93: {  	s5 =	sld [smem:$0x3FC4]  }
0x94: {  	s6 =	sld [smem:$0x3FD0];
	(tm) =	ssettm $0x1  }
0x95: {  	s7 =	sld [smem:$0x3FFB];
	_ =	sdelay $0x3  }
0x96: {  	_ =	strace s7  }
0x97: {  	s7 =	sld [smem:$0x3FFC];
	_ =	sdelay $0x3  }
0x98: {  	_ =	strace s7  }
0x99: {  	s7 =	sld [smem:$0x3FFD];
	_ =	sdelay $0x3  }
0x9a: {  	_ =	strace s7  }
0x9b: {  	_ =	strace $0x8FFFFFFF  }
0x9c: {  	s19 =	sld [smem:$0x3FDB];
	_ =	sdelay $0x1  }
0x9d: {  	s8 =	simm.s32 $_scs_section_size  }
0x9e: {  	s9 =	simm.s32 $_size__tile_overlayer_lowered;
	s10 =	simm.s32 $_tile_overlayer_lowered  }
0x9f: {  	s22 =	simm.s32 $0x1BFF;
	s21 =	sshll.u32 s10, $0x1;
	s7 =	sadd.s32 s8, s19  }
0xa0: {  	s11 =	simm.s32 $0x0;
	s20 =	sshll.u32 s9, $0x1;
	s9 =	sadd.s32 s21, s7  }
0xa1: {  	[timem:s11], [sflag:s22] =	dma.local [hbm:s9], s20  }
0xa2: {  	_ =	swait.ge [sflag:s22], s20  }
0xa3: {  	s8 =	ssub.s32 $0x0, s20;
	[sflag:s22] =	ssyncset.done $0x0  }
0xa4: {  	[sflag:s22] =	ssyncadd.s32 s8;
	_ =	sdelay $0x1  }
0xa5: {  	s23 =	simm.s32 $0x1B8B  }
0xa6: {  	_ =	swait.ge [sflag:s23], $0x1  }
0xa7: {  	[sflag:s23] =	ssyncset.done $0x0  }
0xa8: {  	s25 =	simm.s32 $0x1B8E;
	s24 =	sld [smem:$0x3FFE];
	[sflag:s23] =	ssyncadd.s32 $0xFFFFFFFF  }
0xa9: {  	s26 =	simm.s32 $execute0_lowered;
	[smem:$0x3FD2] =	sst s25  }
0xaa: {  	s9 =	sshll.u32 s26, $0x1;
	_ =	strace $0x80000046;
	[dreg:$0x1] =	wrdreg $0xFFFFFFFF  }
0xab: {  	s28 =	simm.s32 $_size_execute0_lowered;
	s7 =	sadd.s32 s7, s9;
	[dreg:$0x0] =	wrdreg $0x0  }
0xac: {  	s9 =	sshll.u32 s28, $0x1;
	[dreg:$0x2] =	wrdreg s7  }
0xad: {  	[dreg:$0x3] =	wrdreg s9  }
0xae: {  	[dreg:$0x4] =	wrdreg $0xC0  }
0xaf: {  	_ =	task [dreg:s11], $0x5FFFF  }
0xb0: {  	[dreg:$0x1] =	wrdreg $0xFFFFFFFF  }
0xb1: {  	[dreg:$0x0] =	wrdreg $0x60  }
0xb2: {  	[dreg:$0x2] =	wrdreg s2  }
0xb3: {  	[dreg:$0x3] =	wrdreg s18  }
0xb4: {  	[dreg:$0x4] =	wrdreg s4  }
0xb5: {  	[dreg:$0x5] =	wrdreg s5  }
0xb6: {  	[dreg:$0x6] =	wrdreg s6  }
0xb7: {  	[dreg:$0x7] =	wrdreg s24  }
0xb8: {  	[dreg:$0x8] =	wrdreg $0x9  }
0xb9: {  	_ =	task.clear_ibuf [dreg:s11], $0x9FFFF;
	_ =	strace $0x90000046  }
0xba: {  	s29 =	simm.s32 $0x9;
	_ =	strace $0x80000048  }
0xbb: {  	_ =	swait.ge [sflag:s29], $0x1  }
0xbc: {  	[sflag:s29] =	ssyncadd.s32 $0xFFFFFFFF  }
0xbd: {  	_ =	strace $0x90000048  }
0xbe: {  	_ =	sfence  }
0xbf: {  	s30 =	sld [smem:$0x0];
	_ =	sdelay $0x2  }
0xc0: {  	s31 =	sshll.u32 s1, $0xD;
	s1 =	sshrl.u32 s1, $0x2  }
0xc1: {  	s3 =	sand.u32 $0x4000, s31;
	s1 =	sadd.s32 s1, s30  }
0xc2: {  	s0 =	sor.u32 s3, s0;
	s1 =	sshll.u32 s1, $0x11  }
0xc3: {  	s0 =	sor.u32 s1, s0  }
0xc4: {  	s0 =	sadd.s32 $0x8F2B, s0  }
0xc5: {  	[sflag:s0] =	ssyncadd.remote.s32 $0x1  }
0xc6: {  	_ =	sfence.sel $0xFFFF  }
0xc7: {  	[dreg:$0x0] =	wrdreg $0xFFFFFFFF;
	(pc) =	sbr.abs _section_cstart, $3  }
0xc8: {  	[dreg:$0x1] =	wrdreg $0xFFFFFFFF  }
0xc9: {  	_ =	task.clear_ibuf [dreg:s11], $0x2FFFF;
	_ =	strace $0x9FFFFFFF  }
0xca: {  	(tm) =	ssettm $0x7FFFFFFF  }
0xcb: {  	_ =	shalt  }
tec
execute0_lowered:
.L_overlay_start_1:
0x0: {  	(tag) =	ssettag $0x1  }
0x1: {  	s0 =	rddreg [dreg:$0x0]  }
0x2: {  	s1 =	rddreg [dreg:$0x1]  }
0x3: {  	s3 =	rddreg [dreg:$0x2]  }
0x4: {  	s4 =	rddreg [dreg:$0x3]  }
0x5: {  	s11 =	rddreg [dreg:$0x4];
	s5 =	srdreg.scid  }
0x6: {  	s2 =	stileid.u32;
	s7 =	rddreg [dreg:$0x5]  }
0x7: {  	s6 =	simm.s32 $0x0;
	s16 =	simm.s32 $0x6000;
	s17 =	simm.s32 $0x1  }
0x8: {  	s22 =	simm.s32 $0x5;
	s8 =	sand.u32 $0x1, s5;
	s5 =	rddreg [dreg:$0x6]  }
0x9: {  	s23 =	simm.s32 $0x0;
	s9 =	sshll.u32 s2, $0x1;
	[smem:$0x7FF] =	sst s6  }
0xa: {  	s10 =	sor.u32 s8, s9;
	s8 =	ssub.s32 $0x2, s8;
	_ =	strace $0x80000047  }
0xb: {  	s12 =	sshll.u32 s10, $0xD;
	s31 =	sshrl.u32 s8, $0x1;
	s9 =	sshll.u32 s10, $0x10  }
0xc: {  	s15 =	sshll.u32 s10, $0x3;
	s20 =	sshll.u32 s10, $0x8;
	s10 =	sadd.s32 $0x400, s4  }
0xd: {  	s13 =	sadd.s32 s12, s7;
	s14 =	ssub.s32 s8, s31;
	s7 =	sadd.s32 $0x400, s0  }
.Ltmp0:
0xe: {  	s8 =	sadd.s32 $0x400, s1;
	s18 =	ssub.s32 $0x0, s9;
	(pc) =	sbr.rel .LBB2_1-.Ltmp0, $4  }
0xf: {  	s19 =	sadd.s32 $0x8, s15;
	s9 =	sadd.s32 $0x400, s3;
	s11 =	sadd.s32 s11, s12  }
0x10: {  	s21 =	sadd.s32 $0x100, s20;
	v0 =	vmov s15;
	s15 =	simm.s32 $0x2000;
	v3 =	vmov s20;
	s20 =	simm.s32 $0x3  }
0x11: {  	v5 =	vimm.f32 $0.0e+00;
	v6 =	vimm.f32 $1.000000000e+00;
	s12 =	sadd.s32 $0x1A00, s13;
	s13 =	smax.u32 s14, $0x1;
	s14 =	simm.s32 $0x4000  }
0x12: {  	v1 =	vmov s19;
	v2 =	vmov s18;
	s18 =	simm.s32 $0x2;
	s19 =	simm.s32 $0x8000;
	v4 =	vmov s21;
	s21 =	simm.s32 $0x4  }
.LBB2_19:
0x13: {  	s23 =	sadd.s32 $0x1, s23  }
0x14: {  	p0 =	sne.s32 s23, s13  }
.Ltmp1:
0x15: {  	_ = 	snop;
	(pc) =	sbr.rel @!p0 .LBB2_20-.Ltmp1, $4  }
0x16: {  	[hbm4b:s12+s6] =	stream.linear.scatter [tilespmem:s19], [sflag:$0x5], $0x10000, $0x38;
	[tilespmem:$0x18000] =	vst v63  }
0x17: {  	_ =	swait.ge [sflag:s22], $0x10000  }
0x18: {  	[sflag:s22] =	ssyncset.done $0x0  }
0x19: {  	[sflag:s22] =	ssyncadd.s32 $0xFFFF0000  }
.LBB2_1:
0x1a: {  	[tilespmem:s6], [sflag:$0x1] =	stream.linear.gather [hbm4b:s0+s6], $0x2000, $0x38;
	[tilespmem:$0x18000] =	vst v63  }
0x1b: {  	_ = 	snop  }
0x1c: {  	[tilespmem:s14], [sflag:$0x2] =	stream.linear.gather [hbm4b:s1+s6], $0x2000, $0x38;
	[tilespmem:$0x18000] =	vst v63  }
0x1d: {  	_ = 	snop  }
0x1e: {  	[tilespmem:s15], [sflag:$0x3] =	stream.linear.gather [hbm4b:s7+s6], $0x2000, $0x38;
	[tilespmem:$0x18000] =	vst v63  }
0x1f: {  	s24 =	simm.s32 $0x40;
	s25 =	simm.s32 $0x0  }
0x20: {  	[tilespmem:s16], [sflag:$0x4] =	stream.linear.gather [hbm4b:s8+s6], $0x2000, $0x38;
	[tilespmem:$0x18000] =	vst v63  }
.LBB2_2:
0x21: {  	p0 =	sne.s32 s24, $0x3FFC0;
	[tilespmem:s25+$0x8000] =	vst v5;
	s25 =	smov.u32 s24;
	s24 =	sadd.s32 $0x40, s24  }
.Ltmp2:
0x22: {  	(pc) =	sbr.rel @p0 .LBB2_2-.Ltmp2, $2  }
0x23: {  	_ =	sdelay $0x2  }
0x24: {  	s25 =	sshra.s32 s25, $0x2  }
0x25: {  	[tilespmem:s25+$0x8000] =	vst v5;
	s24 =	simm.s32 $0x0  }
.LBB2_4:
0x26: {  	_ =	swait.ge [sflag:s17], $0x2000  }
0x27: {  	[sflag:s17] =	ssyncset.done $0x0  }
0x28: {  	[sflag:s17] =	ssyncadd.s32 $0xFFFFE000  }
0x29: {  	_ =	swait.ge [sflag:s18], $0x2000  }
0x2a: {  	[sflag:s18] =	ssyncset.done $0x0  }
0x2b: {  	s25 =	simm.s32 $0x0;
	[sflag:s18] =	ssyncadd.s32 $0xFFFFE000  }
0x2c: {  	v9 =	vld [tilespmem:s25+$0x4040]  }
0x2d: {  	v7 =	vld [tilespmem:s25+$0x30]  }
0x2e: {  	v10 =	vld [tilespmem:s25+$0x4030]  }
0x2f: {  	v11 =	vld [tilespmem:s25+$0x20]  }
0x30: {  	v12 =	vld [tilespmem:s25+$0x4020]  }
0x31: {  	v13 =	vld [tilespmem:s25+$0x4010]  }
0x32: {  	v14 =	vld [tilespmem:s25+$0x10]  }
0x33: {  	v15 =	vld [tilespmem:s25+$0x0]  }
0x34: {  	v16 =	vld [tilespmem:s25+$0x4000]  }
0x35: {  	v23 =	vld [tilespmem:s25+$0x4050]  }
0x36: {  	v17 =	vld [tilespmem:s25+$0x50]  }
0x37: {  	v25 =	vld [tilespmem:s25+$0x4060];
	vm0 =	vge.s32 v12, v0;
	vm1 =	vlt.s32 v12, v1;
	v18 =	vadd.s32 v2, v11  }
0x38: {  	v24 =	vld [tilespmem:s25+$0x80];
	vm2 =	vge.s32 v13, v0;
	vm3 =	vlt.s32 v13, v1;
	v11 =	vshll.u32 v10, $0xD  }
0x39: {  	v19 =	vadd.s32 v2, v14;
	v21 =	vshll.u32 v12, $0xD;
	vm4 =	vlt.s32 v10, v1  }
0x3a: {  	v8 =	vld [tilespmem:s25+$0x40];
	v7 =	vadd.s32 v2, v7;
	v27 =	vadd.s32 v2, v15;
	v14 =	vshll.u32 v9, $0xD  }
0x3b: {  	v26 =	vld [tilespmem:s25+$0x70];
	v28 =	vadd.s32 v2, v17;
	v29 =	vshll.u32 v16, $0xD;
	v30 =	vshll.u32 v23, $0xD  }
0x3c: {  	v22 =	vld [tilespmem:s25+$0x4080];
	vm5 =	vge.s32 v16, v0;
	vm6 =	vlt.s32 v23, v1;
	vm7 =	vge.s32 v25, v0  }
0x3d: {  	v15 =	vld [tilespmem:s25+$0x60];
	vm8 =	vge.s32 v23, v0;
	v24 =	vadd.s32 v2, v24;
	vm0 =	vmand vm0, vm1  }
0x3e: {  	v17 =	vld [tilespmem:s25+$0xA0];
	vm1 =	vge.s32 v10, v0;
	v7 =	vadd.s32 v11, v7;
	v11 =	vshll.u32 v13, $0xD  }
0x3f: {  	v10 =	vadd.s32 v2, v8;
	v13 =	vld [tilespmem:s25+$0x4070];
	v23 =	vadd.s32 v30, v28;
	v27 =	vadd.s32 v29, v27  }
0x40: {  	v12 =	vld [tilespmem:s25+$0x4090];
	vm1 =	vmand vm1, vm4;
	vm4 =	vmand vm2, vm3;
	vm2 =	vlt.s32 v9, v1  }
0x41: {  	v8 =	vadd.s32 v11, v19;
	vm3 =	vge.s32 v9, v0;
	v11 =	vld [tilespmem:s25+$0x40A0];
	v9 =	vadd.s32 v21, v18  }
0x42: {  	v21 =	vshll.u32 v25, $0xD;
	v19 =	vld [tilespmem:s25+$0xB0];
	vm2 =	vmand vm3, vm2;
	vm3 =	vlt.s32 v25, v1  }
0x43: {  	v18 =	vadd.s32 v2, v26;
	v7 =	vnsel vm1, $0x0, v7;
	v25 =	vld [tilespmem:s25+$0x90];
	vm3 =	vmand vm7, vm3  }
0x44: {  	vm7 =	vlt.s32 v16, v1;
	v16 =	vld [tilespmem:s25+$0x40B0];
	v20 =	vadd.s32 v2, v15;
	v15 =	vshll.u32 v13, $0xD  }
0x45: {  	v8 =	vnsel vm4, $0x0, v8;
	vm7 =	vmand vm5, vm7;
	v26 =	vadd.s32 v15, v18;
	v18 =	vld [tilespmem:s25+$0xC0]  }
0x46: {  	vm5 =	vge.s32 v13, v0;
	vm9 =	vlt.s32 v13, v1;
	v13 =	vshll.u32 v22, $0xD;
	v15 =	vld [tilespmem:s25+$0x40C0]  }
0x47: {  	s26 =	simm.s32 $0x400;
	v9 =	vnsel vm0, $0x0, v9;
	vm5 =	vmand vm5, vm9;
	v24 =	vadd.s32 v13, v24;
	v13 =	vld [tilespmem:s25+$0xD0]  }
.LBB2_5:
0x48: {  	p0 =	sne.s32 s26, $0x7C00;
	v27 =	vnsel vm7, $0x0, v27;
	vm9 =	vlt.s32 v22, v1;
	v25 =	vadd.s32 v2, v25;
	v28 =	vld [tilespmem:s25+$0x40D0];
	s28 =	smov.u32 s26;
	s26 =	sadd.s32 $0x400, s26  }
0x49: {  	vm12 =	vlt.s32 v12, v1;
	v29 =	vshll.u32 v12, $0xD;
	v30 =	vshll.u32 v11, $0xD;
	v31 =	vld [tilespmem:s25+$0x40F0]  }
0x4a: {  	v10 =	vadd.s32 v14, v10;
	v14 =	vnsel vm5, $0x0, v26;
	vm10 =	vge.s32 v22, v0;
	v22 =	vld [tilespmem:s25+$0xF0]  }
0x4b: {  	v17 =	vadd.s32 v2, v17;
	vm9 =	vmand vm10, vm9;
	vm10 =	vge.s32 v11, v0;
	v26 =	vld [tilespmem:s25+$0x40E0]  }
0x4c: {  	v20 =	vadd.s32 v21, v20;
	vm11 =	vlt.s32 v11, v1;
	v11 =	vadd.s32 v30, v17;
	v17 =	vld [tilespmem:s25+$0xE0]  }
0x4d: {  	vm6 =	vmand vm8, vm6;
	v21 =	vadd.s32 v29, v25;
	v25 =	vshll.u32 v15, $0xD;
	[tilespmem:v27+s19+$0x0] =	vst.idx.add.f32.msk vm7, v6  }
0x4e: {  	v23 =	vnsel vm6, $0x0, v23;
	vm7 =	vge.s32 v12, v0;
	v12 =	vadd.s32 v2, v19;
	[tilespmem:v8+s19+$0x0] =	vst.idx.add.f32.msk vm4, v6  }
0x4f: {  	v19 =	vshll.u32 v16, $0xD;
	v8 =	vnsel vm9, $0x0, v24;
	v22 =	vadd.s32 v2, v22;
	[tilespmem:v9+s19+$0x0] =	vst.idx.add.f32.msk vm0, v6  }
0x50: {  	v18 =	vadd.s32 v2, v18;
	v9 =	vnsel vm3, $0x0, v20;
	vm0 =	vmand vm7, vm12;
	[tilespmem:v7+s19+$0x0] =	vst.idx.add.f32.msk vm1, v6  }
0x51: {  	vm4 =	vge.s32 v15, v0;
	v7 =	vnsel vm2, $0x0, v10;
	v10 =	vadd.s32 v25, v18  }
0x52: {  	vm7 =	vlt.s32 v16, v1;
	vm1 =	vge.s32 v16, v0;
	v16 =	vshll.u32 v28, $0xD  }
0x53: {  	v18 =	vnsel vm0, $0x0, v21;
	vm1 =	vmand vm1, vm7;
	vm7 =	vlt.s32 v15, v1  }
0x54: {  	v12 =	vadd.s32 v19, v12;
	vm4 =	vmand vm4, vm7;
	vm7 =	vge.s32 v28, v0  }
0x55: {  	v13 =	vadd.s32 v2, v13;
	vm8 =	vlt.s32 v28, v1;
	v10 =	vnsel vm4, $0x0, v10  }
0x56: {  	vm10 =	vmand vm10, vm11;
	v13 =	vadd.s32 v16, v13;
	vm7 =	vmand vm7, vm8;
	[tilespmem:v7+s19+$0x0] =	vst.idx.add.f32.msk vm2, v6  }
0x57: {  	v7 =	vnsel vm10, $0x0, v11;
	v11 =	vnsel vm1, $0x0, v12;
	v12 =	vnsel vm7, $0x0, v13;
	[tilespmem:v23+s19+$0x0] =	vst.idx.add.f32.msk vm6, v6  }
0x58: {  	v15 =	vadd.s32 v2, v17;
	vm2 =	vlt.s32 v26, v1;
	v13 =	vshll.u32 v26, $0xD;
	[tilespmem:v9+s19+$0x0] =	vst.idx.add.f32.msk vm3, v6  }
0x59: {  	vm3 =	vge.s32 v26, v0;
	v9 =	vadd.s32 v13, v15;
	v13 =	vshll.u32 v31, $0xD;
	[tilespmem:v14+s19+$0x0] =	vst.idx.add.f32.msk vm5, v6  }
0x5a: {  	vm2 =	vmand vm3, vm2;
	vm3 =	vge.s32 v31, v0;
	vm5 =	vlt.s32 v31, v1;
	[tilespmem:v8+s19+$0x0] =	vst.idx.add.f32.msk vm9, v6  }
0x5b: {  	v8 =	vnsel vm2, $0x0, v9;
	vm3 =	vmand vm3, vm5;
	v9 =	vadd.s32 v13, v22;
	[tilespmem:v18+s19+$0x0] =	vst.idx.add.f32.msk vm0, v6  }
0x5c: {  	v9 =	vnsel vm3, $0x0, v9;
	[tilespmem:v7+s19+$0x0] =	vst.idx.add.f32.msk vm10, v6  }
0x5d: {  	[tilespmem:v11+s19+$0x0] =	vst.idx.add.f32.msk vm1, v6  }
0x5e: {  	[tilespmem:v10+s19+$0x0] =	vst.idx.add.f32.msk vm4, v6  }
0x5f: {  	[tilespmem:v12+s19+$0x0] =	vst.idx.add.f32.msk vm7, v6  }
0x60: {  	[tilespmem:v8+s19+$0x0] =	vst.idx.add.f32.msk vm2, v6  }
0x61: {  	[tilespmem:v9+s19+$0x0] =	vst.idx.add.f32.msk vm3, v6  }
0x62: {  	s25 =	sshra.s32 s28, $0x2  }
0x63: {  	v8 =	vld [tilespmem:s25+$0x40]  }
0x64: {  	v9 =	vld [tilespmem:s25+$0x4040]  }
0x65: {  	v7 =	vld [tilespmem:s25+$0x30]  }
0x66: {  	v10 =	vld [tilespmem:s25+$0x4030]  }
0x67: {  	v11 =	vld [tilespmem:s25+$0x20]  }
0x68: {  	v12 =	vld [tilespmem:s25+$0x4020]  }
0x69: {  	v13 =	vld [tilespmem:s25+$0x4010]  }
0x6a: {  	v14 =	vld [tilespmem:s25+$0x10]  }
0x6b: {  	v15 =	vld [tilespmem:s25+$0x0]  }
0x6c: {  	v16 =	vld [tilespmem:s25+$0x4000]  }
0x6d: {  	v18 =	vadd.s32 v2, v11;
	vm0 =	vge.s32 v12, v0;
	vm1 =	vlt.s32 v12, v1;
	v23 =	vld [tilespmem:s25+$0x4050]  }
0x6e: {  	v11 =	vshll.u32 v10, $0xD;
	vm2 =	vge.s32 v13, v0;
	vm3 =	vlt.s32 v13, v1;
	v17 =	vld [tilespmem:s25+$0x50]  }
0x6f: {  	vm4 =	vlt.s32 v10, v1;
	v21 =	vshll.u32 v12, $0xD;
	v19 =	vadd.s32 v2, v14;
	v24 =	vld [tilespmem:s25+$0x80]  }
0x70: {  	v7 =	vadd.s32 v2, v7;
	vm0 =	vmand vm0, vm1;
	vm1 =	vge.s32 v10, v0;
	v25 =	vld [tilespmem:s25+$0x4060]  }
0x71: {  	v7 =	vadd.s32 v11, v7;
	vm1 =	vmand vm1, vm4;
	v27 =	vadd.s32 v2, v15;
	v15 =	vld [tilespmem:s25+$0x60]  }
0x72: {  	v11 =	vshll.u32 v13, $0xD;
	v10 =	vadd.s32 v2, v8;
	v7 =	vnsel vm1, $0x0, v7;
	v13 =	vld [tilespmem:s25+$0x4070]  }
0x73: {  	vm4 =	vmand vm2, vm3;
	vm2 =	vlt.s32 v9, v1;
	v14 =	vshll.u32 v9, $0xD;
	v26 =	vld [tilespmem:s25+$0x70]  }
0x74: {  	vm3 =	vge.s32 v9, v0;
	v8 =	vadd.s32 v11, v19;
	v28 =	vadd.s32 v2, v17;
	v11 =	vld [tilespmem:s25+$0x40A0]  }
0x75: {  	vm2 =	vmand vm3, vm2;
	v29 =	vshll.u32 v16, $0xD;
	v30 =	vshll.u32 v23, $0xD;
	v17 =	vld [tilespmem:s25+$0xA0]  }
0x76: {  	vm5 =	vge.s32 v16, v0;
	vm6 =	vlt.s32 v23, v1;
	vm3 =	vlt.s32 v25, v1;
	v12 =	vld [tilespmem:s25+$0x4090]  }
0x77: {  	v8 =	vnsel vm4, $0x0, v8;
	vm7 =	vge.s32 v25, v0;
	v20 =	vadd.s32 v2, v15;
	v22 =	vld [tilespmem:s25+$0x4080]  }
0x78: {  	v9 =	vadd.s32 v21, v18;
	v21 =	vshll.u32 v25, $0xD;
	vm3 =	vmand vm7, vm3;
	v25 =	vld [tilespmem:s25+$0x90]  }
.Ltmp3:
0x79: {  	v9 =	vnsel vm0, $0x0, v9;
	v15 =	vshll.u32 v13, $0xD;
	v18 =	vadd.s32 v2, v26;
	v19 =	vld [tilespmem:s25+$0xB0];
	(pc) =	sbr.rel @p0 .LBB2_5-.Ltmp3, $4  }
0x7a: {  	vm8 =	vge.s32 v23, v0;
	vm7 =	vlt.s32 v16, v1;
	v26 =	vadd.s32 v15, v18;
	v18 =	vld [tilespmem:s25+$0xC0]  }
0x7b: {  	vm7 =	vmand vm5, vm7;
	vm5 =	vge.s32 v13, v0;
	vm9 =	vlt.s32 v13, v1;
	v16 =	vld [tilespmem:s25+$0x40B0]  }
0x7c: {  	v23 =	vadd.s32 v30, v28;
	v24 =	vadd.s32 v2, v24;
	v13 =	vshll.u32 v22, $0xD;
	v15 =	vld [tilespmem:s25+$0x40C0]  }
0x7d: {  	v27 =	vadd.s32 v29, v27;
	vm5 =	vmand vm5, vm9;
	v24 =	vadd.s32 v13, v24;
	v13 =	vld [tilespmem:s25+$0xD0]  }
0x7e: {  	v27 =	vnsel vm7, $0x0, v27;
	vm9 =	vlt.s32 v22, v1;
	v25 =	vadd.s32 v2, v25  }
0x7f: {  	vm12 =	vlt.s32 v12, v1;
	v28 =	vshll.u32 v12, $0xD;
	v29 =	vshll.u32 v11, $0xD  }
0x80: {  	v10 =	vadd.s32 v14, v10;
	v14 =	vnsel vm5, $0x0, v26;
	vm10 =	vge.s32 v22, v0  }
0x81: {  	v17 =	vadd.s32 v2, v17;
	v20 =	vadd.s32 v21, v20;
	vm11 =	vlt.s32 v11, v1  }
0x82: {  	vm8 =	vmand vm8, vm6;
	vm6 =	vge.s32 v12, v0;
	v12 =	vadd.s32 v2, v19  }
0x83: {  	v22 =	vld [tilespmem:s25+$0xF0];
	vm9 =	vmand vm10, vm9;
	vm10 =	vge.s32 v11, v0;
	v11 =	vadd.s32 v29, v17  }
0x84: {  	v17 =	vld [tilespmem:s25+$0x40D0];
	v21 =	vadd.s32 v28, v25;
	v23 =	vnsel vm8, $0x0, v23;
	v20 =	vnsel vm3, $0x0, v20  }
0x85: {  	v19 =	vld [tilespmem:s25+$0x40F0];
	vm6 =	vmand vm6, vm12;
	v18 =	vadd.s32 v2, v18;
	v10 =	vnsel vm2, $0x0, v10  }
0x86: {  	v29 =	vld [tilespmem:s25+$0xE0];
	v24 =	vnsel vm9, $0x0, v24;
	v26 =	vshll.u32 v16, $0xD;
	v25 =	vshll.u32 v15, $0xD  }
0x87: {  	v28 =	vld [tilespmem:s25+$0x40E0];
	vm13 =	vlt.s32 v16, v1;
	vm12 =	vge.s32 v15, v0;
	v18 =	vadd.s32 v25, v18  }
0x88: {  	vm10 =	vmand vm10, vm11;
	v22 =	vadd.s32 v2, v22;
	[tilespmem:v27+s19+$0x0] =	vst.idx.add.f32.msk vm7, v6;
	vm7 =	vge.s32 v16, v0  }
0x89: {  	v16 =	vshll.u32 v17, $0xD;
	[tilespmem:v8+s19+$0x0] =	vst.idx.add.f32.msk vm4, v6;
	vm4 =	vmand vm7, vm13;
	vm7 =	vlt.s32 v15, v1  }
0x8a: {  	[tilespmem:v9+s19+$0x0] =	vst.idx.add.f32.msk vm0, v6;
	v9 =	vadd.s32 v26, v12;
	vm0 =	vmand vm12, vm7;
	vm7 =	vge.s32 v17, v0  }
0x8b: {  	v8 =	vnsel vm6, $0x0, v21;
	v12 =	vadd.s32 v2, v13;
	v13 =	vadd.s32 v2, v29;
	[tilespmem:v7+s19+$0x0] =	vst.idx.add.f32.msk vm1, v6  }
0x8c: {  	v7 =	vnsel vm0, $0x0, v18;
	vm1 =	vlt.s32 v17, v1;
	v12 =	vadd.s32 v16, v12;
	[tilespmem:v10+s19+$0x0] =	vst.idx.add.f32.msk vm2, v6  }
0x8d: {  	v9 =	vnsel vm4, $0x0, v9;
	vm1 =	vmand vm7, vm1;
	v10 =	vnsel vm10, $0x0, v11;
	[tilespmem:v23+s19+$0x0] =	vst.idx.add.f32.msk vm8, v6  }
0x8e: {  	vm2 =	vlt.s32 v28, v1;
	v11 =	vnsel vm1, $0x0, v12;
	v12 =	vshll.u32 v28, $0xD;
	[tilespmem:v20+s19+$0x0] =	vst.idx.add.f32.msk vm3, v6  }
0x8f: {  	vm3 =	vge.s32 v28, v0;
	v12 =	vadd.s32 v12, v13;
	v13 =	vshll.u32 v19, $0xD;
	[tilespmem:v14+s19+$0x0] =	vst.idx.add.f32.msk vm5, v6  }
0x90: {  	vm2 =	vmand vm3, vm2;
	vm3 =	vge.s32 v19, v0;
	vm5 =	vlt.s32 v19, v1;
	[tilespmem:v24+s19+$0x0] =	vst.idx.add.f32.msk vm9, v6  }
0x91: {  	v13 =	vadd.s32 v13, v22;
	v12 =	vnsel vm2, $0x0, v12;
	vm3 =	vmand vm3, vm5;
	[tilespmem:v8+s19+$0x0] =	vst.idx.add.f32.msk vm6, v6  }
0x92: {  	v8 =	vnsel vm3, $0x0, v13;
	[tilespmem:v10+s19+$0x0] =	vst.idx.add.f32.msk vm10, v6  }
0x93: {  	[tilespmem:v9+s19+$0x0] =	vst.idx.add.f32.msk vm4, v6  }
0x94: {  	[tilespmem:v7+s19+$0x0] =	vst.idx.add.f32.msk vm0, v6  }
0x95: {  	p0 =	seq.s32 s24, $0xF;
	s25 =	sshll.u32 s24, $0xB;
	[tilespmem:v11+s19+$0x0] =	vst.idx.add.f32.msk vm1, v6  }
0x96: {  	s26 =	sadd.s32 @!p0 $0x800, s25;
	[tilespmem:v12+s19+$0x0] =	vst.idx.add.f32.msk vm2, v6  }
0x97: {  	s29 =	simm.s32 @!p0 $0x0;
	s28 =	sadd.s32 @!p0 s0, s26;
	[tilespmem:v8+s19+$0x0] =	vst.idx.add.f32.msk vm3, v6  }
0x98: {  	[tilespmem:s29], [sflag:$0x1] =	stream.linear.gather @!p0 [hbm4b:s28+s29], $0x2000, $0x38;
	[tilespmem:$0x18000] =	vst v63  }
0x99: {  	s26 =	sadd.s32 @!p0 s1, s26;
	s28 =	simm.s32 @!p0 $0x4000  }
0x9a: {  	[tilespmem:s28], [sflag:$0x2] =	stream.linear.gather @!p0 [hbm4b:s26+s29], $0x2000, $0x38;
	[tilespmem:$0x18000] =	vst v63  }
0x9b: {  	_ =	swait.ge [sflag:s20], $0x2000  }
0x9c: {  	[sflag:s20] =	ssyncset.done $0x0  }
0x9d: {  	[sflag:s20] =	ssyncadd.s32 $0xFFFFE000  }
0x9e: {  	_ =	swait.ge [sflag:s21], $0x2000  }
0x9f: {  	[sflag:s21] =	ssyncset.done $0x0  }
0xa0: {  	s26 =	simm.s32 $0x0;
	[sflag:s21] =	ssyncadd.s32 $0xFFFFE000  }
0xa1: {  	v9 =	vld [tilespmem:s26+$0x6040]  }
0xa2: {  	v7 =	vld [tilespmem:s26+$0x2030]  }
0xa3: {  	v10 =	vld [tilespmem:s26+$0x6030]  }
0xa4: {  	v11 =	vld [tilespmem:s26+$0x2020]  }
0xa5: {  	v12 =	vld [tilespmem:s26+$0x6020]  }
0xa6: {  	v13 =	vld [tilespmem:s26+$0x6010]  }
0xa7: {  	v14 =	vld [tilespmem:s26+$0x2010]  }
0xa8: {  	v15 =	vld [tilespmem:s26+$0x2000]  }
0xa9: {  	v16 =	vld [tilespmem:s26+$0x6000]  }
0xaa: {  	v23 =	vld [tilespmem:s26+$0x6050]  }
0xab: {  	v17 =	vld [tilespmem:s26+$0x2050]  }
0xac: {  	v25 =	vld [tilespmem:s26+$0x6060];
	vm0 =	vge.s32 v12, v0;
	vm1 =	vlt.s32 v12, v1;
	v18 =	vadd.s32 v2, v11  }
0xad: {  	v24 =	vld [tilespmem:s26+$0x2080];
	vm2 =	vge.s32 v13, v0;
	vm3 =	vlt.s32 v13, v1;
	v11 =	vshll.u32 v10, $0xD  }
0xae: {  	v19 =	vadd.s32 v2, v14;
	v21 =	vshll.u32 v12, $0xD;
	vm4 =	vlt.s32 v10, v1  }
0xaf: {  	v8 =	vld [tilespmem:s26+$0x2040];
	v7 =	vadd.s32 v2, v7;
	v27 =	vadd.s32 v2, v15;
	v14 =	vshll.u32 v9, $0xD  }
0xb0: {  	v26 =	vld [tilespmem:s26+$0x2070];
	v28 =	vadd.s32 v2, v17;
	v29 =	vshll.u32 v16, $0xD;
	v30 =	vshll.u32 v23, $0xD  }
0xb1: {  	v22 =	vld [tilespmem:s26+$0x6080];
	vm5 =	vge.s32 v16, v0;
	vm6 =	vlt.s32 v23, v1;
	vm7 =	vge.s32 v25, v0  }
0xb2: {  	v15 =	vld [tilespmem:s26+$0x2060];
	vm8 =	vge.s32 v23, v0;
	v24 =	vadd.s32 v2, v24;
	vm0 =	vmand vm0, vm1  }
0xb3: {  	v17 =	vld [tilespmem:s26+$0x20A0];
	vm1 =	vge.s32 v10, v0;
	v7 =	vadd.s32 v11, v7;
	v11 =	vshll.u32 v13, $0xD  }
0xb4: {  	v10 =	vadd.s32 v2, v8;
	v13 =	vld [tilespmem:s26+$0x6070];
	v23 =	vadd.s32 v30, v28;
	v27 =	vadd.s32 v29, v27  }
0xb5: {  	v12 =	vld [tilespmem:s26+$0x6090];
	vm1 =	vmand vm1, vm4;
	vm4 =	vmand vm2, vm3;
	vm2 =	vlt.s32 v9, v1  }
0xb6: {  	v8 =	vadd.s32 v11, v19;
	vm3 =	vge.s32 v9, v0;
	v11 =	vld [tilespmem:s26+$0x60A0];
	v9 =	vadd.s32 v21, v18  }
0xb7: {  	v21 =	vshll.u32 v25, $0xD;
	v19 =	vld [tilespmem:s26+$0x20B0];
	vm2 =	vmand vm3, vm2;
	vm3 =	vlt.s32 v25, v1  }
0xb8: {  	v18 =	vadd.s32 v2, v26;
	v7 =	vnsel vm1, $0x0, v7;
	v25 =	vld [tilespmem:s26+$0x2090];
	vm3 =	vmand vm7, vm3  }
0xb9: {  	vm7 =	vlt.s32 v16, v1;
	v16 =	vld [tilespmem:s26+$0x60B0];
	v20 =	vadd.s32 v2, v15;
	v15 =	vshll.u32 v13, $0xD  }
0xba: {  	v8 =	vnsel vm4, $0x0, v8;
	vm7 =	vmand vm5, vm7;
	v26 =	vadd.s32 v15, v18;
	v18 =	vld [tilespmem:s26+$0x20C0]  }
0xbb: {  	vm5 =	vge.s32 v13, v0;
	vm9 =	vlt.s32 v13, v1;
	v13 =	vshll.u32 v22, $0xD;
	v15 =	vld [tilespmem:s26+$0x60C0]  }
0xbc: {  	s28 =	simm.s32 $0x400;
	v9 =	vnsel vm0, $0x0, v9;
	vm5 =	vmand vm5, vm9;
	v24 =	vadd.s32 v13, v24;
	v13 =	vld [tilespmem:s26+$0x20D0]  }
.LBB2_7:
0xbd: {  	p1 =	sne.s32 s28, $0x7C00;
	v27 =	vnsel vm7, $0x0, v27;
	vm9 =	vlt.s32 v22, v1;
	v25 =	vadd.s32 v2, v25;
	v28 =	vld [tilespmem:s26+$0x60D0];
	s29 =	smov.u32 s28;
	s28 =	sadd.s32 $0x400, s28  }
0xbe: {  	vm12 =	vlt.s32 v12, v1;
	v29 =	vshll.u32 v12, $0xD;
	v30 =	vshll.u32 v11, $0xD;
	v31 =	vld [tilespmem:s26+$0x60F0]  }
0xbf: {  	v10 =	vadd.s32 v14, v10;
	v14 =	vnsel vm5, $0x0, v26;
	vm10 =	vge.s32 v22, v0;
	v22 =	vld [tilespmem:s26+$0x20F0]  }
0xc0: {  	v17 =	vadd.s32 v2, v17;
	vm9 =	vmand vm10, vm9;
	vm10 =	vge.s32 v11, v0;
	v26 =	vld [tilespmem:s26+$0x60E0]  }
0xc1: {  	v20 =	vadd.s32 v21, v20;
	vm11 =	vlt.s32 v11, v1;
	v11 =	vadd.s32 v30, v17;
	v17 =	vld [tilespmem:s26+$0x20E0]  }
0xc2: {  	vm6 =	vmand vm8, vm6;
	v21 =	vadd.s32 v29, v25;
	v25 =	vshll.u32 v15, $0xD;
	[tilespmem:v27+s19+$0x0] =	vst.idx.add.f32.msk vm7, v6  }
0xc3: {  	v23 =	vnsel vm6, $0x0, v23;
	vm7 =	vge.s32 v12, v0;
	v12 =	vadd.s32 v2, v19;
	[tilespmem:v8+s19+$0x0] =	vst.idx.add.f32.msk vm4, v6  }
0xc4: {  	v19 =	vshll.u32 v16, $0xD;
	v8 =	vnsel vm9, $0x0, v24;
	v22 =	vadd.s32 v2, v22;
	[tilespmem:v9+s19+$0x0] =	vst.idx.add.f32.msk vm0, v6  }
0xc5: {  	v18 =	vadd.s32 v2, v18;
	v9 =	vnsel vm3, $0x0, v20;
	vm0 =	vmand vm7, vm12;
	[tilespmem:v7+s19+$0x0] =	vst.idx.add.f32.msk vm1, v6  }
0xc6: {  	vm4 =	vge.s32 v15, v0;
	v7 =	vnsel vm2, $0x0, v10;
	v10 =	vadd.s32 v25, v18  }
0xc7: {  	vm7 =	vlt.s32 v16, v1;
	vm1 =	vge.s32 v16, v0;
	v16 =	vshll.u32 v28, $0xD  }
0xc8: {  	v18 =	vnsel vm0, $0x0, v21;
	vm1 =	vmand vm1, vm7;
	vm7 =	vlt.s32 v15, v1  }
0xc9: {  	v12 =	vadd.s32 v19, v12;
	vm4 =	vmand vm4, vm7;
	vm7 =	vge.s32 v28, v0  }
0xca: {  	v13 =	vadd.s32 v2, v13;
	vm8 =	vlt.s32 v28, v1;
	v10 =	vnsel vm4, $0x0, v10  }
0xcb: {  	vm10 =	vmand vm10, vm11;
	v13 =	vadd.s32 v16, v13;
	vm7 =	vmand vm7, vm8;
	[tilespmem:v7+s19+$0x0] =	vst.idx.add.f32.msk vm2, v6  }
0xcc: {  	v7 =	vnsel vm10, $0x0, v11;
	v11 =	vnsel vm1, $0x0, v12;
	v12 =	vnsel vm7, $0x0, v13;
	[tilespmem:v23+s19+$0x0] =	vst.idx.add.f32.msk vm6, v6  }
0xcd: {  	v15 =	vadd.s32 v2, v17;
	vm2 =	vlt.s32 v26, v1;
	v13 =	vshll.u32 v26, $0xD;
	[tilespmem:v9+s19+$0x0] =	vst.idx.add.f32.msk vm3, v6  }
0xce: {  	vm3 =	vge.s32 v26, v0;
	v9 =	vadd.s32 v13, v15;
	v13 =	vshll.u32 v31, $0xD;
	[tilespmem:v14+s19+$0x0] =	vst.idx.add.f32.msk vm5, v6  }
0xcf: {  	vm2 =	vmand vm3, vm2;
	vm3 =	vge.s32 v31, v0;
	vm5 =	vlt.s32 v31, v1;
	[tilespmem:v8+s19+$0x0] =	vst.idx.add.f32.msk vm9, v6  }
0xd0: {  	v8 =	vnsel vm2, $0x0, v9;
	vm3 =	vmand vm3, vm5;
	v9 =	vadd.s32 v13, v22;
	[tilespmem:v18+s19+$0x0] =	vst.idx.add.f32.msk vm0, v6  }
0xd1: {  	v9 =	vnsel vm3, $0x0, v9;
	[tilespmem:v7+s19+$0x0] =	vst.idx.add.f32.msk vm10, v6  }
0xd2: {  	[tilespmem:v11+s19+$0x0] =	vst.idx.add.f32.msk vm1, v6  }
0xd3: {  	[tilespmem:v10+s19+$0x0] =	vst.idx.add.f32.msk vm4, v6  }
0xd4: {  	[tilespmem:v12+s19+$0x0] =	vst.idx.add.f32.msk vm7, v6  }
0xd5: {  	[tilespmem:v8+s19+$0x0] =	vst.idx.add.f32.msk vm2, v6  }
0xd6: {  	[tilespmem:v9+s19+$0x0] =	vst.idx.add.f32.msk vm3, v6  }
0xd7: {  	s26 =	sshra.s32 s29, $0x2  }
0xd8: {  	v8 =	vld [tilespmem:s26+$0x2040]  }
0xd9: {  	v9 =	vld [tilespmem:s26+$0x6040]  }
0xda: {  	v7 =	vld [tilespmem:s26+$0x2030]  }
0xdb: {  	v10 =	vld [tilespmem:s26+$0x6030]  }
0xdc: {  	v11 =	vld [tilespmem:s26+$0x2020]  }
0xdd: {  	v12 =	vld [tilespmem:s26+$0x6020]  }
0xde: {  	v13 =	vld [tilespmem:s26+$0x6010]  }
0xdf: {  	v14 =	vld [tilespmem:s26+$0x2010]  }
0xe0: {  	v15 =	vld [tilespmem:s26+$0x2000]  }
0xe1: {  	v16 =	vld [tilespmem:s26+$0x6000]  }
0xe2: {  	v18 =	vadd.s32 v2, v11;
	vm0 =	vge.s32 v12, v0;
	vm1 =	vlt.s32 v12, v1;
	v23 =	vld [tilespmem:s26+$0x6050]  }
0xe3: {  	v11 =	vshll.u32 v10, $0xD;
	vm2 =	vge.s32 v13, v0;
	vm3 =	vlt.s32 v13, v1;
	v17 =	vld [tilespmem:s26+$0x2050]  }
0xe4: {  	vm4 =	vlt.s32 v10, v1;
	v21 =	vshll.u32 v12, $0xD;
	v19 =	vadd.s32 v2, v14;
	v24 =	vld [tilespmem:s26+$0x2080]  }
0xe5: {  	v7 =	vadd.s32 v2, v7;
	vm0 =	vmand vm0, vm1;
	vm1 =	vge.s32 v10, v0;
	v25 =	vld [tilespmem:s26+$0x6060]  }
0xe6: {  	v7 =	vadd.s32 v11, v7;
	vm1 =	vmand vm1, vm4;
	v27 =	vadd.s32 v2, v15;
	v15 =	vld [tilespmem:s26+$0x2060]  }
0xe7: {  	v11 =	vshll.u32 v13, $0xD;
	v10 =	vadd.s32 v2, v8;
	v7 =	vnsel vm1, $0x0, v7;
	v13 =	vld [tilespmem:s26+$0x6070]  }
0xe8: {  	vm4 =	vmand vm2, vm3;
	vm2 =	vlt.s32 v9, v1;
	v14 =	vshll.u32 v9, $0xD;
	v26 =	vld [tilespmem:s26+$0x2070]  }
0xe9: {  	vm3 =	vge.s32 v9, v0;
	v8 =	vadd.s32 v11, v19;
	v28 =	vadd.s32 v2, v17;
	v11 =	vld [tilespmem:s26+$0x60A0]  }
0xea: {  	vm2 =	vmand vm3, vm2;
	v29 =	vshll.u32 v16, $0xD;
	v30 =	vshll.u32 v23, $0xD;
	v17 =	vld [tilespmem:s26+$0x20A0]  }
0xeb: {  	vm5 =	vge.s32 v16, v0;
	vm6 =	vlt.s32 v23, v1;
	vm3 =	vlt.s32 v25, v1;
	v12 =	vld [tilespmem:s26+$0x6090]  }
0xec: {  	v8 =	vnsel vm4, $0x0, v8;
	vm7 =	vge.s32 v25, v0;
	v20 =	vadd.s32 v2, v15;
	v22 =	vld [tilespmem:s26+$0x6080]  }
0xed: {  	v9 =	vadd.s32 v21, v18;
	v21 =	vshll.u32 v25, $0xD;
	vm3 =	vmand vm7, vm3;
	v25 =	vld [tilespmem:s26+$0x2090]  }
.Ltmp4:
0xee: {  	v9 =	vnsel vm0, $0x0, v9;
	v15 =	vshll.u32 v13, $0xD;
	v18 =	vadd.s32 v2, v26;
	v19 =	vld [tilespmem:s26+$0x20B0];
	(pc) =	sbr.rel @p1 .LBB2_7-.Ltmp4, $4  }
0xef: {  	vm8 =	vge.s32 v23, v0;
	vm7 =	vlt.s32 v16, v1;
	v26 =	vadd.s32 v15, v18;
	v18 =	vld [tilespmem:s26+$0x20C0]  }
0xf0: {  	vm7 =	vmand vm5, vm7;
	vm5 =	vge.s32 v13, v0;
	vm9 =	vlt.s32 v13, v1;
	v16 =	vld [tilespmem:s26+$0x60B0]  }
0xf1: {  	v23 =	vadd.s32 v30, v28;
	v24 =	vadd.s32 v2, v24;
	v13 =	vshll.u32 v22, $0xD;
	v15 =	vld [tilespmem:s26+$0x60C0]  }
0xf2: {  	v27 =	vadd.s32 v29, v27;
	vm5 =	vmand vm5, vm9;
	v24 =	vadd.s32 v13, v24;
	v13 =	vld [tilespmem:s26+$0x20D0]  }
0xf3: {  	v27 =	vnsel vm7, $0x0, v27;
	vm9 =	vlt.s32 v22, v1;
	v25 =	vadd.s32 v2, v25  }
0xf4: {  	vm12 =	vlt.s32 v12, v1;
	v28 =	vshll.u32 v12, $0xD;
	v29 =	vshll.u32 v11, $0xD  }
0xf5: {  	v10 =	vadd.s32 v14, v10;
	v45 =	vnsel vm5, $0x0, v26;
	vm10 =	vge.s32 v22, v0  }
0xf6: {  	v17 =	vadd.s32 v2, v17;
	v20 =	vadd.s32 v21, v20;
	vm11 =	vlt.s32 v11, v1  }
0xf7: {  	v46 =	vld [tilespmem:s26+$0x20F0];
	vm8 =	vmand vm8, vm6;
	vm15 =	vge.s32 v12, v0;
	v51 =	vadd.s32 v2, v19  }
0xf8: {  	v48 =	vld [tilespmem:s26+$0x60D0];
	vm9 =	vmand vm10, vm9;
	vm10 =	vge.s32 v11, v0;
	v47 =	vadd.s32 v29, v17  }
0xf9: {  	v52 =	vld [tilespmem:s26+$0x60F0];
	v49 =	vadd.s32 v28, v25;
	v23 =	vnsel vm8, $0x0, v23;
	v20 =	vnsel vm3, $0x0, v20  }
0xfa: {  	v54 =	vld [tilespmem:s26+$0x60E0];
	vm6 =	vmand vm15, vm12;
	v18 =	vadd.s32 v2, v18;
	v10 =	vnsel vm2, $0x0, v10  }
0xfb: {  	v55 =	vld [tilespmem:s26+$0x20E0];
	v24 =	vnsel vm9, $0x0, v24;
	v53 =	vshll.u32 v16, $0xD;
	vm13 =	vlt.s32 v16, v1  }
0xfc: {  	v50 =	vshll.u32 v15, $0xD;
	vm12 =	vge.s32 v15, v0;
	v57 =	vadd.s32 v53, v51  }
0xfd: {  	vm10 =	vmand vm10, vm11;
	v18 =	vadd.s32 v50, v18;
	v58 =	vadd.s32 v2, v13;
	[tilespmem:v27+s19+$0x0] =	vst.idx.add.f32.msk vm7, v6  }
0xfe: {  	v59 =	vnsel vm10, $0x0, v47;
	v22 =	vadd.s32 v2, v46;
	vm7 =	vge.s32 v16, v0;
	[tilespmem:v8+s19+$0x0] =	vst.idx.add.f32.msk vm4, v6  }
0xff: {  	v56 =	vshll.u32 v48, $0xD;
	vm14 =	vge.s32 v48, v0;
	vm15 =	vlt.s32 v48, v1;
	[tilespmem:v9+s19+$0x0] =	vst.idx.add.f32.msk vm0, v6  }
0x100: {  	v61 =	vshll.u32 v54, $0xD;
	v62 =	vadd.s32 v2, v55;
	v63 =	vshll.u32 v52, $0xD;
	[tilespmem:v7+s19+$0x0] =	vst.idx.add.f32.msk vm1, v6  }
0x101: {  	v8 =	vnsel vm6, $0x0, v49;
	vm4 =	vmand vm7, vm13;
	vm13 =	vlt.s32 v15, v1;
	[tilespmem:v10+s19+$0x0] =	vst.idx.add.f32.msk vm2, v6  }
0x102: {  	v12 =	vadd.s32 v56, v58;
	vm0 =	vmand vm12, vm13;
	v9 =	vnsel vm4, $0x0, v57;
	[tilespmem:v23+s19+$0x0] =	vst.idx.add.f32.msk vm8, v6  }
0x103: {  	vm12 =	vlt.s32 v54, v1;
	vm13 =	vge.s32 v54, v0;
	v7 =	vnsel vm0, $0x0, v18;
	[tilespmem:v20+s19+$0x0] =	vst.idx.add.f32.msk vm3, v6  }
0x104: {  	vm1 =	vmand vm14, vm15;
	vm14 =	vge.s32 v52, v0;
	vm15 =	vlt.s32 v52, v1;
	[tilespmem:v45+s19+$0x0] =	vst.idx.add.f32.msk vm5, v6  }
0x105: {  	v60 =	vnsel vm1, $0x0, v12;
	v12 =	vadd.s32 v61, v62;
	vm2 =	vmand vm13, vm12;
	[tilespmem:v24+s19+$0x0] =	vst.idx.add.f32.msk vm9, v6  }
0x106: {  	v13 =	vadd.s32 v63, v22;
	v12 =	vnsel vm2, $0x0, v12;
	vm3 =	vmand vm14, vm15;
	[tilespmem:v8+s19+$0x0] =	vst.idx.add.f32.msk vm6, v6  }
0x107: {  	v8 =	vnsel vm3, $0x0, v13;
	[tilespmem:v59+s19+$0x0] =	vst.idx.add.f32.msk vm10, v6  }
.Ltmp5:
0x108: {  	[tilespmem:v9+s19+$0x0] =	vst.idx.add.f32.msk vm4, v6;
	(pc) =	sbr.rel @p0 .LBB2_10-.Ltmp5, $4  }
0x109: {  	[tilespmem:v7+s19+$0x0] =	vst.idx.add.f32.msk vm0, v6  }
0x10a: {  	[tilespmem:v60+s19+$0x0] =	vst.idx.add.f32.msk vm1, v6  }
0x10b: {  	[tilespmem:v12+s19+$0x0] =	vst.idx.add.f32.msk vm2, v6  }
0x10c: {  	[tilespmem:v8+s19+$0x0] =	vst.idx.add.f32.msk vm3, v6  }
.Ltmp6:
0x10d: {  	s25 =	sadd.s32 $0xC00, s25;
	(pc) =	sbr.rel .LBB2_4-.Ltmp6, $4  }
0x10e: {  	s26 =	sadd.s32 s0, s25  }
0x10f: {  	[tilespmem:s15], [sflag:$0x3] =	stream.linear.gather [hbm4b:s26+s6], $0x2000, $0x38;
	[tilespmem:$0x18000] =	vst v63  }
0x110: {  	s24 =	sadd.s32 $0x1, s24;
	s25 =	sadd.s32 s1, s25  }
0x111: {  	[tilespmem:s16], [sflag:$0x4] =	stream.linear.gather [hbm4b:s25+s6], $0x2000, $0x38;
	[tilespmem:$0x18000] =	vst v63  }
.LBB2_10:
0x112: {  	s24 =	simm.s32 $0x0  }
0x113: {  	[tilespmem:s24], [sflag:$0x1] =	stream.linear.gather [hbm4b:s3+s24], $0x2000, $0x38;
	[tilespmem:$0x18000] =	vst v63  }
0x114: {  	_ = 	snop  }
0x115: {  	[tilespmem:s14], [sflag:$0x2] =	stream.linear.gather [hbm4b:s4+s24], $0x2000, $0x38;
	[tilespmem:$0x18000] =	vst v63  }
0x116: {  	_ = 	snop  }
0x117: {  	[tilespmem:s15], [sflag:$0x3] =	stream.linear.gather [hbm4b:s9+s24], $0x2000, $0x38;
	[tilespmem:$0x18000] =	vst v63  }
0x118: {  	_ = 	snop  }
0x119: {  	[tilespmem:s16], [sflag:$0x4] =	stream.linear.gather [hbm4b:s10+s24], $0x2000, $0x38;
	[tilespmem:$0x18000] =	vst v63  }
0x11a: {  	_ = 	snop  }
0x11b: {  	[hbm4b:s11+s24] =	stream.linear.scatter [tilespmem:s19], [sflag:$0x5], $0x10000, $0x38;
	[tilespmem:$0x18000] =	vst v63  }
0x11c: {  	_ =	swait.ge [sflag:s22], $0x10000  }
0x11d: {  	[sflag:s22] =	ssyncset.done $0x0  }
0x11e: {  	s25 =	simm.s32 $0x40;
	s26 =	simm.s32 $0x0;
	[sflag:s22] =	ssyncadd.s32 $0xFFFF0000  }
.LBB2_11:
0x11f: {  	p0 =	sne.s32 s25, $0x3FFC0;
	[tilespmem:s26+$0x8000] =	vst v5;
	s26 =	smov.u32 s25;
	s25 =	sadd.s32 $0x40, s25  }
.Ltmp7:
0x120: {  	(pc) =	sbr.rel @p0 .LBB2_11-.Ltmp7, $2  }
0x121: {  	_ =	sdelay $0x2  }
0x122: {  	s26 =	sshra.s32 s26, $0x2  }
0x123: {  	[tilespmem:s26+$0x8000] =	vst v5  }
.LBB2_13:
0x124: {  	_ =	swait.ge [sflag:s17], $0x2000  }
0x125: {  	[sflag:s17] =	ssyncset.done $0x0  }
0x126: {  	[sflag:s17] =	ssyncadd.s32 $0xFFFFE000  }
0x127: {  	_ =	swait.ge [sflag:s18], $0x2000  }
0x128: {  	[sflag:s18] =	ssyncset.done $0x0  }
0x129: {  	s25 =	simm.s32 $0x0;
	[sflag:s18] =	ssyncadd.s32 $0xFFFFE000  }
0x12a: {  	v9 =	vld [tilespmem:s25+$0x4040]  }
0x12b: {  	v7 =	vld [tilespmem:s25+$0x30]  }
0x12c: {  	v10 =	vld [tilespmem:s25+$0x4030]  }
0x12d: {  	v11 =	vld [tilespmem:s25+$0x20]  }
0x12e: {  	v12 =	vld [tilespmem:s25+$0x4020]  }
0x12f: {  	v13 =	vld [tilespmem:s25+$0x4010]  }
0x130: {  	v14 =	vld [tilespmem:s25+$0x10]  }
0x131: {  	v15 =	vld [tilespmem:s25+$0x0]  }
0x132: {  	v16 =	vld [tilespmem:s25+$0x4000]  }
0x133: {  	v23 =	vld [tilespmem:s25+$0x4050]  }
0x134: {  	v17 =	vld [tilespmem:s25+$0x50]  }
0x135: {  	v25 =	vld [tilespmem:s25+$0x4060];
	vm0 =	vge.s32 v12, v3;
	vm1 =	vlt.s32 v12, v4;
	v18 =	vadd.s32 v2, v11  }
0x136: {  	v24 =	vld [tilespmem:s25+$0x80];
	vm2 =	vge.s32 v13, v3;
	vm3 =	vlt.s32 v13, v4;
	v11 =	vshll.u32 v10, $0x8  }
0x137: {  	v19 =	vadd.s32 v2, v14;
	v21 =	vshll.u32 v12, $0x8;
	vm4 =	vlt.s32 v10, v4  }
0x138: {  	v8 =	vld [tilespmem:s25+$0x40];
	v7 =	vadd.s32 v2, v7;
	v27 =	vadd.s32 v2, v15;
	v14 =	vshll.u32 v9, $0x8  }
0x139: {  	v26 =	vld [tilespmem:s25+$0x70];
	v28 =	vadd.s32 v2, v17;
	v29 =	vshll.u32 v16, $0x8;
	v30 =	vshll.u32 v23, $0x8  }
0x13a: {  	v22 =	vld [tilespmem:s25+$0x4080];
	vm5 =	vge.s32 v16, v3;
	vm6 =	vlt.s32 v23, v4;
	vm7 =	vge.s32 v25, v3  }
0x13b: {  	v15 =	vld [tilespmem:s25+$0x60];
	vm8 =	vge.s32 v23, v3;
	v24 =	vadd.s32 v2, v24;
	vm0 =	vmand vm0, vm1  }
0x13c: {  	v17 =	vld [tilespmem:s25+$0xA0];
	vm1 =	vge.s32 v10, v3;
	v7 =	vadd.s32 v11, v7;
	v11 =	vshll.u32 v13, $0x8  }
0x13d: {  	v10 =	vadd.s32 v2, v8;
	v13 =	vld [tilespmem:s25+$0x4070];
	v23 =	vadd.s32 v30, v28;
	v27 =	vadd.s32 v29, v27  }
0x13e: {  	v12 =	vld [tilespmem:s25+$0x4090];
	vm1 =	vmand vm1, vm4;
	vm4 =	vmand vm2, vm3;
	vm2 =	vlt.s32 v9, v4  }
0x13f: {  	v8 =	vadd.s32 v11, v19;
	vm3 =	vge.s32 v9, v3;
	v11 =	vld [tilespmem:s25+$0x40A0];
	v9 =	vadd.s32 v21, v18  }
0x140: {  	v21 =	vshll.u32 v25, $0x8;
	v19 =	vld [tilespmem:s25+$0xB0];
	vm2 =	vmand vm3, vm2;
	vm3 =	vlt.s32 v25, v4  }
0x141: {  	v18 =	vadd.s32 v2, v26;
	v7 =	vnsel vm1, $0x0, v7;
	v25 =	vld [tilespmem:s25+$0x90];
	vm3 =	vmand vm7, vm3  }
0x142: {  	vm7 =	vlt.s32 v16, v4;
	v16 =	vld [tilespmem:s25+$0x40B0];
	v20 =	vadd.s32 v2, v15;
	v15 =	vshll.u32 v13, $0x8  }
0x143: {  	v8 =	vnsel vm4, $0x0, v8;
	vm7 =	vmand vm5, vm7;
	v26 =	vadd.s32 v15, v18;
	v18 =	vld [tilespmem:s25+$0xC0]  }
0x144: {  	vm5 =	vge.s32 v13, v3;
	vm9 =	vlt.s32 v13, v4;
	v13 =	vshll.u32 v22, $0x8;
	v15 =	vld [tilespmem:s25+$0x40C0]  }
0x145: {  	s26 =	simm.s32 $0x400;
	v9 =	vnsel vm0, $0x0, v9;
	vm5 =	vmand vm5, vm9;
	v24 =	vadd.s32 v13, v24;
	v13 =	vld [tilespmem:s25+$0xD0]  }
.LBB2_14:
0x146: {  	p0 =	sne.s32 s26, $0x7C00;
	v27 =	vnsel vm7, $0x0, v27;
	vm9 =	vlt.s32 v22, v4;
	v25 =	vadd.s32 v2, v25;
	v28 =	vld [tilespmem:s25+$0x40D0];
	s28 =	smov.u32 s26;
	s26 =	sadd.s32 $0x400, s26  }
0x147: {  	vm12 =	vlt.s32 v12, v4;
	v29 =	vshll.u32 v12, $0x8;
	v30 =	vshll.u32 v11, $0x8;
	v31 =	vld [tilespmem:s25+$0x40F0]  }
0x148: {  	v10 =	vadd.s32 v14, v10;
	v14 =	vnsel vm5, $0x0, v26;
	vm10 =	vge.s32 v22, v3;
	v22 =	vld [tilespmem:s25+$0xF0]  }
0x149: {  	v17 =	vadd.s32 v2, v17;
	vm9 =	vmand vm10, vm9;
	vm10 =	vge.s32 v11, v3;
	v26 =	vld [tilespmem:s25+$0x40E0]  }
0x14a: {  	v20 =	vadd.s32 v21, v20;
	vm11 =	vlt.s32 v11, v4;
	v11 =	vadd.s32 v30, v17;
	v17 =	vld [tilespmem:s25+$0xE0]  }
0x14b: {  	vm6 =	vmand vm8, vm6;
	v21 =	vadd.s32 v29, v25;
	v25 =	vshll.u32 v15, $0x8;
	[tilespmem:v27+s19+$0x0] =	vst.idx.add.f32.msk vm7, v6  }
0x14c: {  	v23 =	vnsel vm6, $0x0, v23;
	vm7 =	vge.s32 v12, v3;
	v12 =	vadd.s32 v2, v19;
	[tilespmem:v8+s19+$0x0] =	vst.idx.add.f32.msk vm4, v6  }
0x14d: {  	v19 =	vshll.u32 v16, $0x8;
	v8 =	vnsel vm9, $0x0, v24;
	v22 =	vadd.s32 v2, v22;
	[tilespmem:v9+s19+$0x0] =	vst.idx.add.f32.msk vm0, v6  }
0x14e: {  	v18 =	vadd.s32 v2, v18;
	v9 =	vnsel vm3, $0x0, v20;
	vm0 =	vmand vm7, vm12;
	[tilespmem:v7+s19+$0x0] =	vst.idx.add.f32.msk vm1, v6  }
0x14f: {  	vm4 =	vge.s32 v15, v3;
	v7 =	vnsel vm2, $0x0, v10;
	v10 =	vadd.s32 v25, v18  }
0x150: {  	vm7 =	vlt.s32 v16, v4;
	vm1 =	vge.s32 v16, v3;
	v16 =	vshll.u32 v28, $0x8  }
0x151: {  	v18 =	vnsel vm0, $0x0, v21;
	vm1 =	vmand vm1, vm7;
	vm7 =	vlt.s32 v15, v4  }
0x152: {  	v12 =	vadd.s32 v19, v12;
	vm4 =	vmand vm4, vm7;
	vm7 =	vge.s32 v28, v3  }
0x153: {  	v13 =	vadd.s32 v2, v13;
	vm8 =	vlt.s32 v28, v4;
	v10 =	vnsel vm4, $0x0, v10  }
0x154: {  	vm10 =	vmand vm10, vm11;
	v13 =	vadd.s32 v16, v13;
	vm7 =	vmand vm7, vm8;
	[tilespmem:v7+s19+$0x0] =	vst.idx.add.f32.msk vm2, v6  }
0x155: {  	v7 =	vnsel vm10, $0x0, v11;
	v11 =	vnsel vm1, $0x0, v12;
	v12 =	vnsel vm7, $0x0, v13;
	[tilespmem:v23+s19+$0x0] =	vst.idx.add.f32.msk vm6, v6  }
0x156: {  	v15 =	vadd.s32 v2, v17;
	vm2 =	vlt.s32 v26, v4;
	v13 =	vshll.u32 v26, $0x8;
	[tilespmem:v9+s19+$0x0] =	vst.idx.add.f32.msk vm3, v6  }
0x157: {  	vm3 =	vge.s32 v26, v3;
	v9 =	vadd.s32 v13, v15;
	v13 =	vshll.u32 v31, $0x8;
	[tilespmem:v14+s19+$0x0] =	vst.idx.add.f32.msk vm5, v6  }
0x158: {  	vm2 =	vmand vm3, vm2;
	vm3 =	vge.s32 v31, v3;
	vm5 =	vlt.s32 v31, v4;
	[tilespmem:v8+s19+$0x0] =	vst.idx.add.f32.msk vm9, v6  }
0x159: {  	v8 =	vnsel vm2, $0x0, v9;
	vm3 =	vmand vm3, vm5;
	v9 =	vadd.s32 v13, v22;
	[tilespmem:v18+s19+$0x0] =	vst.idx.add.f32.msk vm0, v6  }
0x15a: {  	v9 =	vnsel vm3, $0x0, v9;
	[tilespmem:v7+s19+$0x0] =	vst.idx.add.f32.msk vm10, v6  }
0x15b: {  	[tilespmem:v11+s19+$0x0] =	vst.idx.add.f32.msk vm1, v6  }
0x15c: {  	[tilespmem:v10+s19+$0x0] =	vst.idx.add.f32.msk vm4, v6  }
0x15d: {  	[tilespmem:v12+s19+$0x0] =	vst.idx.add.f32.msk vm7, v6  }
0x15e: {  	[tilespmem:v8+s19+$0x0] =	vst.idx.add.f32.msk vm2, v6  }
0x15f: {  	[tilespmem:v9+s19+$0x0] =	vst.idx.add.f32.msk vm3, v6  }
0x160: {  	s25 =	sshra.s32 s28, $0x2  }
0x161: {  	v8 =	vld [tilespmem:s25+$0x40]  }
0x162: {  	v9 =	vld [tilespmem:s25+$0x4040]  }
0x163: {  	v7 =	vld [tilespmem:s25+$0x30]  }
0x164: {  	v10 =	vld [tilespmem:s25+$0x4030]  }
0x165: {  	v11 =	vld [tilespmem:s25+$0x20]  }
0x166: {  	v12 =	vld [tilespmem:s25+$0x4020]  }
0x167: {  	v13 =	vld [tilespmem:s25+$0x4010]  }
0x168: {  	v14 =	vld [tilespmem:s25+$0x10]  }
0x169: {  	v15 =	vld [tilespmem:s25+$0x0]  }
0x16a: {  	v16 =	vld [tilespmem:s25+$0x4000]  }
0x16b: {  	v18 =	vadd.s32 v2, v11;
	vm0 =	vge.s32 v12, v3;
	vm1 =	vlt.s32 v12, v4;
	v23 =	vld [tilespmem:s25+$0x4050]  }
0x16c: {  	v11 =	vshll.u32 v10, $0x8;
	vm2 =	vge.s32 v13, v3;
	vm3 =	vlt.s32 v13, v4;
	v17 =	vld [tilespmem:s25+$0x50]  }
0x16d: {  	vm4 =	vlt.s32 v10, v4;
	v21 =	vshll.u32 v12, $0x8;
	v19 =	vadd.s32 v2, v14;
	v24 =	vld [tilespmem:s25+$0x80]  }
0x16e: {  	v7 =	vadd.s32 v2, v7;
	vm0 =	vmand vm0, vm1;
	vm1 =	vge.s32 v10, v3;
	v25 =	vld [tilespmem:s25+$0x4060]  }
0x16f: {  	v7 =	vadd.s32 v11, v7;
	vm1 =	vmand vm1, vm4;
	v27 =	vadd.s32 v2, v15;
	v15 =	vld [tilespmem:s25+$0x60]  }
0x170: {  	v11 =	vshll.u32 v13, $0x8;
	v10 =	vadd.s32 v2, v8;
	v7 =	vnsel vm1, $0x0, v7;
	v13 =	vld [tilespmem:s25+$0x4070]  }
0x171: {  	vm4 =	vmand vm2, vm3;
	vm2 =	vlt.s32 v9, v4;
	v14 =	vshll.u32 v9, $0x8;
	v26 =	vld [tilespmem:s25+$0x70]  }
0x172: {  	vm3 =	vge.s32 v9, v3;
	v8 =	vadd.s32 v11, v19;
	v28 =	vadd.s32 v2, v17;
	v11 =	vld [tilespmem:s25+$0x40A0]  }
0x173: {  	vm2 =	vmand vm3, vm2;
	v29 =	vshll.u32 v16, $0x8;
	v30 =	vshll.u32 v23, $0x8;
	v17 =	vld [tilespmem:s25+$0xA0]  }
0x174: {  	vm5 =	vge.s32 v16, v3;
	vm6 =	vlt.s32 v23, v4;
	vm3 =	vlt.s32 v25, v4;
	v12 =	vld [tilespmem:s25+$0x4090]  }
0x175: {  	v8 =	vnsel vm4, $0x0, v8;
	vm7 =	vge.s32 v25, v3;
	v20 =	vadd.s32 v2, v15;
	v22 =	vld [tilespmem:s25+$0x4080]  }
0x176: {  	v9 =	vadd.s32 v21, v18;
	v21 =	vshll.u32 v25, $0x8;
	vm3 =	vmand vm7, vm3;
	v25 =	vld [tilespmem:s25+$0x90]  }
.Ltmp8:
0x177: {  	v9 =	vnsel vm0, $0x0, v9;
	v15 =	vshll.u32 v13, $0x8;
	v18 =	vadd.s32 v2, v26;
	v19 =	vld [tilespmem:s25+$0xB0];
	(pc) =	sbr.rel @p0 .LBB2_14-.Ltmp8, $4  }
0x178: {  	vm8 =	vge.s32 v23, v3;
	vm7 =	vlt.s32 v16, v4;
	v26 =	vadd.s32 v15, v18;
	v18 =	vld [tilespmem:s25+$0xC0]  }
0x179: {  	vm7 =	vmand vm5, vm7;
	vm5 =	vge.s32 v13, v3;
	vm9 =	vlt.s32 v13, v4;
	v16 =	vld [tilespmem:s25+$0x40B0]  }
0x17a: {  	v23 =	vadd.s32 v30, v28;
	v24 =	vadd.s32 v2, v24;
	v13 =	vshll.u32 v22, $0x8;
	v15 =	vld [tilespmem:s25+$0x40C0]  }
0x17b: {  	v27 =	vadd.s32 v29, v27;
	vm5 =	vmand vm5, vm9;
	v24 =	vadd.s32 v13, v24;
	v13 =	vld [tilespmem:s25+$0xD0]  }
0x17c: {  	v27 =	vnsel vm7, $0x0, v27;
	vm9 =	vlt.s32 v22, v4;
	v25 =	vadd.s32 v2, v25  }
0x17d: {  	vm12 =	vlt.s32 v12, v4;
	v28 =	vshll.u32 v12, $0x8;
	v29 =	vshll.u32 v11, $0x8  }
0x17e: {  	v10 =	vadd.s32 v14, v10;
	v14 =	vnsel vm5, $0x0, v26;
	vm10 =	vge.s32 v22, v3  }
0x17f: {  	v17 =	vadd.s32 v2, v17;
	v20 =	vadd.s32 v21, v20;
	vm11 =	vlt.s32 v11, v4  }
0x180: {  	vm8 =	vmand vm8, vm6;
	vm6 =	vge.s32 v12, v3;
	v12 =	vadd.s32 v2, v19  }
0x181: {  	v22 =	vld [tilespmem:s25+$0xF0];
	vm9 =	vmand vm10, vm9;
	vm10 =	vge.s32 v11, v3;
	v11 =	vadd.s32 v29, v17  }
0x182: {  	v17 =	vld [tilespmem:s25+$0x40D0];
	v21 =	vadd.s32 v28, v25;
	v23 =	vnsel vm8, $0x0, v23;
	v20 =	vnsel vm3, $0x0, v20  }
0x183: {  	v19 =	vld [tilespmem:s25+$0x40F0];
	vm6 =	vmand vm6, vm12;
	v18 =	vadd.s32 v2, v18;
	v10 =	vnsel vm2, $0x0, v10  }
0x184: {  	v29 =	vld [tilespmem:s25+$0xE0];
	v24 =	vnsel vm9, $0x0, v24;
	v26 =	vshll.u32 v16, $0x8;
	v25 =	vshll.u32 v15, $0x8  }
0x185: {  	v28 =	vld [tilespmem:s25+$0x40E0];
	vm13 =	vlt.s32 v16, v4;
	vm12 =	vge.s32 v15, v3;
	v18 =	vadd.s32 v25, v18  }
0x186: {  	vm10 =	vmand vm10, vm11;
	v22 =	vadd.s32 v2, v22;
	[tilespmem:v27+s19+$0x0] =	vst.idx.add.f32.msk vm7, v6;
	vm7 =	vge.s32 v16, v3  }
0x187: {  	v16 =	vshll.u32 v17, $0x8;
	[tilespmem:v8+s19+$0x0] =	vst.idx.add.f32.msk vm4, v6;
	vm4 =	vmand vm7, vm13;
	vm7 =	vlt.s32 v15, v4  }
0x188: {  	[tilespmem:v9+s19+$0x0] =	vst.idx.add.f32.msk vm0, v6;
	v9 =	vadd.s32 v26, v12;
	vm0 =	vmand vm12, vm7;
	vm7 =	vge.s32 v17, v3  }
0x189: {  	v8 =	vnsel vm6, $0x0, v21;
	v12 =	vadd.s32 v2, v13;
	v13 =	vadd.s32 v2, v29;
	[tilespmem:v7+s19+$0x0] =	vst.idx.add.f32.msk vm1, v6  }
0x18a: {  	v7 =	vnsel vm0, $0x0, v18;
	vm1 =	vlt.s32 v17, v4;
	v12 =	vadd.s32 v16, v12;
	[tilespmem:v10+s19+$0x0] =	vst.idx.add.f32.msk vm2, v6  }
0x18b: {  	v9 =	vnsel vm4, $0x0, v9;
	vm1 =	vmand vm7, vm1;
	v10 =	vnsel vm10, $0x0, v11;
	[tilespmem:v23+s19+$0x0] =	vst.idx.add.f32.msk vm8, v6  }
0x18c: {  	vm2 =	vlt.s32 v28, v4;
	v11 =	vnsel vm1, $0x0, v12;
	v12 =	vshll.u32 v28, $0x8;
	[tilespmem:v20+s19+$0x0] =	vst.idx.add.f32.msk vm3, v6  }
0x18d: {  	vm3 =	vge.s32 v28, v3;
	v12 =	vadd.s32 v12, v13;
	v13 =	vshll.u32 v19, $0x8;
	[tilespmem:v14+s19+$0x0] =	vst.idx.add.f32.msk vm5, v6  }
0x18e: {  	vm2 =	vmand vm3, vm2;
	vm3 =	vge.s32 v19, v3;
	vm5 =	vlt.s32 v19, v4;
	[tilespmem:v24+s19+$0x0] =	vst.idx.add.f32.msk vm9, v6  }
0x18f: {  	v13 =	vadd.s32 v13, v22;
	v12 =	vnsel vm2, $0x0, v12;
	vm3 =	vmand vm3, vm5;
	[tilespmem:v8+s19+$0x0] =	vst.idx.add.f32.msk vm6, v6  }
0x190: {  	v8 =	vnsel vm3, $0x0, v13;
	[tilespmem:v10+s19+$0x0] =	vst.idx.add.f32.msk vm10, v6  }
0x191: {  	[tilespmem:v9+s19+$0x0] =	vst.idx.add.f32.msk vm4, v6  }
0x192: {  	[tilespmem:v7+s19+$0x0] =	vst.idx.add.f32.msk vm0, v6  }
0x193: {  	p0 =	seq.s32 s24, $0xF;
	s25 =	sshll.u32 s24, $0xB;
	[tilespmem:v11+s19+$0x0] =	vst.idx.add.f32.msk vm1, v6  }
0x194: {  	s26 =	sadd.s32 @!p0 $0x800, s25;
	[tilespmem:v12+s19+$0x0] =	vst.idx.add.f32.msk vm2, v6  }
0x195: {  	s29 =	simm.s32 @!p0 $0x0;
	s28 =	sadd.s32 @!p0 s3, s26;
	[tilespmem:v8+s19+$0x0] =	vst.idx.add.f32.msk vm3, v6  }
0x196: {  	[tilespmem:s29], [sflag:$0x1] =	stream.linear.gather @!p0 [hbm4b:s28+s29], $0x2000, $0x38;
	[tilespmem:$0x18000] =	vst v63  }
0x197: {  	s26 =	sadd.s32 @!p0 s4, s26;
	s28 =	simm.s32 @!p0 $0x4000  }
0x198: {  	[tilespmem:s28], [sflag:$0x2] =	stream.linear.gather @!p0 [hbm4b:s26+s29], $0x2000, $0x38;
	[tilespmem:$0x18000] =	vst v63  }
0x199: {  	_ =	swait.ge [sflag:s20], $0x2000  }
0x19a: {  	[sflag:s20] =	ssyncset.done $0x0  }
0x19b: {  	[sflag:s20] =	ssyncadd.s32 $0xFFFFE000  }
0x19c: {  	_ =	swait.ge [sflag:s21], $0x2000  }
0x19d: {  	[sflag:s21] =	ssyncset.done $0x0  }
0x19e: {  	s26 =	simm.s32 $0x0;
	[sflag:s21] =	ssyncadd.s32 $0xFFFFE000  }
0x19f: {  	v9 =	vld [tilespmem:s26+$0x6040]  }
0x1a0: {  	v7 =	vld [tilespmem:s26+$0x2030]  }
0x1a1: {  	v10 =	vld [tilespmem:s26+$0x6030]  }
0x1a2: {  	v11 =	vld [tilespmem:s26+$0x2020]  }
0x1a3: {  	v12 =	vld [tilespmem:s26+$0x6020]  }
0x1a4: {  	v13 =	vld [tilespmem:s26+$0x6010]  }
0x1a5: {  	v14 =	vld [tilespmem:s26+$0x2010]  }
0x1a6: {  	v15 =	vld [tilespmem:s26+$0x2000]  }
0x1a7: {  	v16 =	vld [tilespmem:s26+$0x6000]  }
0x1a8: {  	v23 =	vld [tilespmem:s26+$0x6050]  }
0x1a9: {  	v17 =	vld [tilespmem:s26+$0x2050]  }
0x1aa: {  	v25 =	vld [tilespmem:s26+$0x6060];
	vm0 =	vge.s32 v12, v3;
	vm1 =	vlt.s32 v12, v4;
	v18 =	vadd.s32 v2, v11  }
0x1ab: {  	v24 =	vld [tilespmem:s26+$0x2080];
	vm2 =	vge.s32 v13, v3;
	vm3 =	vlt.s32 v13, v4;
	v11 =	vshll.u32 v10, $0x8  }
0x1ac: {  	v19 =	vadd.s32 v2, v14;
	v21 =	vshll.u32 v12, $0x8;
	vm4 =	vlt.s32 v10, v4  }
0x1ad: {  	v8 =	vld [tilespmem:s26+$0x2040];
	v7 =	vadd.s32 v2, v7;
	v27 =	vadd.s32 v2, v15;
	v14 =	vshll.u32 v9, $0x8  }
0x1ae: {  	v26 =	vld [tilespmem:s26+$0x2070];
	v28 =	vadd.s32 v2, v17;
	v29 =	vshll.u32 v16, $0x8;
	v30 =	vshll.u32 v23, $0x8  }
0x1af: {  	v22 =	vld [tilespmem:s26+$0x6080];
	vm5 =	vge.s32 v16, v3;
	vm6 =	vlt.s32 v23, v4;
	vm7 =	vge.s32 v25, v3  }
0x1b0: {  	v15 =	vld [tilespmem:s26+$0x2060];
	vm8 =	vge.s32 v23, v3;
	v24 =	vadd.s32 v2, v24;
	vm0 =	vmand vm0, vm1  }
0x1b1: {  	v17 =	vld [tilespmem:s26+$0x20A0];
	vm1 =	vge.s32 v10, v3;
	v7 =	vadd.s32 v11, v7;
	v11 =	vshll.u32 v13, $0x8  }
0x1b2: {  	v10 =	vadd.s32 v2, v8;
	v13 =	vld [tilespmem:s26+$0x6070];
	v23 =	vadd.s32 v30, v28;
	v27 =	vadd.s32 v29, v27  }
0x1b3: {  	v12 =	vld [tilespmem:s26+$0x6090];
	vm1 =	vmand vm1, vm4;
	vm4 =	vmand vm2, vm3;
	vm2 =	vlt.s32 v9, v4  }
0x1b4: {  	v8 =	vadd.s32 v11, v19;
	vm3 =	vge.s32 v9, v3;
	v11 =	vld [tilespmem:s26+$0x60A0];
	v9 =	vadd.s32 v21, v18  }
0x1b5: {  	v21 =	vshll.u32 v25, $0x8;
	v19 =	vld [tilespmem:s26+$0x20B0];
	vm2 =	vmand vm3, vm2;
	vm3 =	vlt.s32 v25, v4  }
0x1b6: {  	v18 =	vadd.s32 v2, v26;
	v7 =	vnsel vm1, $0x0, v7;
	v25 =	vld [tilespmem:s26+$0x2090];
	vm3 =	vmand vm7, vm3  }
0x1b7: {  	vm7 =	vlt.s32 v16, v4;
	v16 =	vld [tilespmem:s26+$0x60B0];
	v20 =	vadd.s32 v2, v15;
	v15 =	vshll.u32 v13, $0x8  }
0x1b8: {  	v8 =	vnsel vm4, $0x0, v8;
	vm7 =	vmand vm5, vm7;
	v26 =	vadd.s32 v15, v18;
	v18 =	vld [tilespmem:s26+$0x20C0]  }
0x1b9: {  	vm5 =	vge.s32 v13, v3;
	vm9 =	vlt.s32 v13, v4;
	v13 =	vshll.u32 v22, $0x8;
	v15 =	vld [tilespmem:s26+$0x60C0]  }
0x1ba: {  	s28 =	simm.s32 $0x400;
	v9 =	vnsel vm0, $0x0, v9;
	vm5 =	vmand vm5, vm9;
	v24 =	vadd.s32 v13, v24;
	v13 =	vld [tilespmem:s26+$0x20D0]  }
.LBB2_16:
0x1bb: {  	p1 =	sne.s32 s28, $0x7C00;
	v27 =	vnsel vm7, $0x0, v27;
	vm9 =	vlt.s32 v22, v4;
	v25 =	vadd.s32 v2, v25;
	v28 =	vld [tilespmem:s26+$0x60D0];
	s29 =	smov.u32 s28;
	s28 =	sadd.s32 $0x400, s28  }
0x1bc: {  	vm12 =	vlt.s32 v12, v4;
	v29 =	vshll.u32 v12, $0x8;
	v30 =	vshll.u32 v11, $0x8;
	v31 =	vld [tilespmem:s26+$0x60F0]  }
0x1bd: {  	v10 =	vadd.s32 v14, v10;
	v14 =	vnsel vm5, $0x0, v26;
	vm10 =	vge.s32 v22, v3;
	v22 =	vld [tilespmem:s26+$0x20F0]  }
0x1be: {  	v17 =	vadd.s32 v2, v17;
	vm9 =	vmand vm10, vm9;
	vm10 =	vge.s32 v11, v3;
	v26 =	vld [tilespmem:s26+$0x60E0]  }
0x1bf: {  	v20 =	vadd.s32 v21, v20;
	vm11 =	vlt.s32 v11, v4;
	v11 =	vadd.s32 v30, v17;
	v17 =	vld [tilespmem:s26+$0x20E0]  }
0x1c0: {  	vm6 =	vmand vm8, vm6;
	v21 =	vadd.s32 v29, v25;
	v25 =	vshll.u32 v15, $0x8;
	[tilespmem:v27+s19+$0x0] =	vst.idx.add.f32.msk vm7, v6  }
0x1c1: {  	v23 =	vnsel vm6, $0x0, v23;
	vm7 =	vge.s32 v12, v3;
	v12 =	vadd.s32 v2, v19;
	[tilespmem:v8+s19+$0x0] =	vst.idx.add.f32.msk vm4, v6  }
0x1c2: {  	v19 =	vshll.u32 v16, $0x8;
	v8 =	vnsel vm9, $0x0, v24;
	v22 =	vadd.s32 v2, v22;
	[tilespmem:v9+s19+$0x0] =	vst.idx.add.f32.msk vm0, v6  }
0x1c3: {  	v18 =	vadd.s32 v2, v18;
	v9 =	vnsel vm3, $0x0, v20;
	vm0 =	vmand vm7, vm12;
	[tilespmem:v7+s19+$0x0] =	vst.idx.add.f32.msk vm1, v6  }
0x1c4: {  	vm4 =	vge.s32 v15, v3;
	v7 =	vnsel vm2, $0x0, v10;
	v10 =	vadd.s32 v25, v18  }
0x1c5: {  	vm7 =	vlt.s32 v16, v4;
	vm1 =	vge.s32 v16, v3;
	v16 =	vshll.u32 v28, $0x8  }
0x1c6: {  	v18 =	vnsel vm0, $0x0, v21;
	vm1 =	vmand vm1, vm7;
	vm7 =	vlt.s32 v15, v4  }
0x1c7: {  	v12 =	vadd.s32 v19, v12;
	vm4 =	vmand vm4, vm7;
	vm7 =	vge.s32 v28, v3  }
0x1c8: {  	v13 =	vadd.s32 v2, v13;
	vm8 =	vlt.s32 v28, v4;
	v10 =	vnsel vm4, $0x0, v10  }
0x1c9: {  	vm10 =	vmand vm10, vm11;
	v13 =	vadd.s32 v16, v13;
	vm7 =	vmand vm7, vm8;
	[tilespmem:v7+s19+$0x0] =	vst.idx.add.f32.msk vm2, v6  }
0x1ca: {  	v7 =	vnsel vm10, $0x0, v11;
	v11 =	vnsel vm1, $0x0, v12;
	v12 =	vnsel vm7, $0x0, v13;
	[tilespmem:v23+s19+$0x0] =	vst.idx.add.f32.msk vm6, v6  }
0x1cb: {  	v15 =	vadd.s32 v2, v17;
	vm2 =	vlt.s32 v26, v4;
	v13 =	vshll.u32 v26, $0x8;
	[tilespmem:v9+s19+$0x0] =	vst.idx.add.f32.msk vm3, v6  }
0x1cc: {  	vm3 =	vge.s32 v26, v3;
	v9 =	vadd.s32 v13, v15;
	v13 =	vshll.u32 v31, $0x8;
	[tilespmem:v14+s19+$0x0] =	vst.idx.add.f32.msk vm5, v6  }
0x1cd: {  	vm2 =	vmand vm3, vm2;
	vm3 =	vge.s32 v31, v3;
	vm5 =	vlt.s32 v31, v4;
	[tilespmem:v8+s19+$0x0] =	vst.idx.add.f32.msk vm9, v6  }
0x1ce: {  	v8 =	vnsel vm2, $0x0, v9;
	vm3 =	vmand vm3, vm5;
	v9 =	vadd.s32 v13, v22;
	[tilespmem:v18+s19+$0x0] =	vst.idx.add.f32.msk vm0, v6  }
0x1cf: {  	v9 =	vnsel vm3, $0x0, v9;
	[tilespmem:v7+s19+$0x0] =	vst.idx.add.f32.msk vm10, v6  }
0x1d0: {  	[tilespmem:v11+s19+$0x0] =	vst.idx.add.f32.msk vm1, v6  }
0x1d1: {  	[tilespmem:v10+s19+$0x0] =	vst.idx.add.f32.msk vm4, v6  }
0x1d2: {  	[tilespmem:v12+s19+$0x0] =	vst.idx.add.f32.msk vm7, v6  }
0x1d3: {  	[tilespmem:v8+s19+$0x0] =	vst.idx.add.f32.msk vm2, v6  }
0x1d4: {  	[tilespmem:v9+s19+$0x0] =	vst.idx.add.f32.msk vm3, v6  }
0x1d5: {  	s26 =	sshra.s32 s29, $0x2  }
0x1d6: {  	v8 =	vld [tilespmem:s26+$0x2040]  }
0x1d7: {  	v9 =	vld [tilespmem:s26+$0x6040]  }
0x1d8: {  	v7 =	vld [tilespmem:s26+$0x2030]  }
0x1d9: {  	v10 =	vld [tilespmem:s26+$0x6030]  }
0x1da: {  	v11 =	vld [tilespmem:s26+$0x2020]  }
0x1db: {  	v12 =	vld [tilespmem:s26+$0x6020]  }
0x1dc: {  	v13 =	vld [tilespmem:s26+$0x6010]  }
0x1dd: {  	v14 =	vld [tilespmem:s26+$0x2010]  }
0x1de: {  	v15 =	vld [tilespmem:s26+$0x2000]  }
0x1df: {  	v16 =	vld [tilespmem:s26+$0x6000]  }
0x1e0: {  	v18 =	vadd.s32 v2, v11;
	vm0 =	vge.s32 v12, v3;
	vm1 =	vlt.s32 v12, v4;
	v23 =	vld [tilespmem:s26+$0x6050]  }
0x1e1: {  	v11 =	vshll.u32 v10, $0x8;
	vm2 =	vge.s32 v13, v3;
	vm3 =	vlt.s32 v13, v4;
	v17 =	vld [tilespmem:s26+$0x2050]  }
0x1e2: {  	vm4 =	vlt.s32 v10, v4;
	v21 =	vshll.u32 v12, $0x8;
	v19 =	vadd.s32 v2, v14;
	v24 =	vld [tilespmem:s26+$0x2080]  }
0x1e3: {  	v7 =	vadd.s32 v2, v7;
	vm0 =	vmand vm0, vm1;
	vm1 =	vge.s32 v10, v3;
	v25 =	vld [tilespmem:s26+$0x6060]  }
0x1e4: {  	v7 =	vadd.s32 v11, v7;
	vm1 =	vmand vm1, vm4;
	v27 =	vadd.s32 v2, v15;
	v15 =	vld [tilespmem:s26+$0x2060]  }
0x1e5: {  	v11 =	vshll.u32 v13, $0x8;
	v10 =	vadd.s32 v2, v8;
	v7 =	vnsel vm1, $0x0, v7;
	v13 =	vld [tilespmem:s26+$0x6070]  }
0x1e6: {  	vm4 =	vmand vm2, vm3;
	vm2 =	vlt.s32 v9, v4;
	v14 =	vshll.u32 v9, $0x8;
	v26 =	vld [tilespmem:s26+$0x2070]  }
0x1e7: {  	vm3 =	vge.s32 v9, v3;
	v8 =	vadd.s32 v11, v19;
	v28 =	vadd.s32 v2, v17;
	v11 =	vld [tilespmem:s26+$0x60A0]  }
0x1e8: {  	vm2 =	vmand vm3, vm2;
	v29 =	vshll.u32 v16, $0x8;
	v30 =	vshll.u32 v23, $0x8;
	v17 =	vld [tilespmem:s26+$0x20A0]  }
0x1e9: {  	vm5 =	vge.s32 v16, v3;
	vm6 =	vlt.s32 v23, v4;
	vm3 =	vlt.s32 v25, v4;
	v12 =	vld [tilespmem:s26+$0x6090]  }
0x1ea: {  	v8 =	vnsel vm4, $0x0, v8;
	vm7 =	vge.s32 v25, v3;
	v20 =	vadd.s32 v2, v15;
	v22 =	vld [tilespmem:s26+$0x6080]  }
0x1eb: {  	v9 =	vadd.s32 v21, v18;
	v21 =	vshll.u32 v25, $0x8;
	vm3 =	vmand vm7, vm3;
	v25 =	vld [tilespmem:s26+$0x2090]  }
.Ltmp9:
0x1ec: {  	v9 =	vnsel vm0, $0x0, v9;
	v15 =	vshll.u32 v13, $0x8;
	v18 =	vadd.s32 v2, v26;
	v19 =	vld [tilespmem:s26+$0x20B0];
	(pc) =	sbr.rel @p1 .LBB2_16-.Ltmp9, $4  }
0x1ed: {  	vm8 =	vge.s32 v23, v3;
	vm7 =	vlt.s32 v16, v4;
	v26 =	vadd.s32 v15, v18;
	v18 =	vld [tilespmem:s26+$0x20C0]  }
0x1ee: {  	vm7 =	vmand vm5, vm7;
	vm5 =	vge.s32 v13, v3;
	vm9 =	vlt.s32 v13, v4;
	v16 =	vld [tilespmem:s26+$0x60B0]  }
0x1ef: {  	v23 =	vadd.s32 v30, v28;
	v24 =	vadd.s32 v2, v24;
	v13 =	vshll.u32 v22, $0x8;
	v15 =	vld [tilespmem:s26+$0x60C0]  }
0x1f0: {  	v27 =	vadd.s32 v29, v27;
	vm5 =	vmand vm5, vm9;
	v24 =	vadd.s32 v13, v24;
	v13 =	vld [tilespmem:s26+$0x20D0]  }
0x1f1: {  	v27 =	vnsel vm7, $0x0, v27;
	vm9 =	vlt.s32 v22, v4;
	v25 =	vadd.s32 v2, v25  }
0x1f2: {  	vm12 =	vlt.s32 v12, v4;
	v28 =	vshll.u32 v12, $0x8;
	v29 =	vshll.u32 v11, $0x8  }
0x1f3: {  	v10 =	vadd.s32 v14, v10;
	v45 =	vnsel vm5, $0x0, v26;
	vm10 =	vge.s32 v22, v3  }
0x1f4: {  	v17 =	vadd.s32 v2, v17;
	v20 =	vadd.s32 v21, v20;
	vm11 =	vlt.s32 v11, v4  }
0x1f5: {  	v46 =	vld [tilespmem:s26+$0x20F0];
	vm8 =	vmand vm8, vm6;
	vm15 =	vge.s32 v12, v3;
	v51 =	vadd.s32 v2, v19  }
0x1f6: {  	v48 =	vld [tilespmem:s26+$0x60D0];
	vm9 =	vmand vm10, vm9;
	vm10 =	vge.s32 v11, v3;
	v47 =	vadd.s32 v29, v17  }
0x1f7: {  	v52 =	vld [tilespmem:s26+$0x60F0];
	v49 =	vadd.s32 v28, v25;
	v23 =	vnsel vm8, $0x0, v23;
	v20 =	vnsel vm3, $0x0, v20  }
0x1f8: {  	v54 =	vld [tilespmem:s26+$0x60E0];
	vm6 =	vmand vm15, vm12;
	v18 =	vadd.s32 v2, v18;
	v10 =	vnsel vm2, $0x0, v10  }
0x1f9: {  	v55 =	vld [tilespmem:s26+$0x20E0];
	v24 =	vnsel vm9, $0x0, v24;
	v53 =	vshll.u32 v16, $0x8;
	vm13 =	vlt.s32 v16, v4  }
0x1fa: {  	v50 =	vshll.u32 v15, $0x8;
	vm12 =	vge.s32 v15, v3;
	v57 =	vadd.s32 v53, v51  }
0x1fb: {  	vm10 =	vmand vm10, vm11;
	v18 =	vadd.s32 v50, v18;
	v58 =	vadd.s32 v2, v13;
	[tilespmem:v27+s19+$0x0] =	vst.idx.add.f32.msk vm7, v6  }
0x1fc: {  	v59 =	vnsel vm10, $0x0, v47;
	v22 =	vadd.s32 v2, v46;
	vm7 =	vge.s32 v16, v3;
	[tilespmem:v8+s19+$0x0] =	vst.idx.add.f32.msk vm4, v6  }
0x1fd: {  	v56 =	vshll.u32 v48, $0x8;
	vm14 =	vge.s32 v48, v3;
	vm15 =	vlt.s32 v48, v4;
	[tilespmem:v9+s19+$0x0] =	vst.idx.add.f32.msk vm0, v6  }
0x1fe: {  	v61 =	vshll.u32 v54, $0x8;
	v62 =	vadd.s32 v2, v55;
	v63 =	vshll.u32 v52, $0x8;
	[tilespmem:v7+s19+$0x0] =	vst.idx.add.f32.msk vm1, v6  }
0x1ff: {  	v8 =	vnsel vm6, $0x0, v49;
	vm4 =	vmand vm7, vm13;
	vm13 =	vlt.s32 v15, v4;
	[tilespmem:v10+s19+$0x0] =	vst.idx.add.f32.msk vm2, v6  }
0x200: {  	v12 =	vadd.s32 v56, v58;
	vm0 =	vmand vm12, vm13;
	v9 =	vnsel vm4, $0x0, v57;
	[tilespmem:v23+s19+$0x0] =	vst.idx.add.f32.msk vm8, v6  }
0x201: {  	vm12 =	vlt.s32 v54, v4;
	vm13 =	vge.s32 v54, v3;
	v7 =	vnsel vm0, $0x0, v18;
	[tilespmem:v20+s19+$0x0] =	vst.idx.add.f32.msk vm3, v6  }
0x202: {  	vm1 =	vmand vm14, vm15;
	vm14 =	vge.s32 v52, v3;
	vm15 =	vlt.s32 v52, v4;
	[tilespmem:v45+s19+$0x0] =	vst.idx.add.f32.msk vm5, v6  }
0x203: {  	v60 =	vnsel vm1, $0x0, v12;
	v12 =	vadd.s32 v61, v62;
	vm2 =	vmand vm13, vm12;
	[tilespmem:v24+s19+$0x0] =	vst.idx.add.f32.msk vm9, v6  }
0x204: {  	v13 =	vadd.s32 v63, v22;
	v12 =	vnsel vm2, $0x0, v12;
	vm3 =	vmand vm14, vm15;
	[tilespmem:v8+s19+$0x0] =	vst.idx.add.f32.msk vm6, v6  }
0x205: {  	v8 =	vnsel vm3, $0x0, v13;
	[tilespmem:v59+s19+$0x0] =	vst.idx.add.f32.msk vm10, v6  }
.Ltmp10:
0x206: {  	[tilespmem:v9+s19+$0x0] =	vst.idx.add.f32.msk vm4, v6;
	(pc) =	sbr.rel @p0 .LBB2_19-.Ltmp10, $4  }
0x207: {  	[tilespmem:v7+s19+$0x0] =	vst.idx.add.f32.msk vm0, v6  }
0x208: {  	[tilespmem:v60+s19+$0x0] =	vst.idx.add.f32.msk vm1, v6  }
0x209: {  	[tilespmem:v12+s19+$0x0] =	vst.idx.add.f32.msk vm2, v6  }
0x20a: {  	[tilespmem:v8+s19+$0x0] =	vst.idx.add.f32.msk vm3, v6  }
.Ltmp11:
0x20b: {  	s25 =	sadd.s32 $0xC00, s25;
	(pc) =	sbr.rel .LBB2_13-.Ltmp11, $4  }
0x20c: {  	s26 =	sadd.s32 s3, s25  }
0x20d: {  	[tilespmem:s15], [sflag:$0x3] =	stream.linear.gather [hbm4b:s26+s6], $0x2000, $0x38;
	[tilespmem:$0x18000] =	vst v63  }
0x20e: {  	s24 =	sadd.s32 $0x1, s24;
	s25 =	sadd.s32 s4, s25  }
0x20f: {  	[tilespmem:s16], [sflag:$0x4] =	stream.linear.gather [hbm4b:s25+s6], $0x2000, $0x38;
	[tilespmem:$0x18000] =	vst v63  }
.LBB2_20:
0x210: {  	_ =	sfence.sel $0x180000  }
0x211: {  	[bflag:$0x0] =	sbarrier.arrive $0xFFFF  }
0x212: {  	p0 =	sne.s32 s2, $0x0;
	_ =	strace $0x90000047  }
0x213: {  	s0 =	sadd.s32 @!p0 $0x100000, s5;
	[bflag:$0x2] =	sbarrier.arrive $0xFFFF  }
0x214: {  	[sflag:s0] =	ssyncadd.tile.s32 @!p0 $0x1;
	_ =	shalt  }
.Lfunc_end2:
_tile_overlayer_lowered:
.L_overlay_start_2:
0x215: {  	(tag) =	ssettag $0x2  }
0x216: {  	s0 =	rddreg [dreg:$0x0];
	s2 =	stileid.u32  }
0x217: {  	s1 =	rddreg [dreg:$0x1];
	p0 =	sne.s32 s2, $0x0  }
0x218: {  	s3 =	rddreg [dreg:$0x2];
	[bflag:$0x3] =	sbarrier.arrive $0xFFFF;
	s2 =	simm.s32 @!p0 $0x1C05  }
0x219: {  	[timem:s3], [sflag:s2] =	dma.local @!p0 [hbm:s0], s1  }
0x21a: {  	s0 =	simm.s32 @!p0 $0x5  }
0x21b: {  	_ =	swait.ge @!p0 [sflag:s0], s1  }
0x21c: {  	s1 =	ssub.s32 @!p0 $0x0, s1;
	[sflag:s0] =	ssyncset.done @!p0 $0x0  }
0x21d: {  	[sflag:s0] =	ssyncadd.s32 @!p0 s1  }
0x21e: {  	[bflag:$0x3] =	sbarrier.arrive $0xFFFF  }
0x21f: {  	_ =	shalt  }

</sc_bundles>
